<compile_context>
chip_gen: v7x
topology: tpu7x:2x2x1
jax: 0.10.2.dev20260603
libtpu: 0.0.44.dev20260713+nightly
codegen_flags: <defaults>
</compile_context>

<pallas_src>
import functools

import jax
import jax.numpy as jnp
from jax import lax
from jax.experimental import pallas as pl
from jax.experimental.pallas import tpu as pltpu
from jax.experimental.pallas import tpu_sc as plsc

_NUM_USER = 1000000
_NUM_LIST = 100000
_D = 16
_NC = 2
_NS = 16
_NW = _NC * _NS
_G = 16
_H = _G // 2


@functools.lru_cache(maxsize=None)
def _build(B: int, V: int):
    assert B % (_NW * _G) == 0
    bpw = B // _NW
    n_groups = bpw // _G
    mesh = plsc.VectorSubcoreMesh(core_axis_name="c", subcore_axis_name="s")

    @functools.partial(
        pl.kernel,
        out_type=jax.ShapeDtypeStruct((B,), jnp.float32),
        mesh=mesh,
        compiler_params=pltpu.CompilerParams(
            needs_layout_passes=False,
            use_tc_tiling_on_sc=True,
            disable_bounds_checks=True,
        ),
        scratch_types=[
            pltpu.VMEM((bpw,), jnp.int32),
            pltpu.VMEM((bpw,), jnp.int32),
            pltpu.VMEM((_G * _D, 128), jnp.float32),
            pltpu.VMEM((_G * _D, 128), jnp.float32),
            pltpu.VMEM((_D,), jnp.float32),
            pltpu.VMEM((_D,), jnp.float32),
            pltpu.VMEM((bpw,), jnp.float32),
            pltpu.SemaphoreType.DMA,
            pltpu.SemaphoreType.DMA,
        ],
    )
    def gmf(tt_hbm, lidx_hbm, iidx_hbm, w_hbm, b_hbm, out_hbm,
            li_v, ii_v, ringl_v, ringi_v, w_v, b_v, out_v, sema, semb):
        wid = lax.axis_index("s") * _NC + lax.axis_index("c")
        base = wid * bpw

        pltpu.sync_copy(lidx_hbm.at[pl.ds(base, bpw)], li_v)
        pltpu.sync_copy(iidx_hbm.at[pl.ds(base, bpw)], ii_v)
        pltpu.sync_copy(w_hbm, w_v)
        pltpu.sync_copy(b_hbm, b_v)

        wvec = w_v[...]
        iota = lax.iota(jnp.int32, _D)
        lane15 = iota == 15
        sems = [sema, semb]

        def load_idx(g):
            ivl = li_v[pl.ds(g * _G, _G)] + _NUM_USER
            ivi = ii_v[pl.ds(g * _G, _G)] + (_NUM_USER + _NUM_LIST)
            return ivl, ivi

        def fire_half(ivl, ivi, half, s):
            for j in range(_H):
                k = half * _H + j
                cl = pl.multiple_of((ivl[k] >> 7) * 128, 128)
                ci = pl.multiple_of((ivi[k] >> 7) * 128, 128)
                pltpu.async_copy(
                    tt_hbm.at[:, pl.ds(cl, 128)],
                    ringl_v.at[pl.ds(k * _D, _D), :], s)
                pltpu.async_copy(
                    tt_hbm.at[:, pl.ds(ci, 128)],
                    ringi_v.at[pl.ds(k * _D, _D), :], s)

        def wait_half(s):
            for j in range(_H):
                pltpu.make_async_copy(
                    tt_hbm.at[:, pl.ds(0, 128)],
                    ringl_v.at[pl.ds(0, _D), :], s).wait()
                pltpu.make_async_copy(
                    tt_hbm.at[:, pl.ds(0, 128)],
                    ringi_v.at[pl.ds(0, _D), :], s).wait()

        def compute_half(ivl, ivi, g, half):
            lanes_l = ivl & 127
            lanes_i = ivi & 127
            for j in range(_H):
                k = half * _H + j
                rows = k * _D + iota
                vl = plsc.load_gather(ringl_v, [rows, 0 * rows + lanes_l[k]])
                vi = plsc.load_gather(ringi_v, [rows, 0 * rows + lanes_i[k]])
                csum = jnp.cumsum(vl * vi * wvec)
                plsc.store_scatter(
                    out_v, [0 * rows + (g * _G + k)], csum, mask=lane15)

        def group(g, carry):
            ivl, ivi = load_idx(g)
            for half in range(2):
                wait_half(sems[half])
                compute_half(ivl, ivi, g, half)

                @pl.when(g < n_groups - 1)
                def _():
                    nivl, nivi = load_idx(g + 1)
                    fire_half(nivl, nivi, half, sems[half])

            return carry

        ivl0, ivi0 = load_idx(0)
        fire_half(ivl0, ivi0, 0, sema)
        fire_half(ivl0, ivi0, 1, semb)
        lax.fori_loop(0, n_groups, group, 0)

        bias = b_v[...]

        def sigm(q, carry):
            sl = pl.ds(q * _D, _D)
            x = out_v[sl] + bias
            out_v[sl] = 1.0 / (1.0 + jnp.exp(-x))
            return carry

        lax.fori_loop(0, bpw // _D, sigm, 0)

        pltpu.sync_copy(out_v, out_hbm.at[pl.ds(base, bpw)])

    return gmf


def kernel(user_indices, list_indices, item_indices, table, fc1_w, fc1_b):
    del user_indices
    B = list_indices.shape[0]
    fn = _build(B, table.shape[0])
    w_flat = fc1_w.reshape(_D).astype(jnp.float32)
    b_vec = jnp.broadcast_to(fc1_b.astype(jnp.float32), (_D,))
    return fn(
        table.T,
        list_indices.astype(jnp.int32),
        item_indices.astype(jnp.int32),
        w_flat,
        b_vec,
    )

# --- scband reference (transcript-rebuilt; emitter-appended) ---
"""Pipeline reference for scband-gmf-41386304864513 (READ-ONLY COPY).

The authoritative reference and input builder live on the scoring server;
editing this copy changes nothing except your own understanding.
"""

import jax, jax.numpy as jnp
import numpy as np

NUM_USER = 1000000
NUM_LIST = 100000
NUM_ITEM = 1000000
D = 16
B = 16384


def setup_inputs(seed: int = 0) -> dict:
    key = jax.random.key(seed)
    k1, k2, k3, k4, k5 = jax.random.split(key, 5)
    user_indices = jax.random.randint(k1, (B,), 0, NUM_USER)
    list_indices = jax.random.randint(k2, (B,), 0, NUM_LIST)
    item_indices = jax.random.randint(k3, (B,), 0, NUM_ITEM)
    # learned params: shared embedding table and fc1 Linear(num_factors, 1)
    table = (jax.random.normal(k4, (NUM_USER + NUM_LIST + NUM_ITEM, D), dtype=jnp.float32) * 0.02)
    # emulate the zeroed padding rows from the torch init
    table = table.at[0].set(0.0)
    table = table.at[NUM_USER].set(0.0)
    table = table.at[NUM_USER + NUM_LIST].set(0.0)
    fc1_w = jax.random.normal(k5, (1, D), dtype=jnp.float32) * 0.1
    fc1_b = jnp.zeros((1,), dtype=jnp.float32)
    return {
        'user_indices': user_indices,
        'list_indices': list_indices,
        'item_indices': item_indices,
        'table': table,
        'fc1_w': fc1_w,
        'fc1_b': fc1_b,
    }


def reference(user_indices, list_indices, item_indices, table, fc1_w, fc1_b):
    # forward: offsets list/item indices into the shared table, then get_emb_list
    x = jnp.concatenate(
        [
            user_indices.reshape(-1, 1),
            list_indices.reshape(-1, 1) + NUM_USER,
            item_indices.reshape(-1, 1) + NUM_USER + NUM_LIST,
        ],
        axis=1,
    )  # [B, 3]
    emb = jnp.take(table, x, axis=0)  # [B, 3, D] gather
    output = emb[:, 1] * emb[:, 2]    # list * item elementwise (GMF)
    # dropout with keep_prob=1.0 (eval) is identity
    logits = output @ fc1_w.T + fc1_b  # [B, 1]
    return jax.nn.sigmoid(logits.reshape(-1))

if __name__ == "__main__":
    import jax
    _d = setup_inputs()
    print(jax.jit(kernel)(*tuple(_d.values())))

</pallas_src>

<mosaic_0001>
#map = affine_map<(d0, d1) -> (0, 0)>
#map1 = affine_map<(d0, d1) -> (0)>
module attributes {stable_mosaic.version = 14 : i64} {
  func.func @gmf(%arg0: i32, %arg1: i32, %arg2: memref<16x2100000xf32, #tpu.memory_space<hbm>>, %arg3: memref<16384xi32, #tpu.memory_space<hbm>>, %arg4: memref<16384xi32, #tpu.memory_space<hbm>>, %arg5: memref<16xf32, #tpu.memory_space<hbm>>, %arg6: memref<16xf32, #tpu.memory_space<hbm>>, %arg7: memref<16384xf32, #tpu.memory_space<hbm>>, %arg8: memref<512xi32, #tpu.memory_space<vmem>>, %arg9: memref<512xi32, #tpu.memory_space<vmem>>, %arg10: memref<256x128xf32, #tpu.memory_space<vmem>>, %arg11: memref<256x128xf32, #tpu.memory_space<vmem>>, %arg12: memref<16xf32, #tpu.memory_space<vmem>>, %arg13: memref<16xf32, #tpu.memory_space<vmem>>, %arg14: memref<512xf32, #tpu.memory_space<vmem>>, %arg15: memref<!tpu.dma_semaphore, #tpu.memory_space<semaphore_mem>>, %arg16: memref<!tpu.dma_semaphore, #tpu.memory_space<semaphore_mem>>) attributes {dimension_semantics = [#tpu.dimension_semantics<core_parallel>, #tpu.dimension_semantics<subcore_parallel>], iteration_bounds = array<i64: 2, 16>, scalar_prefetch = 0 : i64, scratch_operands = 9 : i64, tpu.core_type = #tpu.core_type<sc_vector_subcore>, window_params = [{transform_indices = #map}, {transform_indices = #map1}, {transform_indices = #map1}, {transform_indices = #map1}, {transform_indices = #map1}, {transform_indices = #map1}]} {
    %mul3A = arith.constant 2 : i32
    %mul3A_0 = arith.muli %arg1, %mul3A : i32
    %add3A = arith.addi %mul3A_0, %arg0 : i32
    %mul3A_1 = arith.constant 512 : i32
    %mul3A_2 = arith.muli %add3A, %mul3A_1 : i32
    "tpu.region"() ({
      %run_scoped3A = tpu.sem_alloc : memref<!tpu.dma_semaphore, #tpu.memory_space<semaphore_mem>>
      %dma_start3A_568 = tpu.memref_slice %arg3[%mul3A_2] : memref<16384xi32, #tpu.memory_space<hbm>> -> memref<512xi32, #tpu.memory_space<hbm>>
      %dma_start3A_569 = tpu.memref_slice %arg3[%mul3A_2] : memref<16384xi32, #tpu.memory_space<hbm>> -> memref<512xi32, #tpu.memory_space<hbm>>
      tpu.enqueue_dma source(%dma_start3A_569 : memref<512xi32, #tpu.memory_space<hbm>>) target(%arg8 : memref<512xi32, #tpu.memory_space<vmem>>) target_semaphore(%run_scoped3A : memref<!tpu.dma_semaphore, #tpu.memory_space<semaphore_mem>>)
      %dma_wait3A = tpu.memref_slice %arg3[%mul3A_2] : memref<16384xi32, #tpu.memory_space<hbm>> -> memref<512xi32, #tpu.memory_space<hbm>>
      %dma_wait3A_570 = tpu.memref_slice %arg3[%mul3A_2] : memref<16384xi32, #tpu.memory_space<hbm>> -> memref<512xi32, #tpu.memory_space<hbm>>
      tpu.wait_dma2 semaphore(%run_scoped3A : memref<!tpu.dma_semaphore, #tpu.memory_space<semaphore_mem>>) src(%dma_wait3A_570 : memref<512xi32, #tpu.memory_space<hbm>>) dst(%arg8 : memref<512xi32, #tpu.memory_space<vmem>>)
      tpu.yield
    }) : () -> ()
    "tpu.region"() ({
      %run_scoped3A = tpu.sem_alloc : memref<!tpu.dma_semaphore, #tpu.memory_space<semaphore_mem>>
      %dma_start3A_568 = tpu.memref_slice %arg4[%mul3A_2] : memref<16384xi32, #tpu.memory_space<hbm>> -> memref<512xi32, #tpu.memory_space<hbm>>
      %dma_start3A_569 = tpu.memref_slice %arg4[%mul3A_2] : memref<16384xi32, #tpu.memory_space<hbm>> -> memref<512xi32, #tpu.memory_space<hbm>>
      tpu.enqueue_dma source(%dma_start3A_569 : memref<512xi32, #tpu.memory_space<hbm>>) target(%arg9 : memref<512xi32, #tpu.memory_space<vmem>>) target_semaphore(%run_scoped3A : memref<!tpu.dma_semaphore, #tpu.memory_space<semaphore_mem>>)
      %dma_wait3A = tpu.memref_slice %arg4[%mul3A_2] : memref<16384xi32, #tpu.memory_space<hbm>> -> memref<512xi32, #tpu.memory_space<hbm>>
      %dma_wait3A_570 = tpu.memref_slice %arg4[%mul3A_2] : memref<16384xi32, #tpu.memory_space<hbm>> -> memref<512xi32, #tpu.memory_space<hbm>>
      tpu.wait_dma2 semaphore(%run_scoped3A : memref<!tpu.dma_semaphore, #tpu.memory_space<semaphore_mem>>) src(%dma_wait3A_570 : memref<512xi32, #tpu.memory_space<hbm>>) dst(%arg9 : memref<512xi32, #tpu.memory_space<vmem>>)
      tpu.yield
    }) : () -> ()
    "tpu.region"() ({
      %run_scoped3A = tpu.sem_alloc : memref<!tpu.dma_semaphore, #tpu.memory_space<semaphore_mem>>
      tpu.enqueue_dma source(%arg5 : memref<16xf32, #tpu.memory_space<hbm>>) target(%arg12 : memref<16xf32, #tpu.memory_space<vmem>>) target_semaphore(%run_scoped3A : memref<!tpu.dma_semaphore, #tpu.memory_space<semaphore_mem>>)
      tpu.wait_dma2 semaphore(%run_scoped3A : memref<!tpu.dma_semaphore, #tpu.memory_space<semaphore_mem>>) src(%arg5 : memref<16xf32, #tpu.memory_space<hbm>>) dst(%arg12 : memref<16xf32, #tpu.memory_space<vmem>>)
      tpu.yield
    }) : () -> ()
    "tpu.region"() ({
      %run_scoped3A = tpu.sem_alloc : memref<!tpu.dma_semaphore, #tpu.memory_space<semaphore_mem>>
      tpu.enqueue_dma source(%arg6 : memref<16xf32, #tpu.memory_space<hbm>>) target(%arg13 : memref<16xf32, #tpu.memory_space<vmem>>) target_semaphore(%run_scoped3A : memref<!tpu.dma_semaphore, #tpu.memory_space<semaphore_mem>>)
      tpu.wait_dma2 semaphore(%run_scoped3A : memref<!tpu.dma_semaphore, #tpu.memory_space<semaphore_mem>>) src(%arg6 : memref<16xf32, #tpu.memory_space<hbm>>) dst(%arg13 : memref<16xf32, #tpu.memory_space<vmem>>)
      tpu.yield
    }) : () -> ()
    %get3A = arith.constant 0 : index
    %get3A_3 = tpu.vector_load %arg12[%get3A] {strides = array<i32>} : memref<16xf32, #tpu.memory_space<vmem>>, vector<16xf32>,
    %iota3A = tpu.iota {dimensions = array<i32: 0>} : vector<16xi32>
    %eq3A = arith.constant 15 : i32
    %eq3A_4 = vector.broadcast %eq3A : i32 to vector<16xi32>
    %eq3A_5 = arith.cmpi eq, %iota3A, %eq3A_4 : vector<16xi32>
    %get3A_6 = arith.constant 0 : index
    %get3A_7 = tpu.vector_load %arg8[%get3A_6] {strides = array<i32>} : memref<512xi32, #tpu.memory_space<vmem>>, vector<16xi32>,
    %add3A_8 = arith.constant 1000000 : i32
    %add3A_9 = vector.broadcast %add3A_8 : i32 to vector<16xi32>
    %add3A_10 = arith.addi %get3A_7, %add3A_9 : vector<16xi32>
    %get3A_11 = arith.constant 0 : index
    %get3A_12 = tpu.vector_load %arg9[%get3A_11] {strides = array<i32>} : memref<512xi32, #tpu.memory_space<vmem>>, vector<16xi32>,
    %add3A_13 = arith.constant 1100000 : i32
    %add3A_14 = vector.broadcast %add3A_13 : i32 to vector<16xi32>
    %add3A_15 = arith.addi %get3A_12, %add3A_14 : vector<16xi32>
    %slice3A = vector.extract_strided_slice %add3A_10 {offsets = [0], sizes = [1], strides = [1]} : vector<16xi32> to vector<1xi32>
    %squeeze3A = vector.extract %slice3A[0] : i32 from vector<1xi32>
    %shift_right_arithmetic3A = arith.constant 7 : i32
    %shift_right_arithmetic3A_16 = arith.shrsi %squeeze3A, %shift_right_arithmetic3A : i32
    %mul3A_17 = arith.constant 128 : i32
    %mul3A_18 = arith.muli %shift_right_arithmetic3A_16, %mul3A_17 : i32
    %multiple_of3A = tpu.assume_multiple %mul3A_18, 128 : i32
    %slice3A_19 = vector.extract_strided_slice %add3A_15 {offsets = [0], sizes = [1], strides = [1]} : vector<16xi32> to vector<1xi32>
    %squeeze3A_20 = vector.extract %slice3A_19[0] : i32 from vector<1xi32>
    %shift_right_arithmetic3A_21 = arith.constant 7 : i32
    %shift_right_arithmetic3A_22 = arith.shrsi %squeeze3A_20, %shift_right_arithmetic3A_21 : i32
    %mul3A_23 = arith.constant 128 : i32
    %mul3A_24 = arith.muli %shift_right_arithmetic3A_22, %mul3A_23 : i32
    %multiple_of3A_25 = tpu.assume_multiple %mul3A_24, 128 : i32
    %dma_start3A = arith.constant 0 : i32
    %dma_start3A_26 = arith.constant 0 : i32
    %dma_start3A_27 = tpu.memref_slice %arg10[%dma_start3A, %dma_start3A_26] : memref<256x128xf32, #tpu.memory_space<vmem>> -> memref<16x128xf32, #tpu.memory_space<vmem>>
    %dma_start3A_28 = arith.constant 0 : i32
    %dma_start3A_29 = tpu.memref_slice %arg2[%dma_start3A_28, %multiple_of3A] : memref<16x2100000xf32, #tpu.memory_space<hbm>> -> memref<16x128xf32, #tpu.memory_space<hbm>>
    %dma_start3A_30 = arith.constant 0 : i32
    %dma_start3A_31 = arith.constant 0 : i32
    %dma_start3A_32 = tpu.memref_slice %arg10[%dma_start3A_30, %dma_start3A_31] : memref<256x128xf32, #tpu.memory_space<vmem>> -> memref<16x128xf32, #tpu.memory_space<vmem>>
    %dma_start3A_33 = arith.constant 0 : i32
    %dma_start3A_34 = tpu.memref_slice %arg2[%dma_start3A_33, %multiple_of3A] : memref<16x2100000xf32, #tpu.memory_space<hbm>> -> memref<16x128xf32, #tpu.memory_space<hbm>>
    tpu.enqueue_dma source(%dma_start3A_34 : memref<16x128xf32, #tpu.memory_space<hbm>>) target(%dma_start3A_32 : memref<16x128xf32, #tpu.memory_space<vmem>>) target_semaphore(%arg15 : memref<!tpu.dma_semaphore, #tpu.memory_space<semaphore_mem>>)
    %dma_start3A_35 = arith.constant 0 : i32
    %dma_start3A_36 = arith.constant 0 : i32
    %dma_start3A_37 = tpu.memref_slice %arg11[%dma_start3A_35, %dma_start3A_36] : memref<256x128xf32, #tpu.memory_space<vmem>> -> memref<16x128xf32, #tpu.memory_space<vmem>>
    %dma_start3A_38 = arith.constant 0 : i32
    %dma_start3A_39 = tpu.memref_slice %arg2[%dma_start3A_38, %multiple_of3A_25] : memref<16x2100000xf32, #tpu.memory_space<hbm>> -> memref<16x128xf32, #tpu.memory_space<hbm>>
    %dma_start3A_40 = arith.constant 0 : i32
    %dma_start3A_41 = arith.constant 0 : i32
    %dma_start3A_42 = tpu.memref_slice %arg11[%dma_start3A_40, %dma_start3A_41] : memref<256x128xf32, #tpu.memory_space<vmem>> -> memref<16x128xf32, #tpu.memory_space<vmem>>
    %dma_start3A_43 = arith.constant 0 : i32
    %dma_start3A_44 = tpu.memref_slice %arg2[%dma_start3A_43, %multiple_of3A_25] : memref<16x2100000xf32, #tpu.memory_space<hbm>> -> memref<16x128xf32, #tpu.memory_space<hbm>>
    tpu.enqueue_dma source(%dma_start3A_44 : memref<16x128xf32, #tpu.memory_space<hbm>>) target(%dma_start3A_42 : memref<16x128xf32, #tpu.memory_space<vmem>>) target_semaphore(%arg15 : memref<!tpu.dma_semaphore, #tpu.memory_space<semaphore_mem>>)
    %slice3A_45 = vector.extract_strided_slice %add3A_10 {offsets = [1], sizes = [1], strides = [1]} : vector<16xi32> to vector<1xi32>
    %squeeze3A_46 = vector.extract %slice3A_45[0] : i32 from vector<1xi32>
    %shift_right_arithmetic3A_47 = arith.constant 7 : i32
    %shift_right_arithmetic3A_48 = arith.shrsi %squeeze3A_46, %shift_right_arithmetic3A_47 : i32
    %mul3A_49 = arith.constant 128 : i32
    %mul3A_50 = arith.muli %shift_right_arithmetic3A_48, %mul3A_49 : i32
    %multiple_of3A_51 = tpu.assume_multiple %mul3A_50, 128 : i32
    %slice3A_52 = vector.extract_strided_slice %add3A_15 {offsets = [1], sizes = [1], strides = [1]} : vector<16xi32> to vector<1xi32>
    %squeeze3A_53 = vector.extract %slice3A_52[0] : i32 from vector<1xi32>
    %shift_right_arithmetic3A_54 = arith.constant 7 : i32
    %shift_right_arithmetic3A_55 = arith.shrsi %squeeze3A_53, %shift_right_arithmetic3A_54 : i32
    %mul3A_56 = arith.constant 128 : i32
    %mul3A_57 = arith.muli %shift_right_arithmetic3A_55, %mul3A_56 : i32
    %multiple_of3A_58 = tpu.assume_multiple %mul3A_57, 128 : i32
    %dma_start3A_59 = arith.constant 16 : i32
    %dma_start3A_60 = arith.constant 0 : i32
    %dma_start3A_61 = tpu.memref_slice %arg10[%dma_start3A_59, %dma_start3A_60] : memref<256x128xf32, #tpu.memory_space<vmem>> -> memref<16x128xf32, #tpu.memory_space<vmem>>
    %dma_start3A_62 = arith.constant 0 : i32
    %dma_start3A_63 = tpu.memref_slice %arg2[%dma_start3A_62, %multiple_of3A_51] : memref<16x2100000xf32, #tpu.memory_space<hbm>> -> memref<16x128xf32, #tpu.memory_space<hbm>>
    %dma_start3A_64 = arith.constant 16 : i32
    %dma_start3A_65 = arith.constant 0 : i32
    %dma_start3A_66 = tpu.memref_slice %arg10[%dma_start3A_64, %dma_start3A_65] : memref<256x128xf32, #tpu.memory_space<vmem>> -> memref<16x128xf32, #tpu.memory_space<vmem>>
    %dma_start3A_67 = arith.constant 0 : i32
    %dma_start3A_68 = tpu.memref_slice %arg2[%dma_start3A_67, %multiple_of3A_51] : memref<16x2100000xf32, #tpu.memory_space<hbm>> -> memref<16x128xf32, #tpu.memory_space<hbm>>
    tpu.enqueue_dma source(%dma_start3A_68 : memref<16x128xf32, #tpu.memory_space<hbm>>) target(%dma_start3A_66 : memref<16x128xf32, #tpu.memory_space<vmem>>) target_semaphore(%arg15 : memref<!tpu.dma_semaphore, #tpu.memory_space<semaphore_mem>>)
    %dma_start3A_69 = arith.constant 16 : i32
    %dma_start3A_70 = arith.constant 0 : i32
    %dma_start3A_71 = tpu.memref_slice %arg11[%dma_start3A_69, %dma_start3A_70] : memref<256x128xf32, #tpu.memory_space<vmem>> -> memref<16x128xf32, #tpu.memory_space<vmem>>
    %dma_start3A_72 = arith.constant 0 : i32
    %dma_start3A_73 = tpu.memref_slice %arg2[%dma_start3A_72, %multiple_of3A_58] : memref<16x2100000xf32, #tpu.memory_space<hbm>> -> memref<16x128xf32, #tpu.memory_space<hbm>>
    %dma_start3A_74 = arith.constant 16 : i32
    %dma_start3A_75 = arith.constant 0 : i32
    %dma_start3A_76 = tpu.memref_slice %arg11[%dma_start3A_74, %dma_start3A_75] : memref<256x128xf32, #tpu.memory_space<vmem>> -> memref<16x128xf32, #tpu.memory_space<vmem>>
    %dma_start3A_77 = arith.constant 0 : i32
    %dma_start3A_78 = tpu.memref_slice %arg2[%dma_start3A_77, %multiple_of3A_58] : memref<16x2100000xf32, #tpu.memory_space<hbm>> -> memref<16x128xf32, #tpu.memory_space<hbm>>
    tpu.enqueue_dma source(%dma_start3A_78 : memref<16x128xf32, #tpu.memory_space<hbm>>) target(%dma_start3A_76 : memref<16x128xf32, #tpu.memory_space<vmem>>) target_semaphore(%arg15 : memref<!tpu.dma_semaphore, #tpu.memory_space<semaphore_mem>>)
    %slice3A_79 = vector.extract_strided_slice %add3A_10 {offsets = [2], sizes = [1], strides = [1]} : vector<16xi32> to vector<1xi32>
    %squeeze3A_80 = vector.extract %slice3A_79[0] : i32 from vector<1xi32>
    %shift_right_arithmetic3A_81 = arith.constant 7 : i32
    %shift_right_arithmetic3A_82 = arith.shrsi %squeeze3A_80, %shift_right_arithmetic3A_81 : i32
    %mul3A_83 = arith.constant 128 : i32
    %mul3A_84 = arith.muli %shift_right_arithmetic3A_82, %mul3A_83 : i32
    %multiple_of3A_85 = tpu.assume_multiple %mul3A_84, 128 : i32
    %slice3A_86 = vector.extract_strided_slice %add3A_15 {offsets = [2], sizes = [1], strides = [1]} : vector<16xi32> to vector<1xi32>
    %squeeze3A_87 = vector.extract %slice3A_86[0] : i32 from vector<1xi32>
    %shift_right_arithmetic3A_88 = arith.constant 7 : i32
    %shift_right_arithmetic3A_89 = arith.shrsi %squeeze3A_87, %shift_right_arithmetic3A_88 : i32
    %mul3A_90 = arith.constant 128 : i32
    %mul3A_91 = arith.muli %shift_right_arithmetic3A_89, %mul3A_90 : i32
    %multiple_of3A_92 = tpu.assume_multiple %mul3A_91, 128 : i32
    %dma_start3A_93 = arith.constant 32 : i32
    %dma_start3A_94 = arith.constant 0 : i32
    %dma_start3A_95 = tpu.memref_slice %arg10[%dma_start3A_93, %dma_start3A_94] : memref<256x128xf32, #tpu.memory_space<vmem>> -> memref<16x128xf32, #tpu.memory_space<vmem>>
    %dma_start3A_96 = arith.constant 0 : i32
    %dma_start3A_97 = tpu.memref_slice %arg2[%dma_start3A_96, %multiple_of3A_85] : memref<16x2100000xf32, #tpu.memory_space<hbm>> -> memref<16x128xf32, #tpu.memory_space<hbm>>
    %dma_start3A_98 = arith.constant 32 : i32
    %dma_start3A_99 = arith.constant 0 : i32
    %dma_start3A_100 = tpu.memref_slice %arg10[%dma_start3A_98, %dma_start3A_99] : memref<256x128xf32, #tpu.memory_space<vmem>> -> memref<16x128xf32, #tpu.memory_space<vmem>>
    %dma_start3A_101 = arith.constant 0 : i32
    %dma_start3A_102 = tpu.memref_slice %arg2[%dma_start3A_101, %multiple_of3A_85] : memref<16x2100000xf32, #tpu.memory_space<hbm>> -> memref<16x128xf32, #tpu.memory_space<hbm>>
    tpu.enqueue_dma source(%dma_start3A_102 : memref<16x128xf32, #tpu.memory_space<hbm>>) target(%dma_start3A_100 : memref<16x128xf32, #tpu.memory_space<vmem>>) target_semaphore(%arg15 : memref<!tpu.dma_semaphore, #tpu.memory_space<semaphore_mem>>)
    %dma_start3A_103 = arith.constant 32 : i32
    %dma_start3A_104 = arith.constant 0 : i32
    %dma_start3A_105 = tpu.memref_slice %arg11[%dma_start3A_103, %dma_start3A_104] : memref<256x128xf32, #tpu.memory_space<vmem>> -> memref<16x128xf32, #tpu.memory_space<vmem>>
    %dma_start3A_106 = arith.constant 0 : i32
    %dma_start3A_107 = tpu.memref_slice %arg2[%dma_start3A_106, %multiple_of3A_92] : memref<16x2100000xf32, #tpu.memory_space<hbm>> -> memref<16x128xf32, #tpu.memory_space<hbm>>
    %dma_start3A_108 = arith.constant 32 : i32
    %dma_start3A_109 = arith.constant 0 : i32
    %dma_start3A_110 = tpu.memref_slice %arg11[%dma_start3A_108, %dma_start3A_109] : memref<256x128xf32, #tpu.memory_space<vmem>> -> memref<16x128xf32, #tpu.memory_space<vmem>>
    %dma_start3A_111 = arith.constant 0 : i32
    %dma_start3A_112 = tpu.memref_slice %arg2[%dma_start3A_111, %multiple_of3A_92] : memref<16x2100000xf32, #tpu.memory_space<hbm>> -> memref<16x128xf32, #tpu.memory_space<hbm>>
    tpu.enqueue_dma source(%dma_start3A_112 : memref<16x128xf32, #tpu.memory_space<hbm>>) target(%dma_start3A_110 : memref<16x128xf32, #tpu.memory_space<vmem>>) target_semaphore(%arg15 : memref<!tpu.dma_semaphore, #tpu.memory_space<semaphore_mem>>)
    %slice3A_113 = vector.extract_strided_slice %add3A_10 {offsets = [3], sizes = [1], strides = [1]} : vector<16xi32> to vector<1xi32>
    %squeeze3A_114 = vector.extract %slice3A_113[0] : i32 from vector<1xi32>
    %shift_right_arithmetic3A_115 = arith.constant 7 : i32
    %shift_right_arithmetic3A_116 = arith.shrsi %squeeze3A_114, %shift_right_arithmetic3A_115 : i32
    %mul3A_117 = arith.constant 128 : i32
    %mul3A_118 = arith.muli %shift_right_arithmetic3A_116, %mul3A_117 : i32
    %multiple_of3A_119 = tpu.assume_multiple %mul3A_118, 128 : i32
    %slice3A_120 = vector.extract_strided_slice %add3A_15 {offsets = [3], sizes = [1], strides = [1]} : vector<16xi32> to vector<1xi32>
    %squeeze3A_121 = vector.extract %slice3A_120[0] : i32 from vector<1xi32>
    %shift_right_arithmetic3A_122 = arith.constant 7 : i32
    %shift_right_arithmetic3A_123 = arith.shrsi %squeeze3A_121, %shift_right_arithmetic3A_122 : i32
    %mul3A_124 = arith.constant 128 : i32
    %mul3A_125 = arith.muli %shift_right_arithmetic3A_123, %mul3A_124 : i32
    %multiple_of3A_126 = tpu.assume_multiple %mul3A_125, 128 : i32
    %dma_start3A_127 = arith.constant 48 : i32
    %dma_start3A_128 = arith.constant 0 : i32
    %dma_start3A_129 = tpu.memref_slice %arg10[%dma_start3A_127, %dma_start3A_128] : memref<256x128xf32, #tpu.memory_space<vmem>> -> memref<16x128xf32, #tpu.memory_space<vmem>>
    %dma_start3A_130 = arith.constant 0 : i32
    %dma_start3A_131 = tpu.memref_slice %arg2[%dma_start3A_130, %multiple_of3A_119] : memref<16x2100000xf32, #tpu.memory_space<hbm>> -> memref<16x128xf32, #tpu.memory_space<hbm>>
    %dma_start3A_132 = arith.constant 48 : i32
    %dma_start3A_133 = arith.constant 0 : i32
    %dma_start3A_134 = tpu.memref_slice %arg10[%dma_start3A_132, %dma_start3A_133] : memref<256x128xf32, #tpu.memory_space<vmem>> -> memref<16x128xf32, #tpu.memory_space<vmem>>
    %dma_start3A_135 = arith.constant 0 : i32
    %dma_start3A_136 = tpu.memref_slice %arg2[%dma_start3A_135, %multiple_of3A_119] : memref<16x2100000xf32, #tpu.memory_space<hbm>> -> memref<16x128xf32, #tpu.memory_space<hbm>>
    tpu.enqueue_dma source(%dma_start3A_136 : memref<16x128xf32, #tpu.memory_space<hbm>>) target(%dma_start3A_134 : memref<16x128xf32, #tpu.memory_space<vmem>>) target_semaphore(%arg15 : memref<!tpu.dma_semaphore, #tpu.memory_space<semaphore_mem>>)
    %dma_start3A_137 = arith.constant 48 : i32
    %dma_start3A_138 = arith.constant 0 : i32
    %dma_start3A_139 = tpu.memref_slice %arg11[%dma_start3A_137, %dma_start3A_138] : memref<256x128xf32, #tpu.memory_space<vmem>> -> memref<16x128xf32, #tpu.memory_space<vmem>>
    %dma_start3A_140 = arith.constant 0 : i32
    %dma_start3A_141 = tpu.memref_slice %arg2[%dma_start3A_140, %multiple_of3A_126] : memref<16x2100000xf32, #tpu.memory_space<hbm>> -> memref<16x128xf32, #tpu.memory_space<hbm>>
    %dma_start3A_142 = arith.constant 48 : i32
    %dma_start3A_143 = arith.constant 0 : i32
    %dma_start3A_144 = tpu.memref_slice %arg11[%dma_start3A_142, %dma_start3A_143] : memref<256x128xf32, #tpu.memory_space<vmem>> -> memref<16x128xf32, #tpu.memory_space<vmem>>
    %dma_start3A_145 = arith.constant 0 : i32
    %dma_start3A_146 = tpu.memref_slice %arg2[%dma_start3A_145, %multiple_of3A_126] : memref<16x2100000xf32, #tpu.memory_space<hbm>> -> memref<16x128xf32, #tpu.memory_space<hbm>>
    tpu.enqueue_dma source(%dma_start3A_146 : memref<16x128xf32, #tpu.memory_space<hbm>>) target(%dma_start3A_144 : memref<16x128xf32, #tpu.memory_space<vmem>>) target_semaphore(%arg15 : memref<!tpu.dma_semaphore, #tpu.memory_space<semaphore_mem>>)
    %slice3A_147 = vector.extract_strided_slice %add3A_10 {offsets = [4], sizes = [1], strides = [1]} : vector<16xi32> to vector<1xi32>
    %squeeze3A_148 = vector.extract %slice3A_147[0] : i32 from vector<1xi32>
    %shift_right_arithmetic3A_149 = arith.constant 7 : i32
    %shift_right_arithmetic3A_150 = arith.shrsi %squeeze3A_148, %shift_right_arithmetic3A_149 : i32
    %mul3A_151 = arith.constant 128 : i32
    %mul3A_152 = arith.muli %shift_right_arithmetic3A_150, %mul3A_151 : i32
    %multiple_of3A_153 = tpu.assume_multiple %mul3A_152, 128 : i32
    %slice3A_154 = vector.extract_strided_slice %add3A_15 {offsets = [4], sizes = [1], strides = [1]} : vector<16xi32> to vector<1xi32>
    %squeeze3A_155 = vector.extract %slice3A_154[0] : i32 from vector<1xi32>
    %shift_right_arithmetic3A_156 = arith.constant 7 : i32
    %shift_right_arithmetic3A_157 = arith.shrsi %squeeze3A_155, %shift_right_arithmetic3A_156 : i32
    %mul3A_158 = arith.constant 128 : i32
    %mul3A_159 = arith.muli %shift_right_arithmetic3A_157, %mul3A_158 : i32
    %multiple_of3A_160 = tpu.assume_multiple %mul3A_159, 128 : i32
    %dma_start3A_161 = arith.constant 64 : i32
    %dma_start3A_162 = arith.constant 0 : i32
    %dma_start3A_163 = tpu.memref_slice %arg10[%dma_start3A_161, %dma_start3A_162] : memref<256x128xf32, #tpu.memory_space<vmem>> -> memref<16x128xf32, #tpu.memory_space<vmem>>
    %dma_start3A_164 = arith.constant 0 : i32
    %dma_start3A_165 = tpu.memref_slice %arg2[%dma_start3A_164, %multiple_of3A_153] : memref<16x2100000xf32, #tpu.memory_space<hbm>> -> memref<16x128xf32, #tpu.memory_space<hbm>>
    %dma_start3A_166 = arith.constant 64 : i32
    %dma_start3A_167 = arith.constant 0 : i32
    %dma_start3A_168 = tpu.memref_slice %arg10[%dma_start3A_166, %dma_start3A_167] : memref<256x128xf32, #tpu.memory_space<vmem>> -> memref<16x128xf32, #tpu.memory_space<vmem>>
    %dma_start3A_169 = arith.constant 0 : i32
    %dma_start3A_170 = tpu.memref_slice %arg2[%dma_start3A_169, %multiple_of3A_153] : memref<16x2100000xf32, #tpu.memory_space<hbm>> -> memref<16x128xf32, #tpu.memory_space<hbm>>
    tpu.enqueue_dma source(%dma_start3A_170 : memref<16x128xf32, #tpu.memory_space<hbm>>) target(%dma_start3A_168 : memref<16x128xf32, #tpu.memory_space<vmem>>) target_semaphore(%arg15 : memref<!tpu.dma_semaphore, #tpu.memory_space<semaphore_mem>>)
    %dma_start3A_171 = arith.constant 64 : i32
    %dma_start3A_172 = arith.constant 0 : i32
    %dma_start3A_173 = tpu.memref_slice %arg11[%dma_start3A_171, %dma_start3A_172] : memref<256x128xf32, #tpu.memory_space<vmem>> -> memref<16x128xf32, #tpu.memory_space<vmem>>
    %dma_start3A_174 = arith.constant 0 : i32
    %dma_start3A_175 = tpu.memref_slice %arg2[%dma_start3A_174, %multiple_of3A_160] : memref<16x2100000xf32, #tpu.memory_space<hbm>> -> memref<16x128xf32, #tpu.memory_space<hbm>>
    %dma_start3A_176 = arith.constant 64 : i32
    %dma_start3A_177 = arith.constant 0 : i32
    %dma_start3A_178 = tpu.memref_slice %arg11[%dma_start3A_176, %dma_start3A_177] : memref<256x128xf32, #tpu.memory_space<vmem>> -> memref<16x128xf32, #tpu.memory_space<vmem>>
    %dma_start3A_179 = arith.constant 0 : i32
    %dma_start3A_180 = tpu.memref_slice %arg2[%dma_start3A_179, %multiple_of3A_160] : memref<16x2100000xf32, #tpu.memory_space<hbm>> -> memref<16x128xf32, #tpu.memory_space<hbm>>
    tpu.enqueue_dma source(%dma_start3A_180 : memref<16x128xf32, #tpu.memory_space<hbm>>) target(%dma_start3A_178 : memref<16x128xf32, #tpu.memory_space<vmem>>) target_semaphore(%arg15 : memref<!tpu.dma_semaphore, #tpu.memory_space<semaphore_mem>>)
    %slice3A_181 = vector.extract_strided_slice %add3A_10 {offsets = [5], sizes = [1], strides = [1]} : vector<16xi32> to vector<1xi32>
    %squeeze3A_182 = vector.extract %slice3A_181[0] : i32 from vector<1xi32>
    %shift_right_arithmetic3A_183 = arith.constant 7 : i32
    %shift_right_arithmetic3A_184 = arith.shrsi %squeeze3A_182, %shift_right_arithmetic3A_183 : i32
    %mul3A_185 = arith.constant 128 : i32
    %mul3A_186 = arith.muli %shift_right_arithmetic3A_184, %mul3A_185 : i32
    %multiple_of3A_187 = tpu.assume_multiple %mul3A_186, 128 : i32
    %slice3A_188 = vector.extract_strided_slice %add3A_15 {offsets = [5], sizes = [1], strides = [1]} : vector<16xi32> to vector<1xi32>
    %squeeze3A_189 = vector.extract %slice3A_188[0] : i32 from vector<1xi32>
    %shift_right_arithmetic3A_190 = arith.constant 7 : i32
    %shift_right_arithmetic3A_191 = arith.shrsi %squeeze3A_189, %shift_right_arithmetic3A_190 : i32
    %mul3A_192 = arith.constant 128 : i32
    %mul3A_193 = arith.muli %shift_right_arithmetic3A_191, %mul3A_192 : i32
    %multiple_of3A_194 = tpu.assume_multiple %mul3A_193, 128 : i32
    %dma_start3A_195 = arith.constant 80 : i32
    %dma_start3A_196 = arith.constant 0 : i32
    %dma_start3A_197 = tpu.memref_slice %arg10[%dma_start3A_195, %dma_start3A_196] : memref<256x128xf32, #tpu.memory_space<vmem>> -> memref<16x128xf32, #tpu.memory_space<vmem>>
    %dma_start3A_198 = arith.constant 0 : i32
    %dma_start3A_199 = tpu.memref_slice %arg2[%dma_start3A_198, %multiple_of3A_187] : memref<16x2100000xf32, #tpu.memory_space<hbm>> -> memref<16x128xf32, #tpu.memory_space<hbm>>
    %dma_start3A_200 = arith.constant 80 : i32
    %dma_start3A_201 = arith.constant 0 : i32
    %dma_start3A_202 = tpu.memref_slice %arg10[%dma_start3A_200, %dma_start3A_201] : memref<256x128xf32, #tpu.memory_space<vmem>> -> memref<16x128xf32, #tpu.memory_space<vmem>>
    %dma_start3A_203 = arith.constant 0 : i32
    %dma_start3A_204 = tpu.memref_slice %arg2[%dma_start3A_203, %multiple_of3A_187] : memref<16x2100000xf32, #tpu.memory_space<hbm>> -> memref<16x128xf32, #tpu.memory_space<hbm>>
    tpu.enqueue_dma source(%dma_start3A_204 : memref<16x128xf32, #tpu.memory_space<hbm>>) target(%dma_start3A_202 : memref<16x128xf32, #tpu.memory_space<vmem>>) target_semaphore(%arg15 : memref<!tpu.dma_semaphore, #tpu.memory_space<semaphore_mem>>)
    %dma_start3A_205 = arith.constant 80 : i32
    %dma_start3A_206 = arith.constant 0 : i32
    %dma_start3A_207 = tpu.memref_slice %arg11[%dma_start3A_205, %dma_start3A_206] : memref<256x128xf32, #tpu.memory_space<vmem>> -> memref<16x128xf32, #tpu.memory_space<vmem>>
    %dma_start3A_208 = arith.constant 0 : i32
    %dma_start3A_209 = tpu.memref_slice %arg2[%dma_start3A_208, %multiple_of3A_194] : memref<16x2100000xf32, #tpu.memory_space<hbm>> -> memref<16x128xf32, #tpu.memory_space<hbm>>
    %dma_start3A_210 = arith.constant 80 : i32
    %dma_start3A_211 = arith.constant 0 : i32
    %dma_start3A_212 = tpu.memref_slice %arg11[%dma_start3A_210, %dma_start3A_211] : memref<256x128xf32, #tpu.memory_space<vmem>> -> memref<16x128xf32, #tpu.memory_space<vmem>>
    %dma_start3A_213 = arith.constant 0 : i32
    %dma_start3A_214 = tpu.memref_slice %arg2[%dma_start3A_213, %multiple_of3A_194] : memref<16x2100000xf32, #tpu.memory_space<hbm>> -> memref<16x128xf32, #tpu.memory_space<hbm>>
    tpu.enqueue_dma source(%dma_start3A_214 : memref<16x128xf32, #tpu.memory_space<hbm>>) target(%dma_start3A_212 : memref<16x128xf32, #tpu.memory_space<vmem>>) target_semaphore(%arg15 : memref<!tpu.dma_semaphore, #tpu.memory_space<semaphore_mem>>)
    %slice3A_215 = vector.extract_strided_slice %add3A_10 {offsets = [6], sizes = [1], strides = [1]} : vector<16xi32> to vector<1xi32>
    %squeeze3A_216 = vector.extract %slice3A_215[0] : i32 from vector<1xi32>
    %shift_right_arithmetic3A_217 = arith.constant 7 : i32
    %shift_right_arithmetic3A_218 = arith.shrsi %squeeze3A_216, %shift_right_arithmetic3A_217 : i32
    %mul3A_219 = arith.constant 128 : i32
    %mul3A_220 = arith.muli %shift_right_arithmetic3A_218, %mul3A_219 : i32
    %multiple_of3A_221 = tpu.assume_multiple %mul3A_220, 128 : i32
    %slice3A_222 = vector.extract_strided_slice %add3A_15 {offsets = [6], sizes = [1], strides = [1]} : vector<16xi32> to vector<1xi32>
    %squeeze3A_223 = vector.extract %slice3A_222[0] : i32 from vector<1xi32>
    %shift_right_arithmetic3A_224 = arith.constant 7 : i32
    %shift_right_arithmetic3A_225 = arith.shrsi %squeeze3A_223, %shift_right_arithmetic3A_224 : i32
    %mul3A_226 = arith.constant 128 : i32
    %mul3A_227 = arith.muli %shift_right_arithmetic3A_225, %mul3A_226 : i32
    %multiple_of3A_228 = tpu.assume_multiple %mul3A_227, 128 : i32
    %dma_start3A_229 = arith.constant 96 : i32
    %dma_start3A_230 = arith.constant 0 : i32
    %dma_start3A_231 = tpu.memref_slice %arg10[%dma_start3A_229, %dma_start3A_230] : memref<256x128xf32, #tpu.memory_space<vmem>> -> memref<16x128xf32, #tpu.memory_space<vmem>>
    %dma_start3A_232 = arith.constant 0 : i32
    %dma_start3A_233 = tpu.memref_slice %arg2[%dma_start3A_232, %multiple_of3A_221] : memref<16x2100000xf32, #tpu.memory_space<hbm>> -> memref<16x128xf32, #tpu.memory_space<hbm>>
    %dma_start3A_234 = arith.constant 96 : i32
    %dma_start3A_235 = arith.constant 0 : i32
    %dma_start3A_236 = tpu.memref_slice %arg10[%dma_start3A_234, %dma_start3A_235] : memref<256x128xf32, #tpu.memory_space<vmem>> -> memref<16x128xf32, #tpu.memory_space<vmem>>
    %dma_start3A_237 = arith.constant 0 : i32
    %dma_start3A_238 = tpu.memref_slice %arg2[%dma_start3A_237, %multiple_of3A_221] : memref<16x2100000xf32, #tpu.memory_space<hbm>> -> memref<16x128xf32, #tpu.memory_space<hbm>>
    tpu.enqueue_dma source(%dma_start3A_238 : memref<16x128xf32, #tpu.memory_space<hbm>>) target(%dma_start3A_236 : memref<16x128xf32, #tpu.memory_space<vmem>>) target_semaphore(%arg15 : memref<!tpu.dma_semaphore, #tpu.memory_space<semaphore_mem>>)
    %dma_start3A_239 = arith.constant 96 : i32
    %dma_start3A_240 = arith.constant 0 : i32
    %dma_start3A_241 = tpu.memref_slice %arg11[%dma_start3A_239, %dma_start3A_240] : memref<256x128xf32, #tpu.memory_space<vmem>> -> memref<16x128xf32, #tpu.memory_space<vmem>>
    %dma_start3A_242 = arith.constant 0 : i32
    %dma_start3A_243 = tpu.memref_slice %arg2[%dma_start3A_242, %multiple_of3A_228] : memref<16x2100000xf32, #tpu.memory_space<hbm>> -> memref<16x128xf32, #tpu.memory_space<hbm>>
    %dma_start3A_244 = arith.constant 96 : i32
    %dma_start3A_245 = arith.constant 0 : i32
    %dma_start3A_246 = tpu.memref_slice %arg11[%dma_start3A_244, %dma_start3A_245] : memref<256x128xf32, #tpu.memory_space<vmem>> -> memref<16x128xf32, #tpu.memory_space<vmem>>
    %dma_start3A_247 = arith.constant 0 : i32
    %dma_start3A_248 = tpu.memref_slice %arg2[%dma_start3A_247, %multiple_of3A_228] : memref<16x2100000xf32, #tpu.memory_space<hbm>> -> memref<16x128xf32, #tpu.memory_space<hbm>>
    tpu.enqueue_dma source(%dma_start3A_248 : memref<16x128xf32, #tpu.memory_space<hbm>>) target(%dma_start3A_246 : memref<16x128xf32, #tpu.memory_space<vmem>>) target_semaphore(%arg15 : memref<!tpu.dma_semaphore, #tpu.memory_space<semaphore_mem>>)
    %slice3A_249 = vector.extract_strided_slice %add3A_10 {offsets = [7], sizes = [1], strides = [1]} : vector<16xi32> to vector<1xi32>
    %squeeze3A_250 = vector.extract %slice3A_249[0] : i32 from vector<1xi32>
    %shift_right_arithmetic3A_251 = arith.constant 7 : i32
    %shift_right_arithmetic3A_252 = arith.shrsi %squeeze3A_250, %shift_right_arithmetic3A_251 : i32
    %mul3A_253 = arith.constant 128 : i32
    %mul3A_254 = arith.muli %shift_right_arithmetic3A_252, %mul3A_253 : i32
    %multiple_of3A_255 = tpu.assume_multiple %mul3A_254, 128 : i32
    %slice3A_256 = vector.extract_strided_slice %add3A_15 {offsets = [7], sizes = [1], strides = [1]} : vector<16xi32> to vector<1xi32>
    %squeeze3A_257 = vector.extract %slice3A_256[0] : i32 from vector<1xi32>
    %shift_right_arithmetic3A_258 = arith.constant 7 : i32
    %shift_right_arithmetic3A_259 = arith.shrsi %squeeze3A_257, %shift_right_arithmetic3A_258 : i32
    %mul3A_260 = arith.constant 128 : i32
    %mul3A_261 = arith.muli %shift_right_arithmetic3A_259, %mul3A_260 : i32
    %multiple_of3A_262 = tpu.assume_multiple %mul3A_261, 128 : i32
    %dma_start3A_263 = arith.constant 112 : i32
    %dma_start3A_264 = arith.constant 0 : i32
    %dma_start3A_265 = tpu.memref_slice %arg10[%dma_start3A_263, %dma_start3A_264] : memref<256x128xf32, #tpu.memory_space<vmem>> -> memref<16x128xf32, #tpu.memory_space<vmem>>
    %dma_start3A_266 = arith.constant 0 : i32
    %dma_start3A_267 = tpu.memref_slice %arg2[%dma_start3A_266, %multiple_of3A_255] : memref<16x2100000xf32, #tpu.memory_space<hbm>> -> memref<16x128xf32, #tpu.memory_space<hbm>>
    %dma_start3A_268 = arith.constant 112 : i32
    %dma_start3A_269 = arith.constant 0 : i32
    %dma_start3A_270 = tpu.memref_slice %arg10[%dma_start3A_268, %dma_start3A_269] : memref<256x128xf32, #tpu.memory_space<vmem>> -> memref<16x128xf32, #tpu.memory_space<vmem>>
    %dma_start3A_271 = arith.constant 0 : i32
    %dma_start3A_272 = tpu.memref_slice %arg2[%dma_start3A_271, %multiple_of3A_255] : memref<16x2100000xf32, #tpu.memory_space<hbm>> -> memref<16x128xf32, #tpu.memory_space<hbm>>
    tpu.enqueue_dma source(%dma_start3A_272 : memref<16x128xf32, #tpu.memory_space<hbm>>) target(%dma_start3A_270 : memref<16x128xf32, #tpu.memory_space<vmem>>) target_semaphore(%arg15 : memref<!tpu.dma_semaphore, #tpu.memory_space<semaphore_mem>>)
    %dma_start3A_273 = arith.constant 112 : i32
    %dma_start3A_274 = arith.constant 0 : i32
    %dma_start3A_275 = tpu.memref_slice %arg11[%dma_start3A_273, %dma_start3A_274] : memref<256x128xf32, #tpu.memory_space<vmem>> -> memref<16x128xf32, #tpu.memory_space<vmem>>
    %dma_start3A_276 = arith.constant 0 : i32
    %dma_start3A_277 = tpu.memref_slice %arg2[%dma_start3A_276, %multiple_of3A_262] : memref<16x2100000xf32, #tpu.memory_space<hbm>> -> memref<16x128xf32, #tpu.memory_space<hbm>>
    %dma_start3A_278 = arith.constant 112 : i32
    %dma_start3A_279 = arith.constant 0 : i32
    %dma_start3A_280 = tpu.memref_slice %arg11[%dma_start3A_278, %dma_start3A_279] : memref<256x128xf32, #tpu.memory_space<vmem>> -> memref<16x128xf32, #tpu.memory_space<vmem>>
    %dma_start3A_281 = arith.constant 0 : i32
    %dma_start3A_282 = tpu.memref_slice %arg2[%dma_start3A_281, %multiple_of3A_262] : memref<16x2100000xf32, #tpu.memory_space<hbm>> -> memref<16x128xf32, #tpu.memory_space<hbm>>
    tpu.enqueue_dma source(%dma_start3A_282 : memref<16x128xf32, #tpu.memory_space<hbm>>) target(%dma_start3A_280 : memref<16x128xf32, #tpu.memory_space<vmem>>) target_semaphore(%arg15 : memref<!tpu.dma_semaphore, #tpu.memory_space<semaphore_mem>>)
    %slice3A_283 = vector.extract_strided_slice %add3A_10 {offsets = [8], sizes = [1], strides = [1]} : vector<16xi32> to vector<1xi32>
    %squeeze3A_284 = vector.extract %slice3A_283[0] : i32 from vector<1xi32>
    %shift_right_arithmetic3A_285 = arith.constant 7 : i32
    %shift_right_arithmetic3A_286 = arith.shrsi %squeeze3A_284, %shift_right_arithmetic3A_285 : i32
    %mul3A_287 = arith.constant 128 : i32
    %mul3A_288 = arith.muli %shift_right_arithmetic3A_286, %mul3A_287 : i32
    %multiple_of3A_289 = tpu.assume_multiple %mul3A_288, 128 : i32
    %slice3A_290 = vector.extract_strided_slice %add3A_15 {offsets = [8], sizes = [1], strides = [1]} : vector<16xi32> to vector<1xi32>
    %squeeze3A_291 = vector.extract %slice3A_290[0] : i32 from vector<1xi32>
    %shift_right_arithmetic3A_292 = arith.constant 7 : i32
    %shift_right_arithmetic3A_293 = arith.shrsi %squeeze3A_291, %shift_right_arithmetic3A_292 : i32
    %mul3A_294 = arith.constant 128 : i32
    %mul3A_295 = arith.muli %shift_right_arithmetic3A_293, %mul3A_294 : i32
    %multiple_of3A_296 = tpu.assume_multiple %mul3A_295, 128 : i32
    %dma_start3A_297 = arith.constant 128 : i32
    %dma_start3A_298 = arith.constant 0 : i32
    %dma_start3A_299 = tpu.memref_slice %arg10[%dma_start3A_297, %dma_start3A_298] : memref<256x128xf32, #tpu.memory_space<vmem>> -> memref<16x128xf32, #tpu.memory_space<vmem>>
    %dma_start3A_300 = arith.constant 0 : i32
    %dma_start3A_301 = tpu.memref_slice %arg2[%dma_start3A_300, %multiple_of3A_289] : memref<16x2100000xf32, #tpu.memory_space<hbm>> -> memref<16x128xf32, #tpu.memory_space<hbm>>
    %dma_start3A_302 = arith.constant 128 : i32
    %dma_start3A_303 = arith.constant 0 : i32
    %dma_start3A_304 = tpu.memref_slice %arg10[%dma_start3A_302, %dma_start3A_303] : memref<256x128xf32, #tpu.memory_space<vmem>> -> memref<16x128xf32, #tpu.memory_space<vmem>>
    %dma_start3A_305 = arith.constant 0 : i32
    %dma_start3A_306 = tpu.memref_slice %arg2[%dma_start3A_305, %multiple_of3A_289] : memref<16x2100000xf32, #tpu.memory_space<hbm>> -> memref<16x128xf32, #tpu.memory_space<hbm>>
    tpu.enqueue_dma source(%dma_start3A_306 : memref<16x128xf32, #tpu.memory_space<hbm>>) target(%dma_start3A_304 : memref<16x128xf32, #tpu.memory_space<vmem>>) target_semaphore(%arg16 : memref<!tpu.dma_semaphore, #tpu.memory_space<semaphore_mem>>)
    %dma_start3A_307 = arith.constant 128 : i32
    %dma_start3A_308 = arith.constant 0 : i32
    %dma_start3A_309 = tpu.memref_slice %arg11[%dma_start3A_307, %dma_start3A_308] : memref<256x128xf32, #tpu.memory_space<vmem>> -> memref<16x128xf32, #tpu.memory_space<vmem>>
    %dma_start3A_310 = arith.constant 0 : i32
    %dma_start3A_311 = tpu.memref_slice %arg2[%dma_start3A_310, %multiple_of3A_296] : memref<16x2100000xf32, #tpu.memory_space<hbm>> -> memref<16x128xf32, #tpu.memory_space<hbm>>
    %dma_start3A_312 = arith.constant 128 : i32
    %dma_start3A_313 = arith.constant 0 : i32
    %dma_start3A_314 = tpu.memref_slice %arg11[%dma_start3A_312, %dma_start3A_313] : memref<256x128xf32, #tpu.memory_space<vmem>> -> memref<16x128xf32, #tpu.memory_space<vmem>>
    %dma_start3A_315 = arith.constant 0 : i32
    %dma_start3A_316 = tpu.memref_slice %arg2[%dma_start3A_315, %multiple_of3A_296] : memref<16x2100000xf32, #tpu.memory_space<hbm>> -> memref<16x128xf32, #tpu.memory_space<hbm>>
    tpu.enqueue_dma source(%dma_start3A_316 : memref<16x128xf32, #tpu.memory_space<hbm>>) target(%dma_start3A_314 : memref<16x128xf32, #tpu.memory_space<vmem>>) target_semaphore(%arg16 : memref<!tpu.dma_semaphore, #tpu.memory_space<semaphore_mem>>)
    %slice3A_317 = vector.extract_strided_slice %add3A_10 {offsets = [9], sizes = [1], strides = [1]} : vector<16xi32> to vector<1xi32>
    %squeeze3A_318 = vector.extract %slice3A_317[0] : i32 from vector<1xi32>
    %shift_right_arithmetic3A_319 = arith.constant 7 : i32
    %shift_right_arithmetic3A_320 = arith.shrsi %squeeze3A_318, %shift_right_arithmetic3A_319 : i32
    %mul3A_321 = arith.constant 128 : i32
    %mul3A_322 = arith.muli %shift_right_arithmetic3A_320, %mul3A_321 : i32
    %multiple_of3A_323 = tpu.assume_multiple %mul3A_322, 128 : i32
    %slice3A_324 = vector.extract_strided_slice %add3A_15 {offsets = [9], sizes = [1], strides = [1]} : vector<16xi32> to vector<1xi32>
    %squeeze3A_325 = vector.extract %slice3A_324[0] : i32 from vector<1xi32>
    %shift_right_arithmetic3A_326 = arith.constant 7 : i32
    %shift_right_arithmetic3A_327 = arith.shrsi %squeeze3A_325, %shift_right_arithmetic3A_326 : i32
    %mul3A_328 = arith.constant 128 : i32
    %mul3A_329 = arith.muli %shift_right_arithmetic3A_327, %mul3A_328 : i32
    %multiple_of3A_330 = tpu.assume_multiple %mul3A_329, 128 : i32
    %dma_start3A_331 = arith.constant 144 : i32
    %dma_start3A_332 = arith.constant 0 : i32
    %dma_start3A_333 = tpu.memref_slice %arg10[%dma_start3A_331, %dma_start3A_332] : memref<256x128xf32, #tpu.memory_space<vmem>> -> memref<16x128xf32, #tpu.memory_space<vmem>>
    %dma_start3A_334 = arith.constant 0 : i32
    %dma_start3A_335 = tpu.memref_slice %arg2[%dma_start3A_334, %multiple_of3A_323] : memref<16x2100000xf32, #tpu.memory_space<hbm>> -> memref<16x128xf32, #tpu.memory_space<hbm>>
    %dma_start3A_336 = arith.constant 144 : i32
    %dma_start3A_337 = arith.constant 0 : i32
    %dma_start3A_338 = tpu.memref_slice %arg10[%dma_start3A_336, %dma_start3A_337] : memref<256x128xf32, #tpu.memory_space<vmem>> -> memref<16x128xf32, #tpu.memory_space<vmem>>
    %dma_start3A_339 = arith.constant 0 : i32
    %dma_start3A_340 = tpu.memref_slice %arg2[%dma_start3A_339, %multiple_of3A_323] : memref<16x2100000xf32, #tpu.memory_space<hbm>> -> memref<16x128xf32, #tpu.memory_space<hbm>>
    tpu.enqueue_dma source(%dma_start3A_340 : memref<16x128xf32, #tpu.memory_space<hbm>>) target(%dma_start3A_338 : memref<16x128xf32, #tpu.memory_space<vmem>>) target_semaphore(%arg16 : memref<!tpu.dma_semaphore, #tpu.memory_space<semaphore_mem>>)
    %dma_start3A_341 = arith.constant 144 : i32
    %dma_start3A_342 = arith.constant 0 : i32
    %dma_start3A_343 = tpu.memref_slice %arg11[%dma_start3A_341, %dma_start3A_342] : memref<256x128xf32, #tpu.memory_space<vmem>> -> memref<16x128xf32, #tpu.memory_space<vmem>>
    %dma_start3A_344 = arith.constant 0 : i32
    %dma_start3A_345 = tpu.memref_slice %arg2[%dma_start3A_344, %multiple_of3A_330] : memref<16x2100000xf32, #tpu.memory_space<hbm>> -> memref<16x128xf32, #tpu.memory_space<hbm>>
    %dma_start3A_346 = arith.constant 144 : i32
    %dma_start3A_347 = arith.constant 0 : i32
    %dma_start3A_348 = tpu.memref_slice %arg11[%dma_start3A_346, %dma_start3A_347] : memref<256x128xf32, #tpu.memory_space<vmem>> -> memref<16x128xf32, #tpu.memory_space<vmem>>
    %dma_start3A_349 = arith.constant 0 : i32
    %dma_start3A_350 = tpu.memref_slice %arg2[%dma_start3A_349, %multiple_of3A_330] : memref<16x2100000xf32, #tpu.memory_space<hbm>> -> memref<16x128xf32, #tpu.memory_space<hbm>>
    tpu.enqueue_dma source(%dma_start3A_350 : memref<16x128xf32, #tpu.memory_space<hbm>>) target(%dma_start3A_348 : memref<16x128xf32, #tpu.memory_space<vmem>>) target_semaphore(%arg16 : memref<!tpu.dma_semaphore, #tpu.memory_space<semaphore_mem>>)
    %slice3A_351 = vector.extract_strided_slice %add3A_10 {offsets = [10], sizes = [1], strides = [1]} : vector<16xi32> to vector<1xi32>
    %squeeze3A_352 = vector.extract %slice3A_351[0] : i32 from vector<1xi32>
    %shift_right_arithmetic3A_353 = arith.constant 7 : i32
    %shift_right_arithmetic3A_354 = arith.shrsi %squeeze3A_352, %shift_right_arithmetic3A_353 : i32
    %mul3A_355 = arith.constant 128 : i32
    %mul3A_356 = arith.muli %shift_right_arithmetic3A_354, %mul3A_355 : i32
    %multiple_of3A_357 = tpu.assume_multiple %mul3A_356, 128 : i32
    %slice3A_358 = vector.extract_strided_slice %add3A_15 {offsets = [10], sizes = [1], strides = [1]} : vector<16xi32> to vector<1xi32>
    %squeeze3A_359 = vector.extract %slice3A_358[0] : i32 from vector<1xi32>
    %shift_right_arithmetic3A_360 = arith.constant 7 : i32
    %shift_right_arithmetic3A_361 = arith.shrsi %squeeze3A_359, %shift_right_arithmetic3A_360 : i32
    %mul3A_362 = arith.constant 128 : i32
    %mul3A_363 = arith.muli %shift_right_arithmetic3A_361, %mul3A_362 : i32
    %multiple_of3A_364 = tpu.assume_multiple %mul3A_363, 128 : i32
    %dma_start3A_365 = arith.constant 160 : i32
    %dma_start3A_366 = arith.constant 0 : i32
    %dma_start3A_367 = tpu.memref_slice %arg10[%dma_start3A_365, %dma_start3A_366] : memref<256x128xf32, #tpu.memory_space<vmem>> -> memref<16x128xf32, #tpu.memory_space<vmem>>
    %dma_start3A_368 = arith.constant 0 : i32
    %dma_start3A_369 = tpu.memref_slice %arg2[%dma_start3A_368, %multiple_of3A_357] : memref<16x2100000xf32, #tpu.memory_space<hbm>> -> memref<16x128xf32, #tpu.memory_space<hbm>>
    %dma_start3A_370 = arith.constant 160 : i32
    %dma_start3A_371 = arith.constant 0 : i32
    %dma_start3A_372 = tpu.memref_slice %arg10[%dma_start3A_370, %dma_start3A_371] : memref<256x128xf32, #tpu.memory_space<vmem>> -> memref<16x128xf32, #tpu.memory_space<vmem>>
    %dma_start3A_373 = arith.constant 0 : i32
    %dma_start3A_374 = tpu.memref_slice %arg2[%dma_start3A_373, %multiple_of3A_357] : memref<16x2100000xf32, #tpu.memory_space<hbm>> -> memref<16x128xf32, #tpu.memory_space<hbm>>
    tpu.enqueue_dma source(%dma_start3A_374 : memref<16x128xf32, #tpu.memory_space<hbm>>) target(%dma_start3A_372 : memref<16x128xf32, #tpu.memory_space<vmem>>) target_semaphore(%arg16 : memref<!tpu.dma_semaphore, #tpu.memory_space<semaphore_mem>>)
    %dma_start3A_375 = arith.constant 160 : i32
    %dma_start3A_376 = arith.constant 0 : i32
    %dma_start3A_377 = tpu.memref_slice %arg11[%dma_start3A_375, %dma_start3A_376] : memref<256x128xf32, #tpu.memory_space<vmem>> -> memref<16x128xf32, #tpu.memory_space<vmem>>
    %dma_start3A_378 = arith.constant 0 : i32
    %dma_start3A_379 = tpu.memref_slice %arg2[%dma_start3A_378, %multiple_of3A_364] : memref<16x2100000xf32, #tpu.memory_space<hbm>> -> memref<16x128xf32, #tpu.memory_space<hbm>>
    %dma_start3A_380 = arith.constant 160 : i32
    %dma_start3A_381 = arith.constant 0 : i32
    %dma_start3A_382 = tpu.memref_slice %arg11[%dma_start3A_380, %dma_start3A_381] : memref<256x128xf32, #tpu.memory_space<vmem>> -> memref<16x128xf32, #tpu.memory_space<vmem>>
    %dma_start3A_383 = arith.constant 0 : i32
    %dma_start3A_384 = tpu.memref_slice %arg2[%dma_start3A_383, %multiple_of3A_364] : memref<16x2100000xf32, #tpu.memory_space<hbm>> -> memref<16x128xf32, #tpu.memory_space<hbm>>
    tpu.enqueue_dma source(%dma_start3A_384 : memref<16x128xf32, #tpu.memory_space<hbm>>) target(%dma_start3A_382 : memref<16x128xf32, #tpu.memory_space<vmem>>) target_semaphore(%arg16 : memref<!tpu.dma_semaphore, #tpu.memory_space<semaphore_mem>>)
    %slice3A_385 = vector.extract_strided_slice %add3A_10 {offsets = [11], sizes = [1], strides = [1]} : vector<16xi32> to vector<1xi32>
    %squeeze3A_386 = vector.extract %slice3A_385[0] : i32 from vector<1xi32>
    %shift_right_arithmetic3A_387 = arith.constant 7 : i32
    %shift_right_arithmetic3A_388 = arith.shrsi %squeeze3A_386, %shift_right_arithmetic3A_387 : i32
    %mul3A_389 = arith.constant 128 : i32
    %mul3A_390 = arith.muli %shift_right_arithmetic3A_388, %mul3A_389 : i32
    %multiple_of3A_391 = tpu.assume_multiple %mul3A_390, 128 : i32
    %slice3A_392 = vector.extract_strided_slice %add3A_15 {offsets = [11], sizes = [1], strides = [1]} : vector<16xi32> to vector<1xi32>
    %squeeze3A_393 = vector.extract %slice3A_392[0] : i32 from vector<1xi32>
    %shift_right_arithmetic3A_394 = arith.constant 7 : i32
    %shift_right_arithmetic3A_395 = arith.shrsi %squeeze3A_393, %shift_right_arithmetic3A_394 : i32
    %mul3A_396 = arith.constant 128 : i32
    %mul3A_397 = arith.muli %shift_right_arithmetic3A_395, %mul3A_396 : i32
    %multiple_of3A_398 = tpu.assume_multiple %mul3A_397, 128 : i32
    %dma_start3A_399 = arith.constant 176 : i32
    %dma_start3A_400 = arith.constant 0 : i32
    %dma_start3A_401 = tpu.memref_slice %arg10[%dma_start3A_399, %dma_start3A_400] : memref<256x128xf32, #tpu.memory_space<vmem>> -> memref<16x128xf32, #tpu.memory_space<vmem>>
    %dma_start3A_402 = arith.constant 0 : i32
    %dma_start3A_403 = tpu.memref_slice %arg2[%dma_start3A_402, %multiple_of3A_391] : memref<16x2100000xf32, #tpu.memory_space<hbm>> -> memref<16x128xf32, #tpu.memory_space<hbm>>
    %dma_start3A_404 = arith.constant 176 : i32
    %dma_start3A_405 = arith.constant 0 : i32
    %dma_start3A_406 = tpu.memref_slice %arg10[%dma_start3A_404, %dma_start3A_405] : memref<256x128xf32, #tpu.memory_space<vmem>> -> memref<16x128xf32, #tpu.memory_space<vmem>>
    %dma_start3A_407 = arith.constant 0 : i32
    %dma_start3A_408 = tpu.memref_slice %arg2[%dma_start3A_407, %multiple_of3A_391] : memref<16x2100000xf32, #tpu.memory_space<hbm>> -> memref<16x128xf32, #tpu.memory_space<hbm>>
    tpu.enqueue_dma source(%dma_start3A_408 : memref<16x128xf32, #tpu.memory_space<hbm>>) target(%dma_start3A_406 : memref<16x128xf32, #tpu.memory_space<vmem>>) target_semaphore(%arg16 : memref<!tpu.dma_semaphore, #tpu.memory_space<semaphore_mem>>)
    %dma_start3A_409 = arith.constant 176 : i32
    %dma_start3A_410 = arith.constant 0 : i32
    %dma_start3A_411 = tpu.memref_slice %arg11[%dma_start3A_409, %dma_start3A_410] : memref<256x128xf32, #tpu.memory_space<vmem>> -> memref<16x128xf32, #tpu.memory_space<vmem>>
    %dma_start3A_412 = arith.constant 0 : i32
    %dma_start3A_413 = tpu.memref_slice %arg2[%dma_start3A_412, %multiple_of3A_398] : memref<16x2100000xf32, #tpu.memory_space<hbm>> -> memref<16x128xf32, #tpu.memory_space<hbm>>
    %dma_start3A_414 = arith.constant 176 : i32
    %dma_start3A_415 = arith.constant 0 : i32
    %dma_start3A_416 = tpu.memref_slice %arg11[%dma_start3A_414, %dma_start3A_415] : memref<256x128xf32, #tpu.memory_space<vmem>> -> memref<16x128xf32, #tpu.memory_space<vmem>>
    %dma_start3A_417 = arith.constant 0 : i32
    %dma_start3A_418 = tpu.memref_slice %arg2[%dma_start3A_417, %multiple_of3A_398] : memref<16x2100000xf32, #tpu.memory_space<hbm>> -> memref<16x128xf32, #tpu.memory_space<hbm>>
    tpu.enqueue_dma source(%dma_start3A_418 : memref<16x128xf32, #tpu.memory_space<hbm>>) target(%dma_start3A_416 : memref<16x128xf32, #tpu.memory_space<vmem>>) target_semaphore(%arg16 : memref<!tpu.dma_semaphore, #tpu.memory_space<semaphore_mem>>)
    %slice3A_419 = vector.extract_strided_slice %add3A_10 {offsets = [12], sizes = [1], strides = [1]} : vector<16xi32> to vector<1xi32>
    %squeeze3A_420 = vector.extract %slice3A_419[0] : i32 from vector<1xi32>
    %shift_right_arithmetic3A_421 = arith.constant 7 : i32
    %shift_right_arithmetic3A_422 = arith.shrsi %squeeze3A_420, %shift_right_arithmetic3A_421 : i32
    %mul3A_423 = arith.constant 128 : i32
    %mul3A_424 = arith.muli %shift_right_arithmetic3A_422, %mul3A_423 : i32
    %multiple_of3A_425 = tpu.assume_multiple %mul3A_424, 128 : i32
    %slice3A_426 = vector.extract_strided_slice %add3A_15 {offsets = [12], sizes = [1], strides = [1]} : vector<16xi32> to vector<1xi32>
    %squeeze3A_427 = vector.extract %slice3A_426[0] : i32 from vector<1xi32>
    %shift_right_arithmetic3A_428 = arith.constant 7 : i32
    %shift_right_arithmetic3A_429 = arith.shrsi %squeeze3A_427, %shift_right_arithmetic3A_428 : i32
    %mul3A_430 = arith.constant 128 : i32
    %mul3A_431 = arith.muli %shift_right_arithmetic3A_429, %mul3A_430 : i32
    %multiple_of3A_432 = tpu.assume_multiple %mul3A_431, 128 : i32
    %dma_start3A_433 = arith.constant 192 : i32
    %dma_start3A_434 = arith.constant 0 : i32
    %dma_start3A_435 = tpu.memref_slice %arg10[%dma_start3A_433, %dma_start3A_434] : memref<256x128xf32, #tpu.memory_space<vmem>> -> memref<16x128xf32, #tpu.memory_space<vmem>>
    %dma_start3A_436 = arith.constant 0 : i32
    %dma_start3A_437 = tpu.memref_slice %arg2[%dma_start3A_436, %multiple_of3A_425] : memref<16x2100000xf32, #tpu.memory_space<hbm>> -> memref<16x128xf32, #tpu.memory_space<hbm>>
    %dma_start3A_438 = arith.constant 192 : i32
    %dma_start3A_439 = arith.constant 0 : i32
    %dma_start3A_440 = tpu.memref_slice %arg10[%dma_start3A_438, %dma_start3A_439] : memref<256x128xf32, #tpu.memory_space<vmem>> -> memref<16x128xf32, #tpu.memory_space<vmem>>
    %dma_start3A_441 = arith.constant 0 : i32
    %dma_start3A_442 = tpu.memref_slice %arg2[%dma_start3A_441, %multiple_of3A_425] : memref<16x2100000xf32, #tpu.memory_space<hbm>> -> memref<16x128xf32, #tpu.memory_space<hbm>>
    tpu.enqueue_dma source(%dma_start3A_442 : memref<16x128xf32, #tpu.memory_space<hbm>>) target(%dma_start3A_440 : memref<16x128xf32, #tpu.memory_space<vmem>>) target_semaphore(%arg16 : memref<!tpu.dma_semaphore, #tpu.memory_space<semaphore_mem>>)
    %dma_start3A_443 = arith.constant 192 : i32
    %dma_start3A_444 = arith.constant 0 : i32
    %dma_start3A_445 = tpu.memref_slice %arg11[%dma_start3A_443, %dma_start3A_444] : memref<256x128xf32, #tpu.memory_space<vmem>> -> memref<16x128xf32, #tpu.memory_space<vmem>>
    %dma_start3A_446 = arith.constant 0 : i32
    %dma_start3A_447 = tpu.memref_slice %arg2[%dma_start3A_446, %multiple_of3A_432] : memref<16x2100000xf32, #tpu.memory_space<hbm>> -> memref<16x128xf32, #tpu.memory_space<hbm>>
    %dma_start3A_448 = arith.constant 192 : i32
    %dma_start3A_449 = arith.constant 0 : i32
    %dma_start3A_450 = tpu.memref_slice %arg11[%dma_start3A_448, %dma_start3A_449] : memref<256x128xf32, #tpu.memory_space<vmem>> -> memref<16x128xf32, #tpu.memory_space<vmem>>
    %dma_start3A_451 = arith.constant 0 : i32
    %dma_start3A_452 = tpu.memref_slice %arg2[%dma_start3A_451, %multiple_of3A_432] : memref<16x2100000xf32, #tpu.memory_space<hbm>> -> memref<16x128xf32, #tpu.memory_space<hbm>>
    tpu.enqueue_dma source(%dma_start3A_452 : memref<16x128xf32, #tpu.memory_space<hbm>>) target(%dma_start3A_450 : memref<16x128xf32, #tpu.memory_space<vmem>>) target_semaphore(%arg16 : memref<!tpu.dma_semaphore, #tpu.memory_space<semaphore_mem>>)
    %slice3A_453 = vector.extract_strided_slice %add3A_10 {offsets = [13], sizes = [1], strides = [1]} : vector<16xi32> to vector<1xi32>
    %squeeze3A_454 = vector.extract %slice3A_453[0] : i32 from vector<1xi32>
    %shift_right_arithmetic3A_455 = arith.constant 7 : i32
    %shift_right_arithmetic3A_456 = arith.shrsi %squeeze3A_454, %shift_right_arithmetic3A_455 : i32
    %mul3A_457 = arith.constant 128 : i32
    %mul3A_458 = arith.muli %shift_right_arithmetic3A_456, %mul3A_457 : i32
    %multiple_of3A_459 = tpu.assume_multiple %mul3A_458, 128 : i32
    %slice3A_460 = vector.extract_strided_slice %add3A_15 {offsets = [13], sizes = [1], strides = [1]} : vector<16xi32> to vector<1xi32>
    %squeeze3A_461 = vector.extract %slice3A_460[0] : i32 from vector<1xi32>
    %shift_right_arithmetic3A_462 = arith.constant 7 : i32
    %shift_right_arithmetic3A_463 = arith.shrsi %squeeze3A_461, %shift_right_arithmetic3A_462 : i32
    %mul3A_464 = arith.constant 128 : i32
    %mul3A_465 = arith.muli %shift_right_arithmetic3A_463, %mul3A_464 : i32
    %multiple_of3A_466 = tpu.assume_multiple %mul3A_465, 128 : i32
    %dma_start3A_467 = arith.constant 208 : i32
    %dma_start3A_468 = arith.constant 0 : i32
    %dma_start3A_469 = tpu.memref_slice %arg10[%dma_start3A_467, %dma_start3A_468] : memref<256x128xf32, #tpu.memory_space<vmem>> -> memref<16x128xf32, #tpu.memory_space<vmem>>
    %dma_start3A_470 = arith.constant 0 : i32
    %dma_start3A_471 = tpu.memref_slice %arg2[%dma_start3A_470, %multiple_of3A_459] : memref<16x2100000xf32, #tpu.memory_space<hbm>> -> memref<16x128xf32, #tpu.memory_space<hbm>>
    %dma_start3A_472 = arith.constant 208 : i32
    %dma_start3A_473 = arith.constant 0 : i32
    %dma_start3A_474 = tpu.memref_slice %arg10[%dma_start3A_472, %dma_start3A_473] : memref<256x128xf32, #tpu.memory_space<vmem>> -> memref<16x128xf32, #tpu.memory_space<vmem>>
    %dma_start3A_475 = arith.constant 0 : i32
    %dma_start3A_476 = tpu.memref_slice %arg2[%dma_start3A_475, %multiple_of3A_459] : memref<16x2100000xf32, #tpu.memory_space<hbm>> -> memref<16x128xf32, #tpu.memory_space<hbm>>
    tpu.enqueue_dma source(%dma_start3A_476 : memref<16x128xf32, #tpu.memory_space<hbm>>) target(%dma_start3A_474 : memref<16x128xf32, #tpu.memory_space<vmem>>) target_semaphore(%arg16 : memref<!tpu.dma_semaphore, #tpu.memory_space<semaphore_mem>>)
    %dma_start3A_477 = arith.constant 208 : i32
    %dma_start3A_478 = arith.constant 0 : i32
    %dma_start3A_479 = tpu.memref_slice %arg11[%dma_start3A_477, %dma_start3A_478] : memref<256x128xf32, #tpu.memory_space<vmem>> -> memref<16x128xf32, #tpu.memory_space<vmem>>
    %dma_start3A_480 = arith.constant 0 : i32
    %dma_start3A_481 = tpu.memref_slice %arg2[%dma_start3A_480, %multiple_of3A_466] : memref<16x2100000xf32, #tpu.memory_space<hbm>> -> memref<16x128xf32, #tpu.memory_space<hbm>>
    %dma_start3A_482 = arith.constant 208 : i32
    %dma_start3A_483 = arith.constant 0 : i32
    %dma_start3A_484 = tpu.memref_slice %arg11[%dma_start3A_482, %dma_start3A_483] : memref<256x128xf32, #tpu.memory_space<vmem>> -> memref<16x128xf32, #tpu.memory_space<vmem>>
    %dma_start3A_485 = arith.constant 0 : i32
    %dma_start3A_486 = tpu.memref_slice %arg2[%dma_start3A_485, %multiple_of3A_466] : memref<16x2100000xf32, #tpu.memory_space<hbm>> -> memref<16x128xf32, #tpu.memory_space<hbm>>
    tpu.enqueue_dma source(%dma_start3A_486 : memref<16x128xf32, #tpu.memory_space<hbm>>) target(%dma_start3A_484 : memref<16x128xf32, #tpu.memory_space<vmem>>) target_semaphore(%arg16 : memref<!tpu.dma_semaphore, #tpu.memory_space<semaphore_mem>>)
    %slice3A_487 = vector.extract_strided_slice %add3A_10 {offsets = [14], sizes = [1], strides = [1]} : vector<16xi32> to vector<1xi32>
    %squeeze3A_488 = vector.extract %slice3A_487[0] : i32 from vector<1xi32>
    %shift_right_arithmetic3A_489 = arith.constant 7 : i32
    %shift_right_arithmetic3A_490 = arith.shrsi %squeeze3A_488, %shift_right_arithmetic3A_489 : i32
    %mul3A_491 = arith.constant 128 : i32
    %mul3A_492 = arith.muli %shift_right_arithmetic3A_490, %mul3A_491 : i32
    %multiple_of3A_493 = tpu.assume_multiple %mul3A_492, 128 : i32
    %slice3A_494 = vector.extract_strided_slice %add3A_15 {offsets = [14], sizes = [1], strides = [1]} : vector<16xi32> to vector<1xi32>
    %squeeze3A_495 = vector.extract %slice3A_494[0] : i32 from vector<1xi32>
    %shift_right_arithmetic3A_496 = arith.constant 7 : i32
    %shift_right_arithmetic3A_497 = arith.shrsi %squeeze3A_495, %shift_right_arithmetic3A_496 : i32
    %mul3A_498 = arith.constant 128 : i32
    %mul3A_499 = arith.muli %shift_right_arithmetic3A_497, %mul3A_498 : i32
    %multiple_of3A_500 = tpu.assume_multiple %mul3A_499, 128 : i32
    %dma_start3A_501 = arith.constant 224 : i32
    %dma_start3A_502 = arith.constant 0 : i32
    %dma_start3A_503 = tpu.memref_slice %arg10[%dma_start3A_501, %dma_start3A_502] : memref<256x128xf32, #tpu.memory_space<vmem>> -> memref<16x128xf32, #tpu.memory_space<vmem>>
    %dma_start3A_504 = arith.constant 0 : i32
    %dma_start3A_505 = tpu.memref_slice %arg2[%dma_start3A_504, %multiple_of3A_493] : memref<16x2100000xf32, #tpu.memory_space<hbm>> -> memref<16x128xf32, #tpu.memory_space<hbm>>
    %dma_start3A_506 = arith.constant 224 : i32
    %dma_start3A_507 = arith.constant 0 : i32
    %dma_start3A_508 = tpu.memref_slice %arg10[%dma_start3A_506, %dma_start3A_507] : memref<256x128xf32, #tpu.memory_space<vmem>> -> memref<16x128xf32, #tpu.memory_space<vmem>>
    %dma_start3A_509 = arith.constant 0 : i32
    %dma_start3A_510 = tpu.memref_slice %arg2[%dma_start3A_509, %multiple_of3A_493] : memref<16x2100000xf32, #tpu.memory_space<hbm>> -> memref<16x128xf32, #tpu.memory_space<hbm>>
    tpu.enqueue_dma source(%dma_start3A_510 : memref<16x128xf32, #tpu.memory_space<hbm>>) target(%dma_start3A_508 : memref<16x128xf32, #tpu.memory_space<vmem>>) target_semaphore(%arg16 : memref<!tpu.dma_semaphore, #tpu.memory_space<semaphore_mem>>)
    %dma_start3A_511 = arith.constant 224 : i32
    %dma_start3A_512 = arith.constant 0 : i32
    %dma_start3A_513 = tpu.memref_slice %arg11[%dma_start3A_511, %dma_start3A_512] : memref<256x128xf32, #tpu.memory_space<vmem>> -> memref<16x128xf32, #tpu.memory_space<vmem>>
    %dma_start3A_514 = arith.constant 0 : i32
    %dma_start3A_515 = tpu.memref_slice %arg2[%dma_start3A_514, %multiple_of3A_500] : memref<16x2100000xf32, #tpu.memory_space<hbm>> -> memref<16x128xf32, #tpu.memory_space<hbm>>
    %dma_start3A_516 = arith.constant 224 : i32
    %dma_start3A_517 = arith.constant 0 : i32
    %dma_start3A_518 = tpu.memref_slice %arg11[%dma_start3A_516, %dma_start3A_517] : memref<256x128xf32, #tpu.memory_space<vmem>> -> memref<16x128xf32, #tpu.memory_space<vmem>>
    %dma_start3A_519 = arith.constant 0 : i32
    %dma_start3A_520 = tpu.memref_slice %arg2[%dma_start3A_519, %multiple_of3A_500] : memref<16x2100000xf32, #tpu.memory_space<hbm>> -> memref<16x128xf32, #tpu.memory_space<hbm>>
    tpu.enqueue_dma source(%dma_start3A_520 : memref<16x128xf32, #tpu.memory_space<hbm>>) target(%dma_start3A_518 : memref<16x128xf32, #tpu.memory_space<vmem>>) target_semaphore(%arg16 : memref<!tpu.dma_semaphore, #tpu.memory_space<semaphore_mem>>)
    %slice3A_521 = vector.extract_strided_slice %add3A_10 {offsets = [15], sizes = [1], strides = [1]} : vector<16xi32> to vector<1xi32>
    %squeeze3A_522 = vector.extract %slice3A_521[0] : i32 from vector<1xi32>
    %shift_right_arithmetic3A_523 = arith.constant 7 : i32
    %shift_right_arithmetic3A_524 = arith.shrsi %squeeze3A_522, %shift_right_arithmetic3A_523 : i32
    %mul3A_525 = arith.constant 128 : i32
    %mul3A_526 = arith.muli %shift_right_arithmetic3A_524, %mul3A_525 : i32
    %multiple_of3A_527 = tpu.assume_multiple %mul3A_526, 128 : i32
    %slice3A_528 = vector.extract_strided_slice %add3A_15 {offsets = [15], sizes = [1], strides = [1]} : vector<16xi32> to vector<1xi32>
    %squeeze3A_529 = vector.extract %slice3A_528[0] : i32 from vector<1xi32>
    %shift_right_arithmetic3A_530 = arith.constant 7 : i32
    %shift_right_arithmetic3A_531 = arith.shrsi %squeeze3A_529, %shift_right_arithmetic3A_530 : i32
    %mul3A_532 = arith.constant 128 : i32
    %mul3A_533 = arith.muli %shift_right_arithmetic3A_531, %mul3A_532 : i32
    %multiple_of3A_534 = tpu.assume_multiple %mul3A_533, 128 : i32
    %dma_start3A_535 = arith.constant 240 : i32
    %dma_start3A_536 = arith.constant 0 : i32
    %dma_start3A_537 = tpu.memref_slice %arg10[%dma_start3A_535, %dma_start3A_536] : memref<256x128xf32, #tpu.memory_space<vmem>> -> memref<16x128xf32, #tpu.memory_space<vmem>>
    %dma_start3A_538 = arith.constant 0 : i32
    %dma_start3A_539 = tpu.memref_slice %arg2[%dma_start3A_538, %multiple_of3A_527] : memref<16x2100000xf32, #tpu.memory_space<hbm>> -> memref<16x128xf32, #tpu.memory_space<hbm>>
    %dma_start3A_540 = arith.constant 240 : i32
    %dma_start3A_541 = arith.constant 0 : i32
    %dma_start3A_542 = tpu.memref_slice %arg10[%dma_start3A_540, %dma_start3A_541] : memref<256x128xf32, #tpu.memory_space<vmem>> -> memref<16x128xf32, #tpu.memory_space<vmem>>
    %dma_start3A_543 = arith.constant 0 : i32
    %dma_start3A_544 = tpu.memref_slice %arg2[%dma_start3A_543, %multiple_of3A_527] : memref<16x2100000xf32, #tpu.memory_space<hbm>> -> memref<16x128xf32, #tpu.memory_space<hbm>>
    tpu.enqueue_dma source(%dma_start3A_544 : memref<16x128xf32, #tpu.memory_space<hbm>>) target(%dma_start3A_542 : memref<16x128xf32, #tpu.memory_space<vmem>>) target_semaphore(%arg16 : memref<!tpu.dma_semaphore, #tpu.memory_space<semaphore_mem>>)
    %dma_start3A_545 = arith.constant 240 : i32
    %dma_start3A_546 = arith.constant 0 : i32
    %dma_start3A_547 = tpu.memref_slice %arg11[%dma_start3A_545, %dma_start3A_546] : memref<256x128xf32, #tpu.memory_space<vmem>> -> memref<16x128xf32, #tpu.memory_space<vmem>>
    %dma_start3A_548 = arith.constant 0 : i32
    %dma_start3A_549 = tpu.memref_slice %arg2[%dma_start3A_548, %multiple_of3A_534] : memref<16x2100000xf32, #tpu.memory_space<hbm>> -> memref<16x128xf32, #tpu.memory_space<hbm>>
    %dma_start3A_550 = arith.constant 240 : i32
    %dma_start3A_551 = arith.constant 0 : i32
    %dma_start3A_552 = tpu.memref_slice %arg11[%dma_start3A_550, %dma_start3A_551] : memref<256x128xf32, #tpu.memory_space<vmem>> -> memref<16x128xf32, #tpu.memory_space<vmem>>
    %dma_start3A_553 = arith.constant 0 : i32
    %dma_start3A_554 = tpu.memref_slice %arg2[%dma_start3A_553, %multiple_of3A_534] : memref<16x2100000xf32, #tpu.memory_space<hbm>> -> memref<16x128xf32, #tpu.memory_space<hbm>>
    tpu.enqueue_dma source(%dma_start3A_554 : memref<16x128xf32, #tpu.memory_space<hbm>>) target(%dma_start3A_552 : memref<16x128xf32, #tpu.memory_space<vmem>>) target_semaphore(%arg16 : memref<!tpu.dma_semaphore, #tpu.memory_space<semaphore_mem>>)
    %scan3A = arith.constant 0 : i32
    %scan3A_555 = arith.constant 0 : i32
    %scan3A_556 = arith.constant 32 : i32
    %scan3A_557 = arith.addi %scan3A_555, %scan3A_556 : i32
    %scan3A_558 = arith.constant 1 : i32
    scf.for %scan3A_568 = %scan3A_555 to %scan3A_557 step %scan3A_558  : i32 {
      %mul3A_569 = arith.constant 16 : i32
      %mul3A_570 = arith.muli %scan3A_568, %mul3A_569 : i32
      %get3A_571 = arith.index_cast %mul3A_570 : i32 to index
      %get3A_572 = tpu.vector_load %arg8[%get3A_571] {strides = array<i32>} : memref<512xi32, #tpu.memory_space<vmem>>, vector<16xi32>,
      %add3A_573 = arith.constant 1000000 : i32
      %add3A_574 = vector.broadcast %add3A_573 : i32 to vector<16xi32>
      %add3A_575 = arith.addi %get3A_572, %add3A_574 : vector<16xi32>
      %mul3A_576 = arith.constant 16 : i32
      %mul3A_577 = arith.muli %scan3A_568, %mul3A_576 : i32
      %get3A_578 = arith.index_cast %mul3A_577 : i32 to index
      %get3A_579 = tpu.vector_load %arg9[%get3A_578] {strides = array<i32>} : memref<512xi32, #tpu.memory_space<vmem>>, vector<16xi32>,
      %add3A_580 = arith.constant 1100000 : i32
      %add3A_581 = vector.broadcast %add3A_580 : i32 to vector<16xi32>
      %add3A_582 = arith.addi %get3A_579, %add3A_581 : vector<16xi32>
      %dma_wait3A = arith.constant 0 : i32
      %dma_wait3A_583 = arith.constant 0 : i32
      %dma_wait3A_584 = tpu.memref_slice %arg10[%dma_wait3A, %dma_wait3A_583] : memref<256x128xf32, #tpu.memory_space<vmem>> -> memref<16x128xf32, #tpu.memory_space<vmem>>
      %dma_wait3A_585 = arith.constant 0 : i32
      %dma_wait3A_586 = arith.constant 0 : i32
      %dma_wait3A_587 = tpu.memref_slice %arg2[%dma_wait3A_585, %dma_wait3A_586] : memref<16x2100000xf32, #tpu.memory_space<hbm>> -> memref<16x128xf32, #tpu.memory_space<hbm>>
      %dma_wait3A_588 = arith.constant 0 : i32
      %dma_wait3A_589 = arith.constant 0 : i32
      %dma_wait3A_590 = tpu.memref_slice %arg10[%dma_wait3A_588, %dma_wait3A_589] : memref<256x128xf32, #tpu.memory_space<vmem>> -> memref<16x128xf32, #tpu.memory_space<vmem>>
      %dma_wait3A_591 = arith.constant 0 : i32
      %dma_wait3A_592 = arith.constant 0 : i32
      %dma_wait3A_593 = tpu.memref_slice %arg2[%dma_wait3A_591, %dma_wait3A_592] : memref<16x2100000xf32, #tpu.memory_space<hbm>> -> memref<16x128xf32, #tpu.memory_space<hbm>>
      tpu.wait_dma2 semaphore(%arg15 : memref<!tpu.dma_semaphore, #tpu.memory_space<semaphore_mem>>) src(%dma_wait3A_593 : memref<16x128xf32, #tpu.memory_space<hbm>>) dst(%dma_wait3A_590 : memref<16x128xf32, #tpu.memory_space<vmem>>)
      %dma_wait3A_594 = arith.constant 0 : i32
      %dma_wait3A_595 = arith.constant 0 : i32
      %dma_wait3A_596 = tpu.memref_slice %arg11[%dma_wait3A_594, %dma_wait3A_595] : memref<256x128xf32, #tpu.memory_space<vmem>> -> memref<16x128xf32, #tpu.memory_space<vmem>>
      %dma_wait3A_597 = arith.constant 0 : i32
      %dma_wait3A_598 = arith.constant 0 : i32
      %dma_wait3A_599 = tpu.memref_slice %arg2[%dma_wait3A_597, %dma_wait3A_598] : memref<16x2100000xf32, #tpu.memory_space<hbm>> -> memref<16x128xf32, #tpu.memory_space<hbm>>
      %dma_wait3A_600 = arith.constant 0 : i32
      %dma_wait3A_601 = arith.constant 0 : i32
      %dma_wait3A_602 = tpu.memref_slice %arg11[%dma_wait3A_600, %dma_wait3A_601] : memref<256x128xf32, #tpu.memory_space<vmem>> -> memref<16x128xf32, #tpu.memory_space<vmem>>
      %dma_wait3A_603 = arith.constant 0 : i32
      %dma_wait3A_604 = arith.constant 0 : i32
      %dma_wait3A_605 = tpu.memref_slice %arg2[%dma_wait3A_603, %dma_wait3A_604] : memref<16x2100000xf32, #tpu.memory_space<hbm>> -> memref<16x128xf32, #tpu.memory_space<hbm>>
      tpu.wait_dma2 semaphore(%arg15 : memref<!tpu.dma_semaphore, #tpu.memory_space<semaphore_mem>>) src(%dma_wait3A_605 : memref<16x128xf32, #tpu.memory_space<hbm>>) dst(%dma_wait3A_602 : memref<16x128xf32, #tpu.memory_space<vmem>>)
      %dma_wait3A_606 = arith.constant 0 : i32
      %dma_wait3A_607 = arith.constant 0 : i32
      %dma_wait3A_608 = tpu.memref_slice %arg10[%dma_wait3A_606, %dma_wait3A_607] : memref<256x128xf32, #tpu.memory_space<vmem>> -> memref<16x128xf32, #tpu.memory_space<vmem>>
      %dma_wait3A_609 = arith.constant 0 : i32
      %dma_wait3A_610 = arith.constant 0 : i32
      %dma_wait3A_611 = tpu.memref_slice %arg2[%dma_wait3A_609, %dma_wait3A_610] : memref<16x2100000xf32, #tpu.memory_space<hbm>> -> memref<16x128xf32, #tpu.memory_space<hbm>>
      %dma_wait3A_612 = arith.constant 0 : i32
      %dma_wait3A_613 = arith.constant 0 : i32
      %dma_wait3A_614 = tpu.memref_slice %arg10[%dma_wait3A_612, %dma_wait3A_613] : memref<256x128xf32, #tpu.memory_space<vmem>> -> memref<16x128xf32, #tpu.memory_space<vmem>>
      %dma_wait3A_615 = arith.constant 0 : i32
      %dma_wait3A_616 = arith.constant 0 : i32
      %dma_wait3A_617 = tpu.memref_slice %arg2[%dma_wait3A_615, %dma_wait3A_616] : memref<16x2100000xf32, #tpu.memory_space<hbm>> -> memref<16x128xf32, #tpu.memory_space<hbm>>
      tpu.wait_dma2 semaphore(%arg15 : memref<!tpu.dma_semaphore, #tpu.memory_space<semaphore_mem>>) src(%dma_wait3A_617 : memref<16x128xf32, #tpu.memory_space<hbm>>) dst(%dma_wait3A_614 : memref<16x128xf32, #tpu.memory_space<vmem>>)
      %dma_wait3A_618 = arith.constant 0 : i32
      %dma_wait3A_619 = arith.constant 0 : i32
      %dma_wait3A_620 = tpu.memref_slice %arg11[%dma_wait3A_618, %dma_wait3A_619] : memref<256x128xf32, #tpu.memory_space<vmem>> -> memref<16x128xf32, #tpu.memory_space<vmem>>
      %dma_wait3A_621 = arith.constant 0 : i32
      %dma_wait3A_622 = arith.constant 0 : i32
      %dma_wait3A_623 = tpu.memref_slice %arg2[%dma_wait3A_621, %dma_wait3A_622] : memref<16x2100000xf32, #tpu.memory_space<hbm>> -> memref<16x128xf32, #tpu.memory_space<hbm>>
      %dma_wait3A_624 = arith.constant 0 : i32
      %dma_wait3A_625 = arith.constant 0 : i32
      %dma_wait3A_626 = tpu.memref_slice %arg11[%dma_wait3A_624, %dma_wait3A_625] : memref<256x128xf32, #tpu.memory_space<vmem>> -> memref<16x128xf32, #tpu.memory_space<vmem>>
      %dma_wait3A_627 = arith.constant 0 : i32
      %dma_wait3A_628 = arith.constant 0 : i32
      %dma_wait3A_629 = tpu.memref_slice %arg2[%dma_wait3A_627, %dma_wait3A_628] : memref<16x2100000xf32, #tpu.memory_space<hbm>> -> memref<16x128xf32, #tpu.memory_space<hbm>>
      tpu.wait_dma2 semaphore(%arg15 : memref<!tpu.dma_semaphore, #tpu.memory_space<semaphore_mem>>) src(%dma_wait3A_629 : memref<16x128xf32, #tpu.memory_space<hbm>>) dst(%dma_wait3A_626 : memref<16x128xf32, #tpu.memory_space<vmem>>)
      %dma_wait3A_630 = arith.constant 0 : i32
      %dma_wait3A_631 = arith.constant 0 : i32
      %dma_wait3A_632 = tpu.memref_slice %arg10[%dma_wait3A_630, %dma_wait3A_631] : memref<256x128xf32, #tpu.memory_space<vmem>> -> memref<16x128xf32, #tpu.memory_space<vmem>>
      %dma_wait3A_633 = arith.constant 0 : i32
      %dma_wait3A_634 = arith.constant 0 : i32
      %dma_wait3A_635 = tpu.memref_slice %arg2[%dma_wait3A_633, %dma_wait3A_634] : memref<16x2100000xf32, #tpu.memory_space<hbm>> -> memref<16x128xf32, #tpu.memory_space<hbm>>
      %dma_wait3A_636 = arith.constant 0 : i32
      %dma_wait3A_637 = arith.constant 0 : i32
      %dma_wait3A_638 = tpu.memref_slice %arg10[%dma_wait3A_636, %dma_wait3A_637] : memref<256x128xf32, #tpu.memory_space<vmem>> -> memref<16x128xf32, #tpu.memory_space<vmem>>
      %dma_wait3A_639 = arith.constant 0 : i32
      %dma_wait3A_640 = arith.constant 0 : i32
      %dma_wait3A_641 = tpu.memref_slice %arg2[%dma_wait3A_639, %dma_wait3A_640] : memref<16x2100000xf32, #tpu.memory_space<hbm>> -> memref<16x128xf32, #tpu.memory_space<hbm>>
      tpu.wait_dma2 semaphore(%arg15 : memref<!tpu.dma_semaphore, #tpu.memory_space<semaphore_mem>>) src(%dma_wait3A_641 : memref<16x128xf32, #tpu.memory_space<hbm>>) dst(%dma_wait3A_638 : memref<16x128xf32, #tpu.memory_space<vmem>>)
      %dma_wait3A_642 = arith.constant 0 : i32
      %dma_wait3A_643 = arith.constant 0 : i32
      %dma_wait3A_644 = tpu.memref_slice %arg11[%dma_wait3A_642, %dma_wait3A_643] : memref<256x128xf32, #tpu.memory_space<vmem>> -> memref<16x128xf32, #tpu.memory_space<vmem>>
      %dma_wait3A_645 = arith.constant 0 : i32
      %dma_wait3A_646 = arith.constant 0 : i32
      %dma_wait3A_647 = tpu.memref_slice %arg2[%dma_wait3A_645, %dma_wait3A_646] : memref<16x2100000xf32, #tpu.memory_space<hbm>> -> memref<16x128xf32, #tpu.memory_space<hbm>>
      %dma_wait3A_648 = arith.constant 0 : i32
      %dma_wait3A_649 = arith.constant 0 : i32
      %dma_wait3A_650 = tpu.memref_slice %arg11[%dma_wait3A_648, %dma_wait3A_649] : memref<256x128xf32, #tpu.memory_space<vmem>> -> memref<16x128xf32, #tpu.memory_space<vmem>>
      %dma_wait3A_651 = arith.constant 0 : i32
      %dma_wait3A_652 = arith.constant 0 : i32
      %dma_wait3A_653 = tpu.memref_slice %arg2[%dma_wait3A_651, %dma_wait3A_652] : memref<16x2100000xf32, #tpu.memory_space<hbm>> -> memref<16x128xf32, #tpu.memory_space<hbm>>
      tpu.wait_dma2 semaphore(%arg15 : memref<!tpu.dma_semaphore, #tpu.memory_space<semaphore_mem>>) src(%dma_wait3A_653 : memref<16x128xf32, #tpu.memory_space<hbm>>) dst(%dma_wait3A_650 : memref<16x128xf32, #tpu.memory_space<vmem>>)
      %dma_wait3A_654 = arith.constant 0 : i32
      %dma_wait3A_655 = arith.constant 0 : i32
      %dma_wait3A_656 = tpu.memref_slice %arg10[%dma_wait3A_654, %dma_wait3A_655] : memref<256x128xf32, #tpu.memory_space<vmem>> -> memref<16x128xf32, #tpu.memory_space<vmem>>
      %dma_wait3A_657 = arith.constant 0 : i32
      %dma_wait3A_658 = arith.constant 0 : i32
      %dma_wait3A_659 = tpu.memref_slice %arg2[%dma_wait3A_657, %dma_wait3A_658] : memref<16x2100000xf32, #tpu.memory_space<hbm>> -> memref<16x128xf32, #tpu.memory_space<hbm>>
      %dma_wait3A_660 = arith.constant 0 : i32
      %dma_wait3A_661 = arith.constant 0 : i32
      %dma_wait3A_662 = tpu.memref_slice %arg10[%dma_wait3A_660, %dma_wait3A_661] : memref<256x128xf32, #tpu.memory_space<vmem>> -> memref<16x128xf32, #tpu.memory_space<vmem>>
      %dma_wait3A_663 = arith.constant 0 : i32
      %dma_wait3A_664 = arith.constant 0 : i32
      %dma_wait3A_665 = tpu.memref_slice %arg2[%dma_wait3A_663, %dma_wait3A_664] : memref<16x2100000xf32, #tpu.memory_space<hbm>> -> memref<16x128xf32, #tpu.memory_space<hbm>>
      tpu.wait_dma2 semaphore(%arg15 : memref<!tpu.dma_semaphore, #tpu.memory_space<semaphore_mem>>) src(%dma_wait3A_665 : memref<16x128xf32, #tpu.memory_space<hbm>>) dst(%dma_wait3A_662 : memref<16x128xf32, #tpu.memory_space<vmem>>)
      %dma_wait3A_666 = arith.constant 0 : i32
      %dma_wait3A_667 = arith.constant 0 : i32
      %dma_wait3A_668 = tpu.memref_slice %arg11[%dma_wait3A_666, %dma_wait3A_667] : memref<256x128xf32, #tpu.memory_space<vmem>> -> memref<16x128xf32, #tpu.memory_space<vmem>>
      %dma_wait3A_669 = arith.constant 0 : i32
      %dma_wait3A_670 = arith.constant 0 : i32
      %dma_wait3A_671 = tpu.memref_slice %arg2[%dma_wait3A_669, %dma_wait3A_670] : memref<16x2100000xf32, #tpu.memory_space<hbm>> -> memref<16x128xf32, #tpu.memory_space<hbm>>
      %dma_wait3A_672 = arith.constant 0 : i32
      %dma_wait3A_673 = arith.constant 0 : i32
      %dma_wait3A_674 = tpu.memref_slice %arg11[%dma_wait3A_672, %dma_wait3A_673] : memref<256x128xf32, #tpu.memory_space<vmem>> -> memref<16x128xf32, #tpu.memory_space<vmem>>
      %dma_wait3A_675 = arith.constant 0 : i32
      %dma_wait3A_676 = arith.constant 0 : i32
      %dma_wait3A_677 = tpu.memref_slice %arg2[%dma_wait3A_675, %dma_wait3A_676] : memref<16x2100000xf32, #tpu.memory_space<hbm>> -> memref<16x128xf32, #tpu.memory_space<hbm>>
      tpu.wait_dma2 semaphore(%arg15 : memref<!tpu.dma_semaphore, #tpu.memory_space<semaphore_mem>>) src(%dma_wait3A_677 : memref<16x128xf32, #tpu.memory_space<hbm>>) dst(%dma_wait3A_674 : memref<16x128xf32, #tpu.memory_space<vmem>>)
      %dma_wait3A_678 = arith.constant 0 : i32
      %dma_wait3A_679 = arith.constant 0 : i32
      %dma_wait3A_680 = tpu.memref_slice %arg10[%dma_wait3A_678, %dma_wait3A_679] : memref<256x128xf32, #tpu.memory_space<vmem>> -> memref<16x128xf32, #tpu.memory_space<vmem>>
      %dma_wait3A_681 = arith.constant 0 : i32
      %dma_wait3A_682 = arith.constant 0 : i32
      %dma_wait3A_683 = tpu.memref_slice %arg2[%dma_wait3A_681, %dma_wait3A_682] : memref<16x2100000xf32, #tpu.memory_space<hbm>> -> memref<16x128xf32, #tpu.memory_space<hbm>>
      %dma_wait3A_684 = arith.constant 0 : i32
      %dma_wait3A_685 = arith.constant 0 : i32
      %dma_wait3A_686 = tpu.memref_slice %arg10[%dma_wait3A_684, %dma_wait3A_685] : memref<256x128xf32, #tpu.memory_space<vmem>> -> memref<16x128xf32, #tpu.memory_space<vmem>>
      %dma_wait3A_687 = arith.constant 0 : i32
      %dma_wait3A_688 = arith.constant 0 : i32
      %dma_wait3A_689 = tpu.memref_slice %arg2[%dma_wait3A_687, %dma_wait3A_688] : memref<16x2100000xf32, #tpu.memory_space<hbm>> -> memref<16x128xf32, #tpu.memory_space<hbm>>
      tpu.wait_dma2 semaphore(%arg15 : memref<!tpu.dma_semaphore, #tpu.memory_space<semaphore_mem>>) src(%dma_wait3A_689 : memref<16x128xf32, #tpu.memory_space<hbm>>) dst(%dma_wait3A_686 : memref<16x128xf32, #tpu.memory_space<vmem>>)
      %dma_wait3A_690 = arith.constant 0 : i32
      %dma_wait3A_691 = arith.constant 0 : i32
      %dma_wait3A_692 = tpu.memref_slice %arg11[%dma_wait3A_690, %dma_wait3A_691] : memref<256x128xf32, #tpu.memory_space<vmem>> -> memref<16x128xf32, #tpu.memory_space<vmem>>
      %dma_wait3A_693 = arith.constant 0 : i32
      %dma_wait3A_694 = arith.constant 0 : i32
      %dma_wait3A_695 = tpu.memref_slice %arg2[%dma_wait3A_693, %dma_wait3A_694] : memref<16x2100000xf32, #tpu.memory_space<hbm>> -> memref<16x128xf32, #tpu.memory_space<hbm>>
      %dma_wait3A_696 = arith.constant 0 : i32
      %dma_wait3A_697 = arith.constant 0 : i32
      %dma_wait3A_698 = tpu.memref_slice %arg11[%dma_wait3A_696, %dma_wait3A_697] : memref<256x128xf32, #tpu.memory_space<vmem>> -> memref<16x128xf32, #tpu.memory_space<vmem>>
      %dma_wait3A_699 = arith.constant 0 : i32
      %dma_wait3A_700 = arith.constant 0 : i32
      %dma_wait3A_701 = tpu.memref_slice %arg2[%dma_wait3A_699, %dma_wait3A_700] : memref<16x2100000xf32, #tpu.memory_space<hbm>> -> memref<16x128xf32, #tpu.memory_space<hbm>>
      tpu.wait_dma2 semaphore(%arg15 : memref<!tpu.dma_semaphore, #tpu.memory_space<semaphore_mem>>) src(%dma_wait3A_701 : memref<16x128xf32, #tpu.memory_space<hbm>>) dst(%dma_wait3A_698 : memref<16x128xf32, #tpu.memory_space<vmem>>)
      %dma_wait3A_702 = arith.constant 0 : i32
      %dma_wait3A_703 = arith.constant 0 : i32
      %dma_wait3A_704 = tpu.memref_slice %arg10[%dma_wait3A_702, %dma_wait3A_703] : memref<256x128xf32, #tpu.memory_space<vmem>> -> memref<16x128xf32, #tpu.memory_space<vmem>>
      %dma_wait3A_705 = arith.constant 0 : i32
      %dma_wait3A_706 = arith.constant 0 : i32
      %dma_wait3A_707 = tpu.memref_slice %arg2[%dma_wait3A_705, %dma_wait3A_706] : memref<16x2100000xf32, #tpu.memory_space<hbm>> -> memref<16x128xf32, #tpu.memory_space<hbm>>
      %dma_wait3A_708 = arith.constant 0 : i32
      %dma_wait3A_709 = arith.constant 0 : i32
      %dma_wait3A_710 = tpu.memref_slice %arg10[%dma_wait3A_708, %dma_wait3A_709] : memref<256x128xf32, #tpu.memory_space<vmem>> -> memref<16x128xf32, #tpu.memory_space<vmem>>
      %dma_wait3A_711 = arith.constant 0 : i32
      %dma_wait3A_712 = arith.constant 0 : i32
      %dma_wait3A_713 = tpu.memref_slice %arg2[%dma_wait3A_711, %dma_wait3A_712] : memref<16x2100000xf32, #tpu.memory_space<hbm>> -> memref<16x128xf32, #tpu.memory_space<hbm>>
      tpu.wait_dma2 semaphore(%arg15 : memref<!tpu.dma_semaphore, #tpu.memory_space<semaphore_mem>>) src(%dma_wait3A_713 : memref<16x128xf32, #tpu.memory_space<hbm>>) dst(%dma_wait3A_710 : memref<16x128xf32, #tpu.memory_space<vmem>>)
      %dma_wait3A_714 = arith.constant 0 : i32
      %dma_wait3A_715 = arith.constant 0 : i32
      %dma_wait3A_716 = tpu.memref_slice %arg11[%dma_wait3A_714, %dma_wait3A_715] : memref<256x128xf32, #tpu.memory_space<vmem>> -> memref<16x128xf32, #tpu.memory_space<vmem>>
      %dma_wait3A_717 = arith.constant 0 : i32
      %dma_wait3A_718 = arith.constant 0 : i32
      %dma_wait3A_719 = tpu.memref_slice %arg2[%dma_wait3A_717, %dma_wait3A_718] : memref<16x2100000xf32, #tpu.memory_space<hbm>> -> memref<16x128xf32, #tpu.memory_space<hbm>>
      %dma_wait3A_720 = arith.constant 0 : i32
      %dma_wait3A_721 = arith.constant 0 : i32
      %dma_wait3A_722 = tpu.memref_slice %arg11[%dma_wait3A_720, %dma_wait3A_721] : memref<256x128xf32, #tpu.memory_space<vmem>> -> memref<16x128xf32, #tpu.memory_space<vmem>>
      %dma_wait3A_723 = arith.constant 0 : i32
      %dma_wait3A_724 = arith.constant 0 : i32
      %dma_wait3A_725 = tpu.memref_slice %arg2[%dma_wait3A_723, %dma_wait3A_724] : memref<16x2100000xf32, #tpu.memory_space<hbm>> -> memref<16x128xf32, #tpu.memory_space<hbm>>
      tpu.wait_dma2 semaphore(%arg15 : memref<!tpu.dma_semaphore, #tpu.memory_space<semaphore_mem>>) src(%dma_wait3A_725 : memref<16x128xf32, #tpu.memory_space<hbm>>) dst(%dma_wait3A_722 : memref<16x128xf32, #tpu.memory_space<vmem>>)
      %dma_wait3A_726 = arith.constant 0 : i32
      %dma_wait3A_727 = arith.constant 0 : i32
      %dma_wait3A_728 = tpu.memref_slice %arg10[%dma_wait3A_726, %dma_wait3A_727] : memref<256x128xf32, #tpu.memory_space<vmem>> -> memref<16x128xf32, #tpu.memory_space<vmem>>
      %dma_wait3A_729 = arith.constant 0 : i32
      %dma_wait3A_730 = arith.constant 0 : i32
      %dma_wait3A_731 = tpu.memref_slice %arg2[%dma_wait3A_729, %dma_wait3A_730] : memref<16x2100000xf32, #tpu.memory_space<hbm>> -> memref<16x128xf32, #tpu.memory_space<hbm>>
      %dma_wait3A_732 = arith.constant 0 : i32
      %dma_wait3A_733 = arith.constant 0 : i32
      %dma_wait3A_734 = tpu.memref_slice %arg10[%dma_wait3A_732, %dma_wait3A_733] : memref<256x128xf32, #tpu.memory_space<vmem>> -> memref<16x128xf32, #tpu.memory_space<vmem>>
      %dma_wait3A_735 = arith.constant 0 : i32
      %dma_wait3A_736 = arith.constant 0 : i32
      %dma_wait3A_737 = tpu.memref_slice %arg2[%dma_wait3A_735, %dma_wait3A_736] : memref<16x2100000xf32, #tpu.memory_space<hbm>> -> memref<16x128xf32, #tpu.memory_space<hbm>>
      tpu.wait_dma2 semaphore(%arg15 : memref<!tpu.dma_semaphore, #tpu.memory_space<semaphore_mem>>) src(%dma_wait3A_737 : memref<16x128xf32, #tpu.memory_space<hbm>>) dst(%dma_wait3A_734 : memref<16x128xf32, #tpu.memory_space<vmem>>)
      %dma_wait3A_738 = arith.constant 0 : i32
      %dma_wait3A_739 = arith.constant 0 : i32
      %dma_wait3A_740 = tpu.memref_slice %arg11[%dma_wait3A_738, %dma_wait3A_739] : memref<256x128xf32, #tpu.memory_space<vmem>> -> memref<16x128xf32, #tpu.memory_space<vmem>>
      %dma_wait3A_741 = arith.constant 0 : i32
      %dma_wait3A_742 = arith.constant 0 : i32
      %dma_wait3A_743 = tpu.memref_slice %arg2[%dma_wait3A_741, %dma_wait3A_742] : memref<16x2100000xf32, #tpu.memory_space<hbm>> -> memref<16x128xf32, #tpu.memory_space<hbm>>
      %dma_wait3A_744 = arith.constant 0 : i32
      %dma_wait3A_745 = arith.constant 0 : i32
      %dma_wait3A_746 = tpu.memref_slice %arg11[%dma_wait3A_744, %dma_wait3A_745] : memref<256x128xf32, #tpu.memory_space<vmem>> -> memref<16x128xf32, #tpu.memory_space<vmem>>
      %dma_wait3A_747 = arith.constant 0 : i32
      %dma_wait3A_748 = arith.constant 0 : i32
      %dma_wait3A_749 = tpu.memref_slice %arg2[%dma_wait3A_747, %dma_wait3A_748] : memref<16x2100000xf32, #tpu.memory_space<hbm>> -> memref<16x128xf32, #tpu.memory_space<hbm>>
      tpu.wait_dma2 semaphore(%arg15 : memref<!tpu.dma_semaphore, #tpu.memory_space<semaphore_mem>>) src(%dma_wait3A_749 : memref<16x128xf32, #tpu.memory_space<hbm>>) dst(%dma_wait3A_746 : memref<16x128xf32, #tpu.memory_space<vmem>>)
      %dma_wait3A_750 = arith.constant 0 : i32
      %dma_wait3A_751 = arith.constant 0 : i32
      %dma_wait3A_752 = tpu.memref_slice %arg10[%dma_wait3A_750, %dma_wait3A_751] : memref<256x128xf32, #tpu.memory_space<vmem>> -> memref<16x128xf32, #tpu.memory_space<vmem>>
      %dma_wait3A_753 = arith.constant 0 : i32
      %dma_wait3A_754 = arith.constant 0 : i32
      %dma_wait3A_755 = tpu.memref_slice %arg2[%dma_wait3A_753, %dma_wait3A_754] : memref<16x2100000xf32, #tpu.memory_space<hbm>> -> memref<16x128xf32, #tpu.memory_space<hbm>>
      %dma_wait3A_756 = arith.constant 0 : i32
      %dma_wait3A_757 = arith.constant 0 : i32
      %dma_wait3A_758 = tpu.memref_slice %arg10[%dma_wait3A_756, %dma_wait3A_757] : memref<256x128xf32, #tpu.memory_space<vmem>> -> memref<16x128xf32, #tpu.memory_space<vmem>>
      %dma_wait3A_759 = arith.constant 0 : i32
      %dma_wait3A_760 = arith.constant 0 : i32
      %dma_wait3A_761 = tpu.memref_slice %arg2[%dma_wait3A_759, %dma_wait3A_760] : memref<16x2100000xf32, #tpu.memory_space<hbm>> -> memref<16x128xf32, #tpu.memory_space<hbm>>
      tpu.wait_dma2 semaphore(%arg15 : memref<!tpu.dma_semaphore, #tpu.memory_space<semaphore_mem>>) src(%dma_wait3A_761 : memref<16x128xf32, #tpu.memory_space<hbm>>) dst(%dma_wait3A_758 : memref<16x128xf32, #tpu.memory_space<vmem>>)
      %dma_wait3A_762 = arith.constant 0 : i32
      %dma_wait3A_763 = arith.constant 0 : i32
      %dma_wait3A_764 = tpu.memref_slice %arg11[%dma_wait3A_762, %dma_wait3A_763] : memref<256x128xf32, #tpu.memory_space<vmem>> -> memref<16x128xf32, #tpu.memory_space<vmem>>
      %dma_wait3A_765 = arith.constant 0 : i32
      %dma_wait3A_766 = arith.constant 0 : i32
      %dma_wait3A_767 = tpu.memref_slice %arg2[%dma_wait3A_765, %dma_wait3A_766] : memref<16x2100000xf32, #tpu.memory_space<hbm>> -> memref<16x128xf32, #tpu.memory_space<hbm>>
      %dma_wait3A_768 = arith.constant 0 : i32
      %dma_wait3A_769 = arith.constant 0 : i32
      %dma_wait3A_770 = tpu.memref_slice %arg11[%dma_wait3A_768, %dma_wait3A_769] : memref<256x128xf32, #tpu.memory_space<vmem>> -> memref<16x128xf32, #tpu.memory_space<vmem>>
      %dma_wait3A_771 = arith.constant 0 : i32
      %dma_wait3A_772 = arith.constant 0 : i32
      %dma_wait3A_773 = tpu.memref_slice %arg2[%dma_wait3A_771, %dma_wait3A_772] : memref<16x2100000xf32, #tpu.memory_space<hbm>> -> memref<16x128xf32, #tpu.memory_space<hbm>>
      tpu.wait_dma2 semaphore(%arg15 : memref<!tpu.dma_semaphore, #tpu.memory_space<semaphore_mem>>) src(%dma_wait3A_773 : memref<16x128xf32, #tpu.memory_space<hbm>>) dst(%dma_wait3A_770 : memref<16x128xf32, #tpu.memory_space<vmem>>)
      %and3A = arith.constant 127 : i32
      %and3A_774 = vector.broadcast %and3A : i32 to vector<16xi32>
      %and3A_775 = arith.andi %add3A_575, %and3A_774 : vector<16xi32>
      %and3A_776 = arith.constant 127 : i32
      %and3A_777 = vector.broadcast %and3A_776 : i32 to vector<16xi32>
      %and3A_778 = arith.andi %add3A_582, %and3A_777 : vector<16xi32>
      %add3A_779 = arith.constant 0 : i32
      %add3A_780 = vector.broadcast %add3A_779 : i32 to vector<16xi32>
      %add3A_781 = arith.addi %add3A_780, %iota3A : vector<16xi32>
      %mul3A_782 = arith.constant 0 : i32
      %mul3A_783 = vector.broadcast %mul3A_782 : i32 to vector<16xi32>
      %mul3A_784 = arith.muli %mul3A_783, %add3A_781 : vector<16xi32>
      %slice3A_785 = vector.extract_strided_slice %and3A_775 {offsets = [0], sizes = [1], strides = [1]} : vector<16xi32> to vector<1xi32>
      %squeeze3A_786 = vector.extract %slice3A_785[0] : i32 from vector<1xi32>
      %add3A_787 = vector.broadcast %squeeze3A_786 : i32 to vector<16xi32>
      %add3A_788 = arith.addi %mul3A_784, %add3A_787 : vector<16xi32>
      %gather3A = tpu.vector_load_idx %arg10[%add3A_781, %add3A_788] : memref<256x128xf32, #tpu.memory_space<vmem>>[vector<16xi32>, vector<16xi32>], vector<16xf32>,
      %mul3A_789 = arith.constant 0 : i32
      %mul3A_790 = vector.broadcast %mul3A_789 : i32 to vector<16xi32>
      %mul3A_791 = arith.muli %mul3A_790, %add3A_781 : vector<16xi32>
      %slice3A_792 = vector.extract_strided_slice %and3A_778 {offsets = [0], sizes = [1], strides = [1]} : vector<16xi32> to vector<1xi32>
      %squeeze3A_793 = vector.extract %slice3A_792[0] : i32 from vector<1xi32>
      %add3A_794 = vector.broadcast %squeeze3A_793 : i32 to vector<16xi32>
      %add3A_795 = arith.addi %mul3A_791, %add3A_794 : vector<16xi32>
      %gather3A_796 = tpu.vector_load_idx %arg11[%add3A_781, %add3A_795] : memref<256x128xf32, #tpu.memory_space<vmem>>[vector<16xi32>, vector<16xi32>], vector<16xf32>,
      %mul3A_797 = arith.mulf %gather3A, %gather3A_796 : vector<16xf32>
      %mul3A_798 = arith.mulf %mul3A_797, %get3A_3 : vector<16xf32>
      %cumsum3A = arith.constant true
      %cumsum3A_799 = vector.broadcast %cumsum3A : i1 to vector<16xi1>
      %cumsum3A_800 = tpu.scan <sum>, %mul3A_798 masked %cumsum3A_799 : vector<16xf32>, vector<16xi1> -> vector<16xf32>
      %mul3A_801 = arith.constant 0 : i32
      %mul3A_802 = vector.broadcast %mul3A_801 : i32 to vector<16xi32>
      %mul3A_803 = arith.muli %mul3A_802, %add3A_781 : vector<16xi32>
      %mul3A_804 = arith.constant 16 : i32
      %mul3A_805 = arith.muli %scan3A_568, %mul3A_804 : i32
      %add3A_806 = arith.constant 0 : i32
      %add3A_807 = arith.addi %mul3A_805, %add3A_806 : i32
      %add3A_808 = vector.broadcast %add3A_807 : i32 to vector<16xi32>
      %add3A_809 = arith.addi %mul3A_803, %add3A_808 : vector<16xi32>
      tpu.vector_store_idx %arg14[%add3A_809], %cumsum3A_800 masked %eq3A_5 : memref<512xf32, #tpu.memory_space<vmem>>[vector<16xi32>], vector<16xf32>, vector<16xi1>
      %add3A_810 = arith.constant 16 : i32
      %add3A_811 = vector.broadcast %add3A_810 : i32 to vector<16xi32>
      %add3A_812 = arith.addi %add3A_811, %iota3A : vector<16xi32>
      %mul3A_813 = arith.constant 0 : i32
      %mul3A_814 = vector.broadcast %mul3A_813 : i32 to vector<16xi32>
      %mul3A_815 = arith.muli %mul3A_814, %add3A_812 : vector<16xi32>
      %slice3A_816 = vector.extract_strided_slice %and3A_775 {offsets = [1], sizes = [1], strides = [1]} : vector<16xi32> to vector<1xi32>
      %squeeze3A_817 = vector.extract %slice3A_816[0] : i32 from vector<1xi32>
      %add3A_818 = vector.broadcast %squeeze3A_817 : i32 to vector<16xi32>
      %add3A_819 = arith.addi %mul3A_815, %add3A_818 : vector<16xi32>
      %gather3A_820 = tpu.vector_load_idx %arg10[%add3A_812, %add3A_819] : memref<256x128xf32, #tpu.memory_space<vmem>>[vector<16xi32>, vector<16xi32>], vector<16xf32>,
      %mul3A_821 = arith.constant 0 : i32
      %mul3A_822 = vector.broadcast %mul3A_821 : i32 to vector<16xi32>
      %mul3A_823 = arith.muli %mul3A_822, %add3A_812 : vector<16xi32>
      %slice3A_824 = vector.extract_strided_slice %and3A_778 {offsets = [1], sizes = [1], strides = [1]} : vector<16xi32> to vector<1xi32>
      %squeeze3A_825 = vector.extract %slice3A_824[0] : i32 from vector<1xi32>
      %add3A_826 = vector.broadcast %squeeze3A_825 : i32 to vector<16xi32>
      %add3A_827 = arith.addi %mul3A_823, %add3A_826 : vector<16xi32>
      %gather3A_828 = tpu.vector_load_idx %arg11[%add3A_812, %add3A_827] : memref<256x128xf32, #tpu.memory_space<vmem>>[vector<16xi32>, vector<16xi32>], vector<16xf32>,
      %mul3A_829 = arith.mulf %gather3A_820, %gather3A_828 : vector<16xf32>
      %mul3A_830 = arith.mulf %mul3A_829, %get3A_3 : vector<16xf32>
      %cumsum3A_831 = arith.constant true
      %cumsum3A_832 = vector.broadcast %cumsum3A_831 : i1 to vector<16xi1>
      %cumsum3A_833 = tpu.scan <sum>, %mul3A_830 masked %cumsum3A_832 : vector<16xf32>, vector<16xi1> -> vector<16xf32>
      %mul3A_834 = arith.constant 0 : i32
      %mul3A_835 = vector.broadcast %mul3A_834 : i32 to vector<16xi32>
      %mul3A_836 = arith.muli %mul3A_835, %add3A_812 : vector<16xi32>
      %mul3A_837 = arith.constant 16 : i32
      %mul3A_838 = arith.muli %scan3A_568, %mul3A_837 : i32
      %add3A_839 = arith.constant 1 : i32
      %add3A_840 = arith.addi %mul3A_838, %add3A_839 : i32
      %add3A_841 = vector.broadcast %add3A_840 : i32 to vector<16xi32>
      %add3A_842 = arith.addi %mul3A_836, %add3A_841 : vector<16xi32>
      tpu.vector_store_idx %arg14[%add3A_842], %cumsum3A_833 masked %eq3A_5 : memref<512xf32, #tpu.memory_space<vmem>>[vector<16xi32>], vector<16xf32>, vector<16xi1>
      %add3A_843 = arith.constant 32 : i32
      %add3A_844 = vector.broadcast %add3A_843 : i32 to vector<16xi32>
      %add3A_845 = arith.addi %add3A_844, %iota3A : vector<16xi32>
      %mul3A_846 = arith.constant 0 : i32
      %mul3A_847 = vector.broadcast %mul3A_846 : i32 to vector<16xi32>
      %mul3A_848 = arith.muli %mul3A_847, %add3A_845 : vector<16xi32>
      %slice3A_849 = vector.extract_strided_slice %and3A_775 {offsets = [2], sizes = [1], strides = [1]} : vector<16xi32> to vector<1xi32>
      %squeeze3A_850 = vector.extract %slice3A_849[0] : i32 from vector<1xi32>
      %add3A_851 = vector.broadcast %squeeze3A_850 : i32 to vector<16xi32>
      %add3A_852 = arith.addi %mul3A_848, %add3A_851 : vector<16xi32>
      %gather3A_853 = tpu.vector_load_idx %arg10[%add3A_845, %add3A_852] : memref<256x128xf32, #tpu.memory_space<vmem>>[vector<16xi32>, vector<16xi32>], vector<16xf32>,
      %mul3A_854 = arith.constant 0 : i32
      %mul3A_855 = vector.broadcast %mul3A_854 : i32 to vector<16xi32>
      %mul3A_856 = arith.muli %mul3A_855, %add3A_845 : vector<16xi32>
      %slice3A_857 = vector.extract_strided_slice %and3A_778 {offsets = [2], sizes = [1], strides = [1]} : vector<16xi32> to vector<1xi32>
      %squeeze3A_858 = vector.extract %slice3A_857[0] : i32 from vector<1xi32>
      %add3A_859 = vector.broadcast %squeeze3A_858 : i32 to vector<16xi32>
      %add3A_860 = arith.addi %mul3A_856, %add3A_859 : vector<16xi32>
      %gather3A_861 = tpu.vector_load_idx %arg11[%add3A_845, %add3A_860] : memref<256x128xf32, #tpu.memory_space<vmem>>[vector<16xi32>, vector<16xi32>], vector<16xf32>,
      %mul3A_862 = arith.mulf %gather3A_853, %gather3A_861 : vector<16xf32>
      %mul3A_863 = arith.mulf %mul3A_862, %get3A_3 : vector<16xf32>
      %cumsum3A_864 = arith.constant true
      %cumsum3A_865 = vector.broadcast %cumsum3A_864 : i1 to vector<16xi1>
      %cumsum3A_866 = tpu.scan <sum>, %mul3A_863 masked %cumsum3A_865 : vector<16xf32>, vector<16xi1> -> vector<16xf32>
      %mul3A_867 = arith.constant 0 : i32
      %mul3A_868 = vector.broadcast %mul3A_867 : i32 to vector<16xi32>
      %mul3A_869 = arith.muli %mul3A_868, %add3A_845 : vector<16xi32>
      %mul3A_870 = arith.constant 16 : i32
      %mul3A_871 = arith.muli %scan3A_568, %mul3A_870 : i32
      %add3A_872 = arith.constant 2 : i32
      %add3A_873 = arith.addi %mul3A_871, %add3A_872 : i32
      %add3A_874 = vector.broadcast %add3A_873 : i32 to vector<16xi32>
      %add3A_875 = arith.addi %mul3A_869, %add3A_874 : vector<16xi32>
      tpu.vector_store_idx %arg14[%add3A_875], %cumsum3A_866 masked %eq3A_5 : memref<512xf32, #tpu.memory_space<vmem>>[vector<16xi32>], vector<16xf32>, vector<16xi1>
      %add3A_876 = arith.constant 48 : i32
      %add3A_877 = vector.broadcast %add3A_876 : i32 to vector<16xi32>
      %add3A_878 = arith.addi %add3A_877, %iota3A : vector<16xi32>
      %mul3A_879 = arith.constant 0 : i32
      %mul3A_880 = vector.broadcast %mul3A_879 : i32 to vector<16xi32>
      %mul3A_881 = arith.muli %mul3A_880, %add3A_878 : vector<16xi32>
      %slice3A_882 = vector.extract_strided_slice %and3A_775 {offsets = [3], sizes = [1], strides = [1]} : vector<16xi32> to vector<1xi32>
      %squeeze3A_883 = vector.extract %slice3A_882[0] : i32 from vector<1xi32>
      %add3A_884 = vector.broadcast %squeeze3A_883 : i32 to vector<16xi32>
      %add3A_885 = arith.addi %mul3A_881, %add3A_884 : vector<16xi32>
      %gather3A_886 = tpu.vector_load_idx %arg10[%add3A_878, %add3A_885] : memref<256x128xf32, #tpu.memory_space<vmem>>[vector<16xi32>, vector<16xi32>], vector<16xf32>,
      %mul3A_887 = arith.constant 0 : i32
      %mul3A_888 = vector.broadcast %mul3A_887 : i32 to vector<16xi32>
      %mul3A_889 = arith.muli %mul3A_888, %add3A_878 : vector<16xi32>
      %slice3A_890 = vector.extract_strided_slice %and3A_778 {offsets = [3], sizes = [1], strides = [1]} : vector<16xi32> to vector<1xi32>
      %squeeze3A_891 = vector.extract %slice3A_890[0] : i32 from vector<1xi32>
      %add3A_892 = vector.broadcast %squeeze3A_891 : i32 to vector<16xi32>
      %add3A_893 = arith.addi %mul3A_889, %add3A_892 : vector<16xi32>
      %gather3A_894 = tpu.vector_load_idx %arg11[%add3A_878, %add3A_893] : memref<256x128xf32, #tpu.memory_space<vmem>>[vector<16xi32>, vector<16xi32>], vector<16xf32>,
      %mul3A_895 = arith.mulf %gather3A_886, %gather3A_894 : vector<16xf32>
      %mul3A_896 = arith.mulf %mul3A_895, %get3A_3 : vector<16xf32>
      %cumsum3A_897 = arith.constant true
      %cumsum3A_898 = vector.broadcast %cumsum3A_897 : i1 to vector<16xi1>
      %cumsum3A_899 = tpu.scan <sum>, %mul3A_896 masked %cumsum3A_898 : vector<16xf32>, vector<16xi1> -> vector<16xf32>
      %mul3A_900 = arith.constant 0 : i32
      %mul3A_901 = vector.broadcast %mul3A_900 : i32 to vector<16xi32>
      %mul3A_902 = arith.muli %mul3A_901, %add3A_878 : vector<16xi32>
      %mul3A_903 = arith.constant 16 : i32
      %mul3A_904 = arith.muli %scan3A_568, %mul3A_903 : i32
      %add3A_905 = arith.constant 3 : i32
      %add3A_906 = arith.addi %mul3A_904, %add3A_905 : i32
      %add3A_907 = vector.broadcast %add3A_906 : i32 to vector<16xi32>
      %add3A_908 = arith.addi %mul3A_902, %add3A_907 : vector<16xi32>
      tpu.vector_store_idx %arg14[%add3A_908], %cumsum3A_899 masked %eq3A_5 : memref<512xf32, #tpu.memory_space<vmem>>[vector<16xi32>], vector<16xf32>, vector<16xi1>
      %add3A_909 = arith.constant 64 : i32
      %add3A_910 = vector.broadcast %add3A_909 : i32 to vector<16xi32>
      %add3A_911 = arith.addi %add3A_910, %iota3A : vector<16xi32>
      %mul3A_912 = arith.constant 0 : i32
      %mul3A_913 = vector.broadcast %mul3A_912 : i32 to vector<16xi32>
      %mul3A_914 = arith.muli %mul3A_913, %add3A_911 : vector<16xi32>
      %slice3A_915 = vector.extract_strided_slice %and3A_775 {offsets = [4], sizes = [1], strides = [1]} : vector<16xi32> to vector<1xi32>
      %squeeze3A_916 = vector.extract %slice3A_915[0] : i32 from vector<1xi32>
      %add3A_917 = vector.broadcast %squeeze3A_916 : i32 to vector<16xi32>
      %add3A_918 = arith.addi %mul3A_914, %add3A_917 : vector<16xi32>
      %gather3A_919 = tpu.vector_load_idx %arg10[%add3A_911, %add3A_918] : memref<256x128xf32, #tpu.memory_space<vmem>>[vector<16xi32>, vector<16xi32>], vector<16xf32>,
      %mul3A_920 = arith.constant 0 : i32
      %mul3A_921 = vector.broadcast %mul3A_920 : i32 to vector<16xi32>
      %mul3A_922 = arith.muli %mul3A_921, %add3A_911 : vector<16xi32>
      %slice3A_923 = vector.extract_strided_slice %and3A_778 {offsets = [4], sizes = [1], strides = [1]} : vector<16xi32> to vector<1xi32>
      %squeeze3A_924 = vector.extract %slice3A_923[0] : i32 from vector<1xi32>
      %add3A_925 = vector.broadcast %squeeze3A_924 : i32 to vector<16xi32>
      %add3A_926 = arith.addi %mul3A_922, %add3A_925 : vector<16xi32>
      %gather3A_927 = tpu.vector_load_idx %arg11[%add3A_911, %add3A_926] : memref<256x128xf32, #tpu.memory_space<vmem>>[vector<16xi32>, vector<16xi32>], vector<16xf32>,
      %mul3A_928 = arith.mulf %gather3A_919, %gather3A_927 : vector<16xf32>
      %mul3A_929 = arith.mulf %mul3A_928, %get3A_3 : vector<16xf32>
      %cumsum3A_930 = arith.constant true
      %cumsum3A_931 = vector.broadcast %cumsum3A_930 : i1 to vector<16xi1>
      %cumsum3A_932 = tpu.scan <sum>, %mul3A_929 masked %cumsum3A_931 : vector<16xf32>, vector<16xi1> -> vector<16xf32>
      %mul3A_933 = arith.constant 0 : i32
      %mul3A_934 = vector.broadcast %mul3A_933 : i32 to vector<16xi32>
      %mul3A_935 = arith.muli %mul3A_934, %add3A_911 : vector<16xi32>
      %mul3A_936 = arith.constant 16 : i32
      %mul3A_937 = arith.muli %scan3A_568, %mul3A_936 : i32
      %add3A_938 = arith.constant 4 : i32
      %add3A_939 = arith.addi %mul3A_937, %add3A_938 : i32
      %add3A_940 = vector.broadcast %add3A_939 : i32 to vector<16xi32>
      %add3A_941 = arith.addi %mul3A_935, %add3A_940 : vector<16xi32>
      tpu.vector_store_idx %arg14[%add3A_941], %cumsum3A_932 masked %eq3A_5 : memref<512xf32, #tpu.memory_space<vmem>>[vector<16xi32>], vector<16xf32>, vector<16xi1>
      %add3A_942 = arith.constant 80 : i32
      %add3A_943 = vector.broadcast %add3A_942 : i32 to vector<16xi32>
      %add3A_944 = arith.addi %add3A_943, %iota3A : vector<16xi32>
      %mul3A_945 = arith.constant 0 : i32
      %mul3A_946 = vector.broadcast %mul3A_945 : i32 to vector<16xi32>
      %mul3A_947 = arith.muli %mul3A_946, %add3A_944 : vector<16xi32>
      %slice3A_948 = vector.extract_strided_slice %and3A_775 {offsets = [5], sizes = [1], strides = [1]} : vector<16xi32> to vector<1xi32>
      %squeeze3A_949 = vector.extract %slice3A_948[0] : i32 from vector<1xi32>
      %add3A_950 = vector.broadcast %squeeze3A_949 : i32 to vector<16xi32>
      %add3A_951 = arith.addi %mul3A_947, %add3A_950 : vector<16xi32>
      %gather3A_952 = tpu.vector_load_idx %arg10[%add3A_944, %add3A_951] : memref<256x128xf32, #tpu.memory_space<vmem>>[vector<16xi32>, vector<16xi32>], vector<16xf32>,
      %mul3A_953 = arith.constant 0 : i32
      %mul3A_954 = vector.broadcast %mul3A_953 : i32 to vector<16xi32>
      %mul3A_955 = arith.muli %mul3A_954, %add3A_944 : vector<16xi32>
      %slice3A_956 = vector.extract_strided_slice %and3A_778 {offsets = [5], sizes = [1], strides = [1]} : vector<16xi32> to vector<1xi32>
      %squeeze3A_957 = vector.extract %slice3A_956[0] : i32 from vector<1xi32>
      %add3A_958 = vector.broadcast %squeeze3A_957 : i32 to vector<16xi32>
      %add3A_959 = arith.addi %mul3A_955, %add3A_958 : vector<16xi32>
      %gather3A_960 = tpu.vector_load_idx %arg11[%add3A_944, %add3A_959] : memref<256x128xf32, #tpu.memory_space<vmem>>[vector<16xi32>, vector<16xi32>], vector<16xf32>,
      %mul3A_961 = arith.mulf %gather3A_952, %gather3A_960 : vector<16xf32>
      %mul3A_962 = arith.mulf %mul3A_961, %get3A_3 : vector<16xf32>
      %cumsum3A_963 = arith.constant true
      %cumsum3A_964 = vector.broadcast %cumsum3A_963 : i1 to vector<16xi1>
      %cumsum3A_965 = tpu.scan <sum>, %mul3A_962 masked %cumsum3A_964 : vector<16xf32>, vector<16xi1> -> vector<16xf32>
      %mul3A_966 = arith.constant 0 : i32
      %mul3A_967 = vector.broadcast %mul3A_966 : i32 to vector<16xi32>
      %mul3A_968 = arith.muli %mul3A_967, %add3A_944 : vector<16xi32>
      %mul3A_969 = arith.constant 16 : i32
      %mul3A_970 = arith.muli %scan3A_568, %mul3A_969 : i32
      %add3A_971 = arith.constant 5 : i32
      %add3A_972 = arith.addi %mul3A_970, %add3A_971 : i32
      %add3A_973 = vector.broadcast %add3A_972 : i32 to vector<16xi32>
      %add3A_974 = arith.addi %mul3A_968, %add3A_973 : vector<16xi32>
      tpu.vector_store_idx %arg14[%add3A_974], %cumsum3A_965 masked %eq3A_5 : memref<512xf32, #tpu.memory_space<vmem>>[vector<16xi32>], vector<16xf32>, vector<16xi1>
      %add3A_975 = arith.constant 96 : i32
      %add3A_976 = vector.broadcast %add3A_975 : i32 to vector<16xi32>
      %add3A_977 = arith.addi %add3A_976, %iota3A : vector<16xi32>
      %mul3A_978 = arith.constant 0 : i32
      %mul3A_979 = vector.broadcast %mul3A_978 : i32 to vector<16xi32>
      %mul3A_980 = arith.muli %mul3A_979, %add3A_977 : vector<16xi32>
      %slice3A_981 = vector.extract_strided_slice %and3A_775 {offsets = [6], sizes = [1], strides = [1]} : vector<16xi32> to vector<1xi32>
      %squeeze3A_982 = vector.extract %slice3A_981[0] : i32 from vector<1xi32>
      %add3A_983 = vector.broadcast %squeeze3A_982 : i32 to vector<16xi32>
      %add3A_984 = arith.addi %mul3A_980, %add3A_983 : vector<16xi32>
      %gather3A_985 = tpu.vector_load_idx %arg10[%add3A_977, %add3A_984] : memref<256x128xf32, #tpu.memory_space<vmem>>[vector<16xi32>, vector<16xi32>], vector<16xf32>,
      %mul3A_986 = arith.constant 0 : i32
      %mul3A_987 = vector.broadcast %mul3A_986 : i32 to vector<16xi32>
      %mul3A_988 = arith.muli %mul3A_987, %add3A_977 : vector<16xi32>
      %slice3A_989 = vector.extract_strided_slice %and3A_778 {offsets = [6], sizes = [1], strides = [1]} : vector<16xi32> to vector<1xi32>
      %squeeze3A_990 = vector.extract %slice3A_989[0] : i32 from vector<1xi32>
      %add3A_991 = vector.broadcast %squeeze3A_990 : i32 to vector<16xi32>
      %add3A_992 = arith.addi %mul3A_988, %add3A_991 : vector<16xi32>
      %gather3A_993 = tpu.vector_load_idx %arg11[%add3A_977, %add3A_992] : memref<256x128xf32, #tpu.memory_space<vmem>>[vector<16xi32>, vector<16xi32>], vector<16xf32>,
      %mul3A_994 = arith.mulf %gather3A_985, %gather3A_993 : vector<16xf32>
      %mul3A_995 = arith.mulf %mul3A_994, %get3A_3 : vector<16xf32>
      %cumsum3A_996 = arith.constant true
      %cumsum3A_997 = vector.broadcast %cumsum3A_996 : i1 to vector<16xi1>
      %cumsum3A_998 = tpu.scan <sum>, %mul3A_995 masked %cumsum3A_997 : vector<16xf32>, vector<16xi1> -> vector<16xf32>
      %mul3A_999 = arith.constant 0 : i32
      %mul3A_1000 = vector.broadcast %mul3A_999 : i32 to vector<16xi32>
      %mul3A_1001 = arith.muli %mul3A_1000, %add3A_977 : vector<16xi32>
      %mul3A_1002 = arith.constant 16 : i32
      %mul3A_1003 = arith.muli %scan3A_568, %mul3A_1002 : i32
      %add3A_1004 = arith.constant 6 : i32
      %add3A_1005 = arith.addi %mul3A_1003, %add3A_1004 : i32
      %add3A_1006 = vector.broadcast %add3A_1005 : i32 to vector<16xi32>
      %add3A_1007 = arith.addi %mul3A_1001, %add3A_1006 : vector<16xi32>
      tpu.vector_store_idx %arg14[%add3A_1007], %cumsum3A_998 masked %eq3A_5 : memref<512xf32, #tpu.memory_space<vmem>>[vector<16xi32>], vector<16xf32>, vector<16xi1>
      %add3A_1008 = arith.constant 112 : i32
      %add3A_1009 = vector.broadcast %add3A_1008 : i32 to vector<16xi32>
      %add3A_1010 = arith.addi %add3A_1009, %iota3A : vector<16xi32>
      %mul3A_1011 = arith.constant 0 : i32
      %mul3A_1012 = vector.broadcast %mul3A_1011 : i32 to vector<16xi32>
      %mul3A_1013 = arith.muli %mul3A_1012, %add3A_1010 : vector<16xi32>
      %slice3A_1014 = vector.extract_strided_slice %and3A_775 {offsets = [7], sizes = [1], strides = [1]} : vector<16xi32> to vector<1xi32>
      %squeeze3A_1015 = vector.extract %slice3A_1014[0] : i32 from vector<1xi32>
      %add3A_1016 = vector.broadcast %squeeze3A_1015 : i32 to vector<16xi32>
      %add3A_1017 = arith.addi %mul3A_1013, %add3A_1016 : vector<16xi32>
      %gather3A_1018 = tpu.vector_load_idx %arg10[%add3A_1010, %add3A_1017] : memref<256x128xf32, #tpu.memory_space<vmem>>[vector<16xi32>, vector<16xi32>], vector<16xf32>,
      %mul3A_1019 = arith.constant 0 : i32
      %mul3A_1020 = vector.broadcast %mul3A_1019 : i32 to vector<16xi32>
      %mul3A_1021 = arith.muli %mul3A_1020, %add3A_1010 : vector<16xi32>
      %slice3A_1022 = vector.extract_strided_slice %and3A_778 {offsets = [7], sizes = [1], strides = [1]} : vector<16xi32> to vector<1xi32>
      %squeeze3A_1023 = vector.extract %slice3A_1022[0] : i32 from vector<1xi32>
      %add3A_1024 = vector.broadcast %squeeze3A_1023 : i32 to vector<16xi32>
      %add3A_1025 = arith.addi %mul3A_1021, %add3A_1024 : vector<16xi32>
      %gather3A_1026 = tpu.vector_load_idx %arg11[%add3A_1010, %add3A_1025] : memref<256x128xf32, #tpu.memory_space<vmem>>[vector<16xi32>, vector<16xi32>], vector<16xf32>,
      %mul3A_1027 = arith.mulf %gather3A_1018, %gather3A_1026 : vector<16xf32>
      %mul3A_1028 = arith.mulf %mul3A_1027, %get3A_3 : vector<16xf32>
      %cumsum3A_1029 = arith.constant true
      %cumsum3A_1030 = vector.broadcast %cumsum3A_1029 : i1 to vector<16xi1>
      %cumsum3A_1031 = tpu.scan <sum>, %mul3A_1028 masked %cumsum3A_1030 : vector<16xf32>, vector<16xi1> -> vector<16xf32>
      %mul3A_1032 = arith.constant 0 : i32
      %mul3A_1033 = vector.broadcast %mul3A_1032 : i32 to vector<16xi32>
      %mul3A_1034 = arith.muli %mul3A_1033, %add3A_1010 : vector<16xi32>
      %mul3A_1035 = arith.constant 16 : i32
      %mul3A_1036 = arith.muli %scan3A_568, %mul3A_1035 : i32
      %add3A_1037 = arith.constant 7 : i32
      %add3A_1038 = arith.addi %mul3A_1036, %add3A_1037 : i32
      %add3A_1039 = vector.broadcast %add3A_1038 : i32 to vector<16xi32>
      %add3A_1040 = arith.addi %mul3A_1034, %add3A_1039 : vector<16xi32>
      tpu.vector_store_idx %arg14[%add3A_1040], %cumsum3A_1031 masked %eq3A_5 : memref<512xf32, #tpu.memory_space<vmem>>[vector<16xi32>], vector<16xf32>, vector<16xi1>
      %lt3A = arith.constant 31 : i32
      %lt3A_1041 = arith.cmpi slt, %scan3A_568, %lt3A : i32
      %convert_element_type3A = arith.extui %lt3A_1041 : i1 to i32
      %cond3A = arith.constant 0 : i32
      %cond3A_1042 = arith.cmpi ne, %convert_element_type3A, %cond3A : i32
      scf.if %cond3A_1042 {
        %add3A_1510 = arith.constant 1 : i32
        %add3A_1511 = arith.addi %scan3A_568, %add3A_1510 : i32
        %mul3A_1512 = arith.constant 16 : i32
        %mul3A_1513 = arith.muli %add3A_1511, %mul3A_1512 : i32
        %get3A_1514 = arith.index_cast %mul3A_1513 : i32 to index
        %get3A_1515 = tpu.vector_load %arg8[%get3A_1514] {strides = array<i32>} : memref<512xi32, #tpu.memory_space<vmem>>, vector<16xi32>,
        %add3A_1516 = arith.constant 1000000 : i32
        %add3A_1517 = vector.broadcast %add3A_1516 : i32 to vector<16xi32>
        %add3A_1518 = arith.addi %get3A_1515, %add3A_1517 : vector<16xi32>
        %mul3A_1519 = arith.constant 16 : i32
        %mul3A_1520 = arith.muli %add3A_1511, %mul3A_1519 : i32
        %get3A_1521 = arith.index_cast %mul3A_1520 : i32 to index
        %get3A_1522 = tpu.vector_load %arg9[%get3A_1521] {strides = array<i32>} : memref<512xi32, #tpu.memory_space<vmem>>, vector<16xi32>,
        %add3A_1523 = arith.constant 1100000 : i32
        %add3A_1524 = vector.broadcast %add3A_1523 : i32 to vector<16xi32>
        %add3A_1525 = arith.addi %get3A_1522, %add3A_1524 : vector<16xi32>
        %slice3A_1526 = vector.extract_strided_slice %add3A_1518 {offsets = [0], sizes = [1], strides = [1]} : vector<16xi32> to vector<1xi32>
        %squeeze3A_1527 = vector.extract %slice3A_1526[0] : i32 from vector<1xi32>
        %shift_right_arithmetic3A_1528 = arith.constant 7 : i32
        %shift_right_arithmetic3A_1529 = arith.shrsi %squeeze3A_1527, %shift_right_arithmetic3A_1528 : i32
        %mul3A_1530 = arith.constant 128 : i32
        %mul3A_1531 = arith.muli %shift_right_arithmetic3A_1529, %mul3A_1530 : i32
        %multiple_of3A_1532 = tpu.assume_multiple %mul3A_1531, 128 : i32
        %slice3A_1533 = vector.extract_strided_slice %add3A_1525 {offsets = [0], sizes = [1], strides = [1]} : vector<16xi32> to vector<1xi32>
        %squeeze3A_1534 = vector.extract %slice3A_1533[0] : i32 from vector<1xi32>
        %shift_right_arithmetic3A_1535 = arith.constant 7 : i32
        %shift_right_arithmetic3A_1536 = arith.shrsi %squeeze3A_1534, %shift_right_arithmetic3A_1535 : i32
        %mul3A_1537 = arith.constant 128 : i32
        %mul3A_1538 = arith.muli %shift_right_arithmetic3A_1536, %mul3A_1537 : i32
        %multiple_of3A_1539 = tpu.assume_multiple %mul3A_1538, 128 : i32
        %dma_start3A_1540 = arith.constant 0 : i32
        %dma_start3A_1541 = arith.constant 0 : i32
        %dma_start3A_1542 = tpu.memref_slice %arg10[%dma_start3A_1540, %dma_start3A_1541] : memref<256x128xf32, #tpu.memory_space<vmem>> -> memref<16x128xf32, #tpu.memory_space<vmem>>
        %dma_start3A_1543 = arith.constant 0 : i32
        %dma_start3A_1544 = tpu.memref_slice %arg2[%dma_start3A_1543, %multiple_of3A_1532] : memref<16x2100000xf32, #tpu.memory_space<hbm>> -> memref<16x128xf32, #tpu.memory_space<hbm>>
        %dma_start3A_1545 = arith.constant 0 : i32
        %dma_start3A_1546 = arith.constant 0 : i32
        %dma_start3A_1547 = tpu.memref_slice %arg10[%dma_start3A_1545, %dma_start3A_1546] : memref<256x128xf32, #tpu.memory_space<vmem>> -> memref<16x128xf32, #tpu.memory_space<vmem>>
        %dma_start3A_1548 = arith.constant 0 : i32
        %dma_start3A_1549 = tpu.memref_slice %arg2[%dma_start3A_1548, %multiple_of3A_1532] : memref<16x2100000xf32, #tpu.memory_space<hbm>> -> memref<16x128xf32, #tpu.memory_space<hbm>>
        tpu.enqueue_dma source(%dma_start3A_1549 : memref<16x128xf32, #tpu.memory_space<hbm>>) target(%dma_start3A_1547 : memref<16x128xf32, #tpu.memory_space<vmem>>) target_semaphore(%arg15 : memref<!tpu.dma_semaphore, #tpu.memory_space<semaphore_mem>>)
        %dma_start3A_1550 = arith.constant 0 : i32
        %dma_start3A_1551 = arith.constant 0 : i32
        %dma_start3A_1552 = tpu.memref_slice %arg11[%dma_start3A_1550, %dma_start3A_1551] : memref<256x128xf32, #tpu.memory_space<vmem>> -> memref<16x128xf32, #tpu.memory_space<vmem>>
        %dma_start3A_1553 = arith.constant 0 : i32
        %dma_start3A_1554 = tpu.memref_slice %arg2[%dma_start3A_1553, %multiple_of3A_1539] : memref<16x2100000xf32, #tpu.memory_space<hbm>> -> memref<16x128xf32, #tpu.memory_space<hbm>>
        %dma_start3A_1555 = arith.constant 0 : i32
        %dma_start3A_1556 = arith.constant 0 : i32
        %dma_start3A_1557 = tpu.memref_slice %arg11[%dma_start3A_1555, %dma_start3A_1556] : memref<256x128xf32, #tpu.memory_space<vmem>> -> memref<16x128xf32, #tpu.memory_space<vmem>>
        %dma_start3A_1558 = arith.constant 0 : i32
        %dma_start3A_1559 = tpu.memref_slice %arg2[%dma_start3A_1558, %multiple_of3A_1539] : memref<16x2100000xf32, #tpu.memory_space<hbm>> -> memref<16x128xf32, #tpu.memory_space<hbm>>
        tpu.enqueue_dma source(%dma_start3A_1559 : memref<16x128xf32, #tpu.memory_space<hbm>>) target(%dma_start3A_1557 : memref<16x128xf32, #tpu.memory_space<vmem>>) target_semaphore(%arg15 : memref<!tpu.dma_semaphore, #tpu.memory_space<semaphore_mem>>)
        %slice3A_1560 = vector.extract_strided_slice %add3A_1518 {offsets = [1], sizes = [1], strides = [1]} : vector<16xi32> to vector<1xi32>
        %squeeze3A_1561 = vector.extract %slice3A_1560[0] : i32 from vector<1xi32>
        %shift_right_arithmetic3A_1562 = arith.constant 7 : i32
        %shift_right_arithmetic3A_1563 = arith.shrsi %squeeze3A_1561, %shift_right_arithmetic3A_1562 : i32
        %mul3A_1564 = arith.constant 128 : i32
        %mul3A_1565 = arith.muli %shift_right_arithmetic3A_1563, %mul3A_1564 : i32
        %multiple_of3A_1566 = tpu.assume_multiple %mul3A_1565, 128 : i32
        %slice3A_1567 = vector.extract_strided_slice %add3A_1525 {offsets = [1], sizes = [1], strides = [1]} : vector<16xi32> to vector<1xi32>
        %squeeze3A_1568 = vector.extract %slice3A_1567[0] : i32 from vector<1xi32>
        %shift_right_arithmetic3A_1569 = arith.constant 7 : i32
        %shift_right_arithmetic3A_1570 = arith.shrsi %squeeze3A_1568, %shift_right_arithmetic3A_1569 : i32
        %mul3A_1571 = arith.constant 128 : i32
        %mul3A_1572 = arith.muli %shift_right_arithmetic3A_1570, %mul3A_1571 : i32
        %multiple_of3A_1573 = tpu.assume_multiple %mul3A_1572, 128 : i32
        %dma_start3A_1574 = arith.constant 16 : i32
        %dma_start3A_1575 = arith.constant 0 : i32
        %dma_start3A_1576 = tpu.memref_slice %arg10[%dma_start3A_1574, %dma_start3A_1575] : memref<256x128xf32, #tpu.memory_space<vmem>> -> memref<16x128xf32, #tpu.memory_space<vmem>>
        %dma_start3A_1577 = arith.constant 0 : i32
        %dma_start3A_1578 = tpu.memref_slice %arg2[%dma_start3A_1577, %multiple_of3A_1566] : memref<16x2100000xf32, #tpu.memory_space<hbm>> -> memref<16x128xf32, #tpu.memory_space<hbm>>
        %dma_start3A_1579 = arith.constant 16 : i32
        %dma_start3A_1580 = arith.constant 0 : i32
        %dma_start3A_1581 = tpu.memref_slice %arg10[%dma_start3A_1579, %dma_start3A_1580] : memref<256x128xf32, #tpu.memory_space<vmem>> -> memref<16x128xf32, #tpu.memory_space<vmem>>
        %dma_start3A_1582 = arith.constant 0 : i32
        %dma_start3A_1583 = tpu.memref_slice %arg2[%dma_start3A_1582, %multiple_of3A_1566] : memref<16x2100000xf32, #tpu.memory_space<hbm>> -> memref<16x128xf32, #tpu.memory_space<hbm>>
        tpu.enqueue_dma source(%dma_start3A_1583 : memref<16x128xf32, #tpu.memory_space<hbm>>) target(%dma_start3A_1581 : memref<16x128xf32, #tpu.memory_space<vmem>>) target_semaphore(%arg15 : memref<!tpu.dma_semaphore, #tpu.memory_space<semaphore_mem>>)
        %dma_start3A_1584 = arith.constant 16 : i32
        %dma_start3A_1585 = arith.constant 0 : i32
        %dma_start3A_1586 = tpu.memref_slice %arg11[%dma_start3A_1584, %dma_start3A_1585] : memref<256x128xf32, #tpu.memory_space<vmem>> -> memref<16x128xf32, #tpu.memory_space<vmem>>
        %dma_start3A_1587 = arith.constant 0 : i32
        %dma_start3A_1588 = tpu.memref_slice %arg2[%dma_start3A_1587, %multiple_of3A_1573] : memref<16x2100000xf32, #tpu.memory_space<hbm>> -> memref<16x128xf32, #tpu.memory_space<hbm>>
        %dma_start3A_1589 = arith.constant 16 : i32
        %dma_start3A_1590 = arith.constant 0 : i32
        %dma_start3A_1591 = tpu.memref_slice %arg11[%dma_start3A_1589, %dma_start3A_1590] : memref<256x128xf32, #tpu.memory_space<vmem>> -> memref<16x128xf32, #tpu.memory_space<vmem>>
        %dma_start3A_1592 = arith.constant 0 : i32
        %dma_start3A_1593 = tpu.memref_slice %arg2[%dma_start3A_1592, %multiple_of3A_1573] : memref<16x2100000xf32, #tpu.memory_space<hbm>> -> memref<16x128xf32, #tpu.memory_space<hbm>>
        tpu.enqueue_dma source(%dma_start3A_1593 : memref<16x128xf32, #tpu.memory_space<hbm>>) target(%dma_start3A_1591 : memref<16x128xf32, #tpu.memory_space<vmem>>) target_semaphore(%arg15 : memref<!tpu.dma_semaphore, #tpu.memory_space<semaphore_mem>>)
        %slice3A_1594 = vector.extract_strided_slice %add3A_1518 {offsets = [2], sizes = [1], strides = [1]} : vector<16xi32> to vector<1xi32>
        %squeeze3A_1595 = vector.extract %slice3A_1594[0] : i32 from vector<1xi32>
        %shift_right_arithmetic3A_1596 = arith.constant 7 : i32
        %shift_right_arithmetic3A_1597 = arith.shrsi %squeeze3A_1595, %shift_right_arithmetic3A_1596 : i32
        %mul3A_1598 = arith.constant 128 : i32
        %mul3A_1599 = arith.muli %shift_right_arithmetic3A_1597, %mul3A_1598 : i32
        %multiple_of3A_1600 = tpu.assume_multiple %mul3A_1599, 128 : i32
        %slice3A_1601 = vector.extract_strided_slice %add3A_1525 {offsets = [2], sizes = [1], strides = [1]} : vector<16xi32> to vector<1xi32>
        %squeeze3A_1602 = vector.extract %slice3A_1601[0] : i32 from vector<1xi32>
        %shift_right_arithmetic3A_1603 = arith.constant 7 : i32
        %shift_right_arithmetic3A_1604 = arith.shrsi %squeeze3A_1602, %shift_right_arithmetic3A_1603 : i32
        %mul3A_1605 = arith.constant 128 : i32
        %mul3A_1606 = arith.muli %shift_right_arithmetic3A_1604, %mul3A_1605 : i32
        %multiple_of3A_1607 = tpu.assume_multiple %mul3A_1606, 128 : i32
        %dma_start3A_1608 = arith.constant 32 : i32
        %dma_start3A_1609 = arith.constant 0 : i32
        %dma_start3A_1610 = tpu.memref_slice %arg10[%dma_start3A_1608, %dma_start3A_1609] : memref<256x128xf32, #tpu.memory_space<vmem>> -> memref<16x128xf32, #tpu.memory_space<vmem>>
        %dma_start3A_1611 = arith.constant 0 : i32
        %dma_start3A_1612 = tpu.memref_slice %arg2[%dma_start3A_1611, %multiple_of3A_1600] : memref<16x2100000xf32, #tpu.memory_space<hbm>> -> memref<16x128xf32, #tpu.memory_space<hbm>>
        %dma_start3A_1613 = arith.constant 32 : i32
        %dma_start3A_1614 = arith.constant 0 : i32
        %dma_start3A_1615 = tpu.memref_slice %arg10[%dma_start3A_1613, %dma_start3A_1614] : memref<256x128xf32, #tpu.memory_space<vmem>> -> memref<16x128xf32, #tpu.memory_space<vmem>>
        %dma_start3A_1616 = arith.constant 0 : i32
        %dma_start3A_1617 = tpu.memref_slice %arg2[%dma_start3A_1616, %multiple_of3A_1600] : memref<16x2100000xf32, #tpu.memory_space<hbm>> -> memref<16x128xf32, #tpu.memory_space<hbm>>
        tpu.enqueue_dma source(%dma_start3A_1617 : memref<16x128xf32, #tpu.memory_space<hbm>>) target(%dma_start3A_1615 : memref<16x128xf32, #tpu.memory_space<vmem>>) target_semaphore(%arg15 : memref<!tpu.dma_semaphore, #tpu.memory_space<semaphore_mem>>)
        %dma_start3A_1618 = arith.constant 32 : i32
        %dma_start3A_1619 = arith.constant 0 : i32
        %dma_start3A_1620 = tpu.memref_slice %arg11[%dma_start3A_1618, %dma_start3A_1619] : memref<256x128xf32, #tpu.memory_space<vmem>> -> memref<16x128xf32, #tpu.memory_space<vmem>>
        %dma_start3A_1621 = arith.constant 0 : i32
        %dma_start3A_1622 = tpu.memref_slice %arg2[%dma_start3A_1621, %multiple_of3A_1607] : memref<16x2100000xf32, #tpu.memory_space<hbm>> -> memref<16x128xf32, #tpu.memory_space<hbm>>
        %dma_start3A_1623 = arith.constant 32 : i32
        %dma_start3A_1624 = arith.constant 0 : i32
        %dma_start3A_1625 = tpu.memref_slice %arg11[%dma_start3A_1623, %dma_start3A_1624] : memref<256x128xf32, #tpu.memory_space<vmem>> -> memref<16x128xf32, #tpu.memory_space<vmem>>
        %dma_start3A_1626 = arith.constant 0 : i32
        %dma_start3A_1627 = tpu.memref_slice %arg2[%dma_start3A_1626, %multiple_of3A_1607] : memref<16x2100000xf32, #tpu.memory_space<hbm>> -> memref<16x128xf32, #tpu.memory_space<hbm>>
        tpu.enqueue_dma source(%dma_start3A_1627 : memref<16x128xf32, #tpu.memory_space<hbm>>) target(%dma_start3A_1625 : memref<16x128xf32, #tpu.memory_space<vmem>>) target_semaphore(%arg15 : memref<!tpu.dma_semaphore, #tpu.memory_space<semaphore_mem>>)
        %slice3A_1628 = vector.extract_strided_slice %add3A_1518 {offsets = [3], sizes = [1], strides = [1]} : vector<16xi32> to vector<1xi32>
        %squeeze3A_1629 = vector.extract %slice3A_1628[0] : i32 from vector<1xi32>
        %shift_right_arithmetic3A_1630 = arith.constant 7 : i32
        %shift_right_arithmetic3A_1631 = arith.shrsi %squeeze3A_1629, %shift_right_arithmetic3A_1630 : i32
        %mul3A_1632 = arith.constant 128 : i32
        %mul3A_1633 = arith.muli %shift_right_arithmetic3A_1631, %mul3A_1632 : i32
        %multiple_of3A_1634 = tpu.assume_multiple %mul3A_1633, 128 : i32
        %slice3A_1635 = vector.extract_strided_slice %add3A_1525 {offsets = [3], sizes = [1], strides = [1]} : vector<16xi32> to vector<1xi32>
        %squeeze3A_1636 = vector.extract %slice3A_1635[0] : i32 from vector<1xi32>
        %shift_right_arithmetic3A_1637 = arith.constant 7 : i32
        %shift_right_arithmetic3A_1638 = arith.shrsi %squeeze3A_1636, %shift_right_arithmetic3A_1637 : i32
        %mul3A_1639 = arith.constant 128 : i32
        %mul3A_1640 = arith.muli %shift_right_arithmetic3A_1638, %mul3A_1639 : i32
        %multiple_of3A_1641 = tpu.assume_multiple %mul3A_1640, 128 : i32
        %dma_start3A_1642 = arith.constant 48 : i32
        %dma_start3A_1643 = arith.constant 0 : i32
        %dma_start3A_1644 = tpu.memref_slice %arg10[%dma_start3A_1642, %dma_start3A_1643] : memref<256x128xf32, #tpu.memory_space<vmem>> -> memref<16x128xf32, #tpu.memory_space<vmem>>
        %dma_start3A_1645 = arith.constant 0 : i32
        %dma_start3A_1646 = tpu.memref_slice %arg2[%dma_start3A_1645, %multiple_of3A_1634] : memref<16x2100000xf32, #tpu.memory_space<hbm>> -> memref<16x128xf32, #tpu.memory_space<hbm>>
        %dma_start3A_1647 = arith.constant 48 : i32
        %dma_start3A_1648 = arith.constant 0 : i32
        %dma_start3A_1649 = tpu.memref_slice %arg10[%dma_start3A_1647, %dma_start3A_1648] : memref<256x128xf32, #tpu.memory_space<vmem>> -> memref<16x128xf32, #tpu.memory_space<vmem>>
        %dma_start3A_1650 = arith.constant 0 : i32
        %dma_start3A_1651 = tpu.memref_slice %arg2[%dma_start3A_1650, %multiple_of3A_1634] : memref<16x2100000xf32, #tpu.memory_space<hbm>> -> memref<16x128xf32, #tpu.memory_space<hbm>>
        tpu.enqueue_dma source(%dma_start3A_1651 : memref<16x128xf32, #tpu.memory_space<hbm>>) target(%dma_start3A_1649 : memref<16x128xf32, #tpu.memory_space<vmem>>) target_semaphore(%arg15 : memref<!tpu.dma_semaphore, #tpu.memory_space<semaphore_mem>>)
        %dma_start3A_1652 = arith.constant 48 : i32
        %dma_start3A_1653 = arith.constant 0 : i32
        %dma_start3A_1654 = tpu.memref_slice %arg11[%dma_start3A_1652, %dma_start3A_1653] : memref<256x128xf32, #tpu.memory_space<vmem>> -> memref<16x128xf32, #tpu.memory_space<vmem>>
        %dma_start3A_1655 = arith.constant 0 : i32
        %dma_start3A_1656 = tpu.memref_slice %arg2[%dma_start3A_1655, %multiple_of3A_1641] : memref<16x2100000xf32, #tpu.memory_space<hbm>> -> memref<16x128xf32, #tpu.memory_space<hbm>>
        %dma_start3A_1657 = arith.constant 48 : i32
        %dma_start3A_1658 = arith.constant 0 : i32
        %dma_start3A_1659 = tpu.memref_slice %arg11[%dma_start3A_1657, %dma_start3A_1658] : memref<256x128xf32, #tpu.memory_space<vmem>> -> memref<16x128xf32, #tpu.memory_space<vmem>>
        %dma_start3A_1660 = arith.constant 0 : i32
        %dma_start3A_1661 = tpu.memref_slice %arg2[%dma_start3A_1660, %multiple_of3A_1641] : memref<16x2100000xf32, #tpu.memory_space<hbm>> -> memref<16x128xf32, #tpu.memory_space<hbm>>
        tpu.enqueue_dma source(%dma_start3A_1661 : memref<16x128xf32, #tpu.memory_space<hbm>>) target(%dma_start3A_1659 : memref<16x128xf32, #tpu.memory_space<vmem>>) target_semaphore(%arg15 : memref<!tpu.dma_semaphore, #tpu.memory_space<semaphore_mem>>)
        %slice3A_1662 = vector.extract_strided_slice %add3A_1518 {offsets = [4], sizes = [1], strides = [1]} : vector<16xi32> to vector<1xi32>
        %squeeze3A_1663 = vector.extract %slice3A_1662[0] : i32 from vector<1xi32>
        %shift_right_arithmetic3A_1664 = arith.constant 7 : i32
        %shift_right_arithmetic3A_1665 = arith.shrsi %squeeze3A_1663, %shift_right_arithmetic3A_1664 : i32
        %mul3A_1666 = arith.constant 128 : i32
        %mul3A_1667 = arith.muli %shift_right_arithmetic3A_1665, %mul3A_1666 : i32
        %multiple_of3A_1668 = tpu.assume_multiple %mul3A_1667, 128 : i32
        %slice3A_1669 = vector.extract_strided_slice %add3A_1525 {offsets = [4], sizes = [1], strides = [1]} : vector<16xi32> to vector<1xi32>
        %squeeze3A_1670 = vector.extract %slice3A_1669[0] : i32 from vector<1xi32>
        %shift_right_arithmetic3A_1671 = arith.constant 7 : i32
        %shift_right_arithmetic3A_1672 = arith.shrsi %squeeze3A_1670, %shift_right_arithmetic3A_1671 : i32
        %mul3A_1673 = arith.constant 128 : i32
        %mul3A_1674 = arith.muli %shift_right_arithmetic3A_1672, %mul3A_1673 : i32
        %multiple_of3A_1675 = tpu.assume_multiple %mul3A_1674, 128 : i32
        %dma_start3A_1676 = arith.constant 64 : i32
        %dma_start3A_1677 = arith.constant 0 : i32
        %dma_start3A_1678 = tpu.memref_slice %arg10[%dma_start3A_1676, %dma_start3A_1677] : memref<256x128xf32, #tpu.memory_space<vmem>> -> memref<16x128xf32, #tpu.memory_space<vmem>>
        %dma_start3A_1679 = arith.constant 0 : i32
        %dma_start3A_1680 = tpu.memref_slice %arg2[%dma_start3A_1679, %multiple_of3A_1668] : memref<16x2100000xf32, #tpu.memory_space<hbm>> -> memref<16x128xf32, #tpu.memory_space<hbm>>
        %dma_start3A_1681 = arith.constant 64 : i32
        %dma_start3A_1682 = arith.constant 0 : i32
        %dma_start3A_1683 = tpu.memref_slice %arg10[%dma_start3A_1681, %dma_start3A_1682] : memref<256x128xf32, #tpu.memory_space<vmem>> -> memref<16x128xf32, #tpu.memory_space<vmem>>
        %dma_start3A_1684 = arith.constant 0 : i32
        %dma_start3A_1685 = tpu.memref_slice %arg2[%dma_start3A_1684, %multiple_of3A_1668] : memref<16x2100000xf32, #tpu.memory_space<hbm>> -> memref<16x128xf32, #tpu.memory_space<hbm>>
        tpu.enqueue_dma source(%dma_start3A_1685 : memref<16x128xf32, #tpu.memory_space<hbm>>) target(%dma_start3A_1683 : memref<16x128xf32, #tpu.memory_space<vmem>>) target_semaphore(%arg15 : memref<!tpu.dma_semaphore, #tpu.memory_space<semaphore_mem>>)
        %dma_start3A_1686 = arith.constant 64 : i32
        %dma_start3A_1687 = arith.constant 0 : i32
        %dma_start3A_1688 = tpu.memref_slice %arg11[%dma_start3A_1686, %dma_start3A_1687] : memref<256x128xf32, #tpu.memory_space<vmem>> -> memref<16x128xf32, #tpu.memory_space<vmem>>
        %dma_start3A_1689 = arith.constant 0 : i32
        %dma_start3A_1690 = tpu.memref_slice %arg2[%dma_start3A_1689, %multiple_of3A_1675] : memref<16x2100000xf32, #tpu.memory_space<hbm>> -> memref<16x128xf32, #tpu.memory_space<hbm>>
        %dma_start3A_1691 = arith.constant 64 : i32
        %dma_start3A_1692 = arith.constant 0 : i32
        %dma_start3A_1693 = tpu.memref_slice %arg11[%dma_start3A_1691, %dma_start3A_1692] : memref<256x128xf32, #tpu.memory_space<vmem>> -> memref<16x128xf32, #tpu.memory_space<vmem>>
        %dma_start3A_1694 = arith.constant 0 : i32
        %dma_start3A_1695 = tpu.memref_slice %arg2[%dma_start3A_1694, %multiple_of3A_1675] : memref<16x2100000xf32, #tpu.memory_space<hbm>> -> memref<16x128xf32, #tpu.memory_space<hbm>>
        tpu.enqueue_dma source(%dma_start3A_1695 : memref<16x128xf32, #tpu.memory_space<hbm>>) target(%dma_start3A_1693 : memref<16x128xf32, #tpu.memory_space<vmem>>) target_semaphore(%arg15 : memref<!tpu.dma_semaphore, #tpu.memory_space<semaphore_mem>>)
        %slice3A_1696 = vector.extract_strided_slice %add3A_1518 {offsets = [5], sizes = [1], strides = [1]} : vector<16xi32> to vector<1xi32>
        %squeeze3A_1697 = vector.extract %slice3A_1696[0] : i32 from vector<1xi32>
        %shift_right_arithmetic3A_1698 = arith.constant 7 : i32
        %shift_right_arithmetic3A_1699 = arith.shrsi %squeeze3A_1697, %shift_right_arithmetic3A_1698 : i32
        %mul3A_1700 = arith.constant 128 : i32
        %mul3A_1701 = arith.muli %shift_right_arithmetic3A_1699, %mul3A_1700 : i32
        %multiple_of3A_1702 = tpu.assume_multiple %mul3A_1701, 128 : i32
        %slice3A_1703 = vector.extract_strided_slice %add3A_1525 {offsets = [5], sizes = [1], strides = [1]} : vector<16xi32> to vector<1xi32>
        %squeeze3A_1704 = vector.extract %slice3A_1703[0] : i32 from vector<1xi32>
        %shift_right_arithmetic3A_1705 = arith.constant 7 : i32
        %shift_right_arithmetic3A_1706 = arith.shrsi %squeeze3A_1704, %shift_right_arithmetic3A_1705 : i32
        %mul3A_1707 = arith.constant 128 : i32
        %mul3A_1708 = arith.muli %shift_right_arithmetic3A_1706, %mul3A_1707 : i32
        %multiple_of3A_1709 = tpu.assume_multiple %mul3A_1708, 128 : i32
        %dma_start3A_1710 = arith.constant 80 : i32
        %dma_start3A_1711 = arith.constant 0 : i32
        %dma_start3A_1712 = tpu.memref_slice %arg10[%dma_start3A_1710, %dma_start3A_1711] : memref<256x128xf32, #tpu.memory_space<vmem>> -> memref<16x128xf32, #tpu.memory_space<vmem>>
        %dma_start3A_1713 = arith.constant 0 : i32
        %dma_start3A_1714 = tpu.memref_slice %arg2[%dma_start3A_1713, %multiple_of3A_1702] : memref<16x2100000xf32, #tpu.memory_space<hbm>> -> memref<16x128xf32, #tpu.memory_space<hbm>>
        %dma_start3A_1715 = arith.constant 80 : i32
        %dma_start3A_1716 = arith.constant 0 : i32
        %dma_start3A_1717 = tpu.memref_slice %arg10[%dma_start3A_1715, %dma_start3A_1716] : memref<256x128xf32, #tpu.memory_space<vmem>> -> memref<16x128xf32, #tpu.memory_space<vmem>>
        %dma_start3A_1718 = arith.constant 0 : i32
        %dma_start3A_1719 = tpu.memref_slice %arg2[%dma_start3A_1718, %multiple_of3A_1702] : memref<16x2100000xf32, #tpu.memory_space<hbm>> -> memref<16x128xf32, #tpu.memory_space<hbm>>
        tpu.enqueue_dma source(%dma_start3A_1719 : memref<16x128xf32, #tpu.memory_space<hbm>>) target(%dma_start3A_1717 : memref<16x128xf32, #tpu.memory_space<vmem>>) target_semaphore(%arg15 : memref<!tpu.dma_semaphore, #tpu.memory_space<semaphore_mem>>)
        %dma_start3A_1720 = arith.constant 80 : i32
        %dma_start3A_1721 = arith.constant 0 : i32
        %dma_start3A_1722 = tpu.memref_slice %arg11[%dma_start3A_1720, %dma_start3A_1721] : memref<256x128xf32, #tpu.memory_space<vmem>> -> memref<16x128xf32, #tpu.memory_space<vmem>>
        %dma_start3A_1723 = arith.constant 0 : i32
        %dma_start3A_1724 = tpu.memref_slice %arg2[%dma_start3A_1723, %multiple_of3A_1709] : memref<16x2100000xf32, #tpu.memory_space<hbm>> -> memref<16x128xf32, #tpu.memory_space<hbm>>
        %dma_start3A_1725 = arith.constant 80 : i32
        %dma_start3A_1726 = arith.constant 0 : i32
        %dma_start3A_1727 = tpu.memref_slice %arg11[%dma_start3A_1725, %dma_start3A_1726] : memref<256x128xf32, #tpu.memory_space<vmem>> -> memref<16x128xf32, #tpu.memory_space<vmem>>
        %dma_start3A_1728 = arith.constant 0 : i32
        %dma_start3A_1729 = tpu.memref_slice %arg2[%dma_start3A_1728, %multiple_of3A_1709] : memref<16x2100000xf32, #tpu.memory_space<hbm>> -> memref<16x128xf32, #tpu.memory_space<hbm>>
        tpu.enqueue_dma source(%dma_start3A_1729 : memref<16x128xf32, #tpu.memory_space<hbm>>) target(%dma_start3A_1727 : memref<16x128xf32, #tpu.memory_space<vmem>>) target_semaphore(%arg15 : memref<!tpu.dma_semaphore, #tpu.memory_space<semaphore_mem>>)
        %slice3A_1730 = vector.extract_strided_slice %add3A_1518 {offsets = [6], sizes = [1], strides = [1]} : vector<16xi32> to vector<1xi32>
        %squeeze3A_1731 = vector.extract %slice3A_1730[0] : i32 from vector<1xi32>
        %shift_right_arithmetic3A_1732 = arith.constant 7 : i32
        %shift_right_arithmetic3A_1733 = arith.shrsi %squeeze3A_1731, %shift_right_arithmetic3A_1732 : i32
        %mul3A_1734 = arith.constant 128 : i32
        %mul3A_1735 = arith.muli %shift_right_arithmetic3A_1733, %mul3A_1734 : i32
        %multiple_of3A_1736 = tpu.assume_multiple %mul3A_1735, 128 : i32
        %slice3A_1737 = vector.extract_strided_slice %add3A_1525 {offsets = [6], sizes = [1], strides = [1]} : vector<16xi32> to vector<1xi32>
        %squeeze3A_1738 = vector.extract %slice3A_1737[0] : i32 from vector<1xi32>
        %shift_right_arithmetic3A_1739 = arith.constant 7 : i32
        %shift_right_arithmetic3A_1740 = arith.shrsi %squeeze3A_1738, %shift_right_arithmetic3A_1739 : i32
        %mul3A_1741 = arith.constant 128 : i32
        %mul3A_1742 = arith.muli %shift_right_arithmetic3A_1740, %mul3A_1741 : i32
        %multiple_of3A_1743 = tpu.assume_multiple %mul3A_1742, 128 : i32
        %dma_start3A_1744 = arith.constant 96 : i32
        %dma_start3A_1745 = arith.constant 0 : i32
        %dma_start3A_1746 = tpu.memref_slice %arg10[%dma_start3A_1744, %dma_start3A_1745] : memref<256x128xf32, #tpu.memory_space<vmem>> -> memref<16x128xf32, #tpu.memory_space<vmem>>
        %dma_start3A_1747 = arith.constant 0 : i32
        %dma_start3A_1748 = tpu.memref_slice %arg2[%dma_start3A_1747, %multiple_of3A_1736] : memref<16x2100000xf32, #tpu.memory_space<hbm>> -> memref<16x128xf32, #tpu.memory_space<hbm>>
        %dma_start3A_1749 = arith.constant 96 : i32
        %dma_start3A_1750 = arith.constant 0 : i32
        %dma_start3A_1751 = tpu.memref_slice %arg10[%dma_start3A_1749, %dma_start3A_1750] : memref<256x128xf32, #tpu.memory_space<vmem>> -> memref<16x128xf32, #tpu.memory_space<vmem>>
        %dma_start3A_1752 = arith.constant 0 : i32
        %dma_start3A_1753 = tpu.memref_slice %arg2[%dma_start3A_1752, %multiple_of3A_1736] : memref<16x2100000xf32, #tpu.memory_space<hbm>> -> memref<16x128xf32, #tpu.memory_space<hbm>>
        tpu.enqueue_dma source(%dma_start3A_1753 : memref<16x128xf32, #tpu.memory_space<hbm>>) target(%dma_start3A_1751 : memref<16x128xf32, #tpu.memory_space<vmem>>) target_semaphore(%arg15 : memref<!tpu.dma_semaphore, #tpu.memory_space<semaphore_mem>>)
        %dma_start3A_1754 = arith.constant 96 : i32
        %dma_start3A_1755 = arith.constant 0 : i32
        %dma_start3A_1756 = tpu.memref_slice %arg11[%dma_start3A_1754, %dma_start3A_1755] : memref<256x128xf32, #tpu.memory_space<vmem>> -> memref<16x128xf32, #tpu.memory_space<vmem>>
        %dma_start3A_1757 = arith.constant 0 : i32
        %dma_start3A_1758 = tpu.memref_slice %arg2[%dma_start3A_1757, %multiple_of3A_1743] : memref<16x2100000xf32, #tpu.memory_space<hbm>> -> memref<16x128xf32, #tpu.memory_space<hbm>>
        %dma_start3A_1759 = arith.constant 96 : i32
        %dma_start3A_1760 = arith.constant 0 : i32
        %dma_start3A_1761 = tpu.memref_slice %arg11[%dma_start3A_1759, %dma_start3A_1760] : memref<256x128xf32, #tpu.memory_space<vmem>> -> memref<16x128xf32, #tpu.memory_space<vmem>>
        %dma_start3A_1762 = arith.constant 0 : i32
        %dma_start3A_1763 = tpu.memref_slice %arg2[%dma_start3A_1762, %multiple_of3A_1743] : memref<16x2100000xf32, #tpu.memory_space<hbm>> -> memref<16x128xf32, #tpu.memory_space<hbm>>
        tpu.enqueue_dma source(%dma_start3A_1763 : memref<16x128xf32, #tpu.memory_space<hbm>>) target(%dma_start3A_1761 : memref<16x128xf32, #tpu.memory_space<vmem>>) target_semaphore(%arg15 : memref<!tpu.dma_semaphore, #tpu.memory_space<semaphore_mem>>)
        %slice3A_1764 = vector.extract_strided_slice %add3A_1518 {offsets = [7], sizes = [1], strides = [1]} : vector<16xi32> to vector<1xi32>
        %squeeze3A_1765 = vector.extract %slice3A_1764[0] : i32 from vector<1xi32>
        %shift_right_arithmetic3A_1766 = arith.constant 7 : i32
        %shift_right_arithmetic3A_1767 = arith.shrsi %squeeze3A_1765, %shift_right_arithmetic3A_1766 : i32
        %mul3A_1768 = arith.constant 128 : i32
        %mul3A_1769 = arith.muli %shift_right_arithmetic3A_1767, %mul3A_1768 : i32
        %multiple_of3A_1770 = tpu.assume_multiple %mul3A_1769, 128 : i32
        %slice3A_1771 = vector.extract_strided_slice %add3A_1525 {offsets = [7], sizes = [1], strides = [1]} : vector<16xi32> to vector<1xi32>
        %squeeze3A_1772 = vector.extract %slice3A_1771[0] : i32 from vector<1xi32>
        %shift_right_arithmetic3A_1773 = arith.constant 7 : i32
        %shift_right_arithmetic3A_1774 = arith.shrsi %squeeze3A_1772, %shift_right_arithmetic3A_1773 : i32
        %mul3A_1775 = arith.constant 128 : i32
        %mul3A_1776 = arith.muli %shift_right_arithmetic3A_1774, %mul3A_1775 : i32
        %multiple_of3A_1777 = tpu.assume_multiple %mul3A_1776, 128 : i32
        %dma_start3A_1778 = arith.constant 112 : i32
        %dma_start3A_1779 = arith.constant 0 : i32
        %dma_start3A_1780 = tpu.memref_slice %arg10[%dma_start3A_1778, %dma_start3A_1779] : memref<256x128xf32, #tpu.memory_space<vmem>> -> memref<16x128xf32, #tpu.memory_space<vmem>>
        %dma_start3A_1781 = arith.constant 0 : i32
        %dma_start3A_1782 = tpu.memref_slice %arg2[%dma_start3A_1781, %multiple_of3A_1770] : memref<16x2100000xf32, #tpu.memory_space<hbm>> -> memref<16x128xf32, #tpu.memory_space<hbm>>
        %dma_start3A_1783 = arith.constant 112 : i32
        %dma_start3A_1784 = arith.constant 0 : i32
        %dma_start3A_1785 = tpu.memref_slice %arg10[%dma_start3A_1783, %dma_start3A_1784] : memref<256x128xf32, #tpu.memory_space<vmem>> -> memref<16x128xf32, #tpu.memory_space<vmem>>
        %dma_start3A_1786 = arith.constant 0 : i32
        %dma_start3A_1787 = tpu.memref_slice %arg2[%dma_start3A_1786, %multiple_of3A_1770] : memref<16x2100000xf32, #tpu.memory_space<hbm>> -> memref<16x128xf32, #tpu.memory_space<hbm>>
        tpu.enqueue_dma source(%dma_start3A_1787 : memref<16x128xf32, #tpu.memory_space<hbm>>) target(%dma_start3A_1785 : memref<16x128xf32, #tpu.memory_space<vmem>>) target_semaphore(%arg15 : memref<!tpu.dma_semaphore, #tpu.memory_space<semaphore_mem>>)
        %dma_start3A_1788 = arith.constant 112 : i32
        %dma_start3A_1789 = arith.constant 0 : i32
        %dma_start3A_1790 = tpu.memref_slice %arg11[%dma_start3A_1788, %dma_start3A_1789] : memref<256x128xf32, #tpu.memory_space<vmem>> -> memref<16x128xf32, #tpu.memory_space<vmem>>
        %dma_start3A_1791 = arith.constant 0 : i32
        %dma_start3A_1792 = tpu.memref_slice %arg2[%dma_start3A_1791, %multiple_of3A_1777] : memref<16x2100000xf32, #tpu.memory_space<hbm>> -> memref<16x128xf32, #tpu.memory_space<hbm>>
        %dma_start3A_1793 = arith.constant 112 : i32
        %dma_start3A_1794 = arith.constant 0 : i32
        %dma_start3A_1795 = tpu.memref_slice %arg11[%dma_start3A_1793, %dma_start3A_1794] : memref<256x128xf32, #tpu.memory_space<vmem>> -> memref<16x128xf32, #tpu.memory_space<vmem>>
        %dma_start3A_1796 = arith.constant 0 : i32
        %dma_start3A_1797 = tpu.memref_slice %arg2[%dma_start3A_1796, %multiple_of3A_1777] : memref<16x2100000xf32, #tpu.memory_space<hbm>> -> memref<16x128xf32, #tpu.memory_space<hbm>>
        tpu.enqueue_dma source(%dma_start3A_1797 : memref<16x128xf32, #tpu.memory_space<hbm>>) target(%dma_start3A_1795 : memref<16x128xf32, #tpu.memory_space<vmem>>) target_semaphore(%arg15 : memref<!tpu.dma_semaphore, #tpu.memory_space<semaphore_mem>>)
      } else {
      }
      %dma_wait3A_1043 = arith.constant 0 : i32
      %dma_wait3A_1044 = arith.constant 0 : i32
      %dma_wait3A_1045 = tpu.memref_slice %arg10[%dma_wait3A_1043, %dma_wait3A_1044] : memref<256x128xf32, #tpu.memory_space<vmem>> -> memref<16x128xf32, #tpu.memory_space<vmem>>
      %dma_wait3A_1046 = arith.constant 0 : i32
      %dma_wait3A_1047 = arith.constant 0 : i32
      %dma_wait3A_1048 = tpu.memref_slice %arg2[%dma_wait3A_1046, %dma_wait3A_1047] : memref<16x2100000xf32, #tpu.memory_space<hbm>> -> memref<16x128xf32, #tpu.memory_space<hbm>>
      %dma_wait3A_1049 = arith.constant 0 : i32
      %dma_wait3A_1050 = arith.constant 0 : i32
      %dma_wait3A_1051 = tpu.memref_slice %arg10[%dma_wait3A_1049, %dma_wait3A_1050] : memref<256x128xf32, #tpu.memory_space<vmem>> -> memref<16x128xf32, #tpu.memory_space<vmem>>
      %dma_wait3A_1052 = arith.constant 0 : i32
      %dma_wait3A_1053 = arith.constant 0 : i32
      %dma_wait3A_1054 = tpu.memref_slice %arg2[%dma_wait3A_1052, %dma_wait3A_1053] : memref<16x2100000xf32, #tpu.memory_space<hbm>> -> memref<16x128xf32, #tpu.memory_space<hbm>>
      tpu.wait_dma2 semaphore(%arg16 : memref<!tpu.dma_semaphore, #tpu.memory_space<semaphore_mem>>) src(%dma_wait3A_1054 : memref<16x128xf32, #tpu.memory_space<hbm>>) dst(%dma_wait3A_1051 : memref<16x128xf32, #tpu.memory_space<vmem>>)
      %dma_wait3A_1055 = arith.constant 0 : i32
      %dma_wait3A_1056 = arith.constant 0 : i32
      %dma_wait3A_1057 = tpu.memref_slice %arg11[%dma_wait3A_1055, %dma_wait3A_1056] : memref<256x128xf32, #tpu.memory_space<vmem>> -> memref<16x128xf32, #tpu.memory_space<vmem>>
      %dma_wait3A_1058 = arith.constant 0 : i32
      %dma_wait3A_1059 = arith.constant 0 : i32
      %dma_wait3A_1060 = tpu.memref_slice %arg2[%dma_wait3A_1058, %dma_wait3A_1059] : memref<16x2100000xf32, #tpu.memory_space<hbm>> -> memref<16x128xf32, #tpu.memory_space<hbm>>
      %dma_wait3A_1061 = arith.constant 0 : i32
      %dma_wait3A_1062 = arith.constant 0 : i32
      %dma_wait3A_1063 = tpu.memref_slice %arg11[%dma_wait3A_1061, %dma_wait3A_1062] : memref<256x128xf32, #tpu.memory_space<vmem>> -> memref<16x128xf32, #tpu.memory_space<vmem>>
      %dma_wait3A_1064 = arith.constant 0 : i32
      %dma_wait3A_1065 = arith.constant 0 : i32
      %dma_wait3A_1066 = tpu.memref_slice %arg2[%dma_wait3A_1064, %dma_wait3A_1065] : memref<16x2100000xf32, #tpu.memory_space<hbm>> -> memref<16x128xf32, #tpu.memory_space<hbm>>
      tpu.wait_dma2 semaphore(%arg16 : memref<!tpu.dma_semaphore, #tpu.memory_space<semaphore_mem>>) src(%dma_wait3A_1066 : memref<16x128xf32, #tpu.memory_space<hbm>>) dst(%dma_wait3A_1063 : memref<16x128xf32, #tpu.memory_space<vmem>>)
      %dma_wait3A_1067 = arith.constant 0 : i32
      %dma_wait3A_1068 = arith.constant 0 : i32
      %dma_wait3A_1069 = tpu.memref_slice %arg10[%dma_wait3A_1067, %dma_wait3A_1068] : memref<256x128xf32, #tpu.memory_space<vmem>> -> memref<16x128xf32, #tpu.memory_space<vmem>>
      %dma_wait3A_1070 = arith.constant 0 : i32
      %dma_wait3A_1071 = arith.constant 0 : i32
      %dma_wait3A_1072 = tpu.memref_slice %arg2[%dma_wait3A_1070, %dma_wait3A_1071] : memref<16x2100000xf32, #tpu.memory_space<hbm>> -> memref<16x128xf32, #tpu.memory_space<hbm>>
      %dma_wait3A_1073 = arith.constant 0 : i32
      %dma_wait3A_1074 = arith.constant 0 : i32
      %dma_wait3A_1075 = tpu.memref_slice %arg10[%dma_wait3A_1073, %dma_wait3A_1074] : memref<256x128xf32, #tpu.memory_space<vmem>> -> memref<16x128xf32, #tpu.memory_space<vmem>>
      %dma_wait3A_1076 = arith.constant 0 : i32
      %dma_wait3A_1077 = arith.constant 0 : i32
      %dma_wait3A_1078 = tpu.memref_slice %arg2[%dma_wait3A_1076, %dma_wait3A_1077] : memref<16x2100000xf32, #tpu.memory_space<hbm>> -> memref<16x128xf32, #tpu.memory_space<hbm>>
      tpu.wait_dma2 semaphore(%arg16 : memref<!tpu.dma_semaphore, #tpu.memory_space<semaphore_mem>>) src(%dma_wait3A_1078 : memref<16x128xf32, #tpu.memory_space<hbm>>) dst(%dma_wait3A_1075 : memref<16x128xf32, #tpu.memory_space<vmem>>)
      %dma_wait3A_1079 = arith.constant 0 : i32
      %dma_wait3A_1080 = arith.constant 0 : i32
      %dma_wait3A_1081 = tpu.memref_slice %arg11[%dma_wait3A_1079, %dma_wait3A_1080] : memref<256x128xf32, #tpu.memory_space<vmem>> -> memref<16x128xf32, #tpu.memory_space<vmem>>
      %dma_wait3A_1082 = arith.constant 0 : i32
      %dma_wait3A_1083 = arith.constant 0 : i32
      %dma_wait3A_1084 = tpu.memref_slice %arg2[%dma_wait3A_1082, %dma_wait3A_1083] : memref<16x2100000xf32, #tpu.memory_space<hbm>> -> memref<16x128xf32, #tpu.memory_space<hbm>>
      %dma_wait3A_1085 = arith.constant 0 : i32
      %dma_wait3A_1086 = arith.constant 0 : i32
      %dma_wait3A_1087 = tpu.memref_slice %arg11[%dma_wait3A_1085, %dma_wait3A_1086] : memref<256x128xf32, #tpu.memory_space<vmem>> -> memref<16x128xf32, #tpu.memory_space<vmem>>
      %dma_wait3A_1088 = arith.constant 0 : i32
      %dma_wait3A_1089 = arith.constant 0 : i32
      %dma_wait3A_1090 = tpu.memref_slice %arg2[%dma_wait3A_1088, %dma_wait3A_1089] : memref<16x2100000xf32, #tpu.memory_space<hbm>> -> memref<16x128xf32, #tpu.memory_space<hbm>>
      tpu.wait_dma2 semaphore(%arg16 : memref<!tpu.dma_semaphore, #tpu.memory_space<semaphore_mem>>) src(%dma_wait3A_1090 : memref<16x128xf32, #tpu.memory_space<hbm>>) dst(%dma_wait3A_1087 : memref<16x128xf32, #tpu.memory_space<vmem>>)
      %dma_wait3A_1091 = arith.constant 0 : i32
      %dma_wait3A_1092 = arith.constant 0 : i32
      %dma_wait3A_1093 = tpu.memref_slice %arg10[%dma_wait3A_1091, %dma_wait3A_1092] : memref<256x128xf32, #tpu.memory_space<vmem>> -> memref<16x128xf32, #tpu.memory_space<vmem>>
      %dma_wait3A_1094 = arith.constant 0 : i32
      %dma_wait3A_1095 = arith.constant 0 : i32
      %dma_wait3A_1096 = tpu.memref_slice %arg2[%dma_wait3A_1094, %dma_wait3A_1095] : memref<16x2100000xf32, #tpu.memory_space<hbm>> -> memref<16x128xf32, #tpu.memory_space<hbm>>
      %dma_wait3A_1097 = arith.constant 0 : i32
      %dma_wait3A_1098 = arith.constant 0 : i32
      %dma_wait3A_1099 = tpu.memref_slice %arg10[%dma_wait3A_1097, %dma_wait3A_1098] : memref<256x128xf32, #tpu.memory_space<vmem>> -> memref<16x128xf32, #tpu.memory_space<vmem>>
      %dma_wait3A_1100 = arith.constant 0 : i32
      %dma_wait3A_1101 = arith.constant 0 : i32
      %dma_wait3A_1102 = tpu.memref_slice %arg2[%dma_wait3A_1100, %dma_wait3A_1101] : memref<16x2100000xf32, #tpu.memory_space<hbm>> -> memref<16x128xf32, #tpu.memory_space<hbm>>
      tpu.wait_dma2 semaphore(%arg16 : memref<!tpu.dma_semaphore, #tpu.memory_space<semaphore_mem>>) src(%dma_wait3A_1102 : memref<16x128xf32, #tpu.memory_space<hbm>>) dst(%dma_wait3A_1099 : memref<16x128xf32, #tpu.memory_space<vmem>>)
      %dma_wait3A_1103 = arith.constant 0 : i32
      %dma_wait3A_1104 = arith.constant 0 : i32
      %dma_wait3A_1105 = tpu.memref_slice %arg11[%dma_wait3A_1103, %dma_wait3A_1104] : memref<256x128xf32, #tpu.memory_space<vmem>> -> memref<16x128xf32, #tpu.memory_space<vmem>>
      %dma_wait3A_1106 = arith.constant 0 : i32
      %dma_wait3A_1107 = arith.constant 0 : i32
      %dma_wait3A_1108 = tpu.memref_slice %arg2[%dma_wait3A_1106, %dma_wait3A_1107] : memref<16x2100000xf32, #tpu.memory_space<hbm>> -> memref<16x128xf32, #tpu.memory_space<hbm>>
      %dma_wait3A_1109 = arith.constant 0 : i32
      %dma_wait3A_1110 = arith.constant 0 : i32
      %dma_wait3A_1111 = tpu.memref_slice %arg11[%dma_wait3A_1109, %dma_wait3A_1110] : memref<256x128xf32, #tpu.memory_space<vmem>> -> memref<16x128xf32, #tpu.memory_space<vmem>>
      %dma_wait3A_1112 = arith.constant 0 : i32
      %dma_wait3A_1113 = arith.constant 0 : i32
      %dma_wait3A_1114 = tpu.memref_slice %arg2[%dma_wait3A_1112, %dma_wait3A_1113] : memref<16x2100000xf32, #tpu.memory_space<hbm>> -> memref<16x128xf32, #tpu.memory_space<hbm>>
      tpu.wait_dma2 semaphore(%arg16 : memref<!tpu.dma_semaphore, #tpu.memory_space<semaphore_mem>>) src(%dma_wait3A_1114 : memref<16x128xf32, #tpu.memory_space<hbm>>) dst(%dma_wait3A_1111 : memref<16x128xf32, #tpu.memory_space<vmem>>)
      %dma_wait3A_1115 = arith.constant 0 : i32
      %dma_wait3A_1116 = arith.constant 0 : i32
      %dma_wait3A_1117 = tpu.memref_slice %arg10[%dma_wait3A_1115, %dma_wait3A_1116] : memref<256x128xf32, #tpu.memory_space<vmem>> -> memref<16x128xf32, #tpu.memory_space<vmem>>
      %dma_wait3A_1118 = arith.constant 0 : i32
      %dma_wait3A_1119 = arith.constant 0 : i32
      %dma_wait3A_1120 = tpu.memref_slice %arg2[%dma_wait3A_1118, %dma_wait3A_1119] : memref<16x2100000xf32, #tpu.memory_space<hbm>> -> memref<16x128xf32, #tpu.memory_space<hbm>>
      %dma_wait3A_1121 = arith.constant 0 : i32
      %dma_wait3A_1122 = arith.constant 0 : i32
      %dma_wait3A_1123 = tpu.memref_slice %arg10[%dma_wait3A_1121, %dma_wait3A_1122] : memref<256x128xf32, #tpu.memory_space<vmem>> -> memref<16x128xf32, #tpu.memory_space<vmem>>
      %dma_wait3A_1124 = arith.constant 0 : i32
      %dma_wait3A_1125 = arith.constant 0 : i32
      %dma_wait3A_1126 = tpu.memref_slice %arg2[%dma_wait3A_1124, %dma_wait3A_1125] : memref<16x2100000xf32, #tpu.memory_space<hbm>> -> memref<16x128xf32, #tpu.memory_space<hbm>>
      tpu.wait_dma2 semaphore(%arg16 : memref<!tpu.dma_semaphore, #tpu.memory_space<semaphore_mem>>) src(%dma_wait3A_1126 : memref<16x128xf32, #tpu.memory_space<hbm>>) dst(%dma_wait3A_1123 : memref<16x128xf32, #tpu.memory_space<vmem>>)
      %dma_wait3A_1127 = arith.constant 0 : i32
      %dma_wait3A_1128 = arith.constant 0 : i32
      %dma_wait3A_1129 = tpu.memref_slice %arg11[%dma_wait3A_1127, %dma_wait3A_1128] : memref<256x128xf32, #tpu.memory_space<vmem>> -> memref<16x128xf32, #tpu.memory_space<vmem>>
      %dma_wait3A_1130 = arith.constant 0 : i32
      %dma_wait3A_1131 = arith.constant 0 : i32
      %dma_wait3A_1132 = tpu.memref_slice %arg2[%dma_wait3A_1130, %dma_wait3A_1131] : memref<16x2100000xf32, #tpu.memory_space<hbm>> -> memref<16x128xf32, #tpu.memory_space<hbm>>
      %dma_wait3A_1133 = arith.constant 0 : i32
      %dma_wait3A_1134 = arith.constant 0 : i32
      %dma_wait3A_1135 = tpu.memref_slice %arg11[%dma_wait3A_1133, %dma_wait3A_1134] : memref<256x128xf32, #tpu.memory_space<vmem>> -> memref<16x128xf32, #tpu.memory_space<vmem>>
      %dma_wait3A_1136 = arith.constant 0 : i32
      %dma_wait3A_1137 = arith.constant 0 : i32
      %dma_wait3A_1138 = tpu.memref_slice %arg2[%dma_wait3A_1136, %dma_wait3A_1137] : memref<16x2100000xf32, #tpu.memory_space<hbm>> -> memref<16x128xf32, #tpu.memory_space<hbm>>
      tpu.wait_dma2 semaphore(%arg16 : memref<!tpu.dma_semaphore, #tpu.memory_space<semaphore_mem>>) src(%dma_wait3A_1138 : memref<16x128xf32, #tpu.memory_space<hbm>>) dst(%dma_wait3A_1135 : memref<16x128xf32, #tpu.memory_space<vmem>>)
      %dma_wait3A_1139 = arith.constant 0 : i32
      %dma_wait3A_1140 = arith.constant 0 : i32
      %dma_wait3A_1141 = tpu.memref_slice %arg10[%dma_wait3A_1139, %dma_wait3A_1140] : memref<256x128xf32, #tpu.memory_space<vmem>> -> memref<16x128xf32, #tpu.memory_space<vmem>>
      %dma_wait3A_1142 = arith.constant 0 : i32
      %dma_wait3A_1143 = arith.constant 0 : i32
      %dma_wait3A_1144 = tpu.memref_slice %arg2[%dma_wait3A_1142, %dma_wait3A_1143] : memref<16x2100000xf32, #tpu.memory_space<hbm>> -> memref<16x128xf32, #tpu.memory_space<hbm>>
      %dma_wait3A_1145 = arith.constant 0 : i32
      %dma_wait3A_1146 = arith.constant 0 : i32
      %dma_wait3A_1147 = tpu.memref_slice %arg10[%dma_wait3A_1145, %dma_wait3A_1146] : memref<256x128xf32, #tpu.memory_space<vmem>> -> memref<16x128xf32, #tpu.memory_space<vmem>>
      %dma_wait3A_1148 = arith.constant 0 : i32
      %dma_wait3A_1149 = arith.constant 0 : i32
      %dma_wait3A_1150 = tpu.memref_slice %arg2[%dma_wait3A_1148, %dma_wait3A_1149] : memref<16x2100000xf32, #tpu.memory_space<hbm>> -> memref<16x128xf32, #tpu.memory_space<hbm>>
      tpu.wait_dma2 semaphore(%arg16 : memref<!tpu.dma_semaphore, #tpu.memory_space<semaphore_mem>>) src(%dma_wait3A_1150 : memref<16x128xf32, #tpu.memory_space<hbm>>) dst(%dma_wait3A_1147 : memref<16x128xf32, #tpu.memory_space<vmem>>)
      %dma_wait3A_1151 = arith.constant 0 : i32
      %dma_wait3A_1152 = arith.constant 0 : i32
      %dma_wait3A_1153 = tpu.memref_slice %arg11[%dma_wait3A_1151, %dma_wait3A_1152] : memref<256x128xf32, #tpu.memory_space<vmem>> -> memref<16x128xf32, #tpu.memory_space<vmem>>
      %dma_wait3A_1154 = arith.constant 0 : i32
      %dma_wait3A_1155 = arith.constant 0 : i32
      %dma_wait3A_1156 = tpu.memref_slice %arg2[%dma_wait3A_1154, %dma_wait3A_1155] : memref<16x2100000xf32, #tpu.memory_space<hbm>> -> memref<16x128xf32, #tpu.memory_space<hbm>>
      %dma_wait3A_1157 = arith.constant 0 : i32
      %dma_wait3A_1158 = arith.constant 0 : i32
      %dma_wait3A_1159 = tpu.memref_slice %arg11[%dma_wait3A_1157, %dma_wait3A_1158] : memref<256x128xf32, #tpu.memory_space<vmem>> -> memref<16x128xf32, #tpu.memory_space<vmem>>
      %dma_wait3A_1160 = arith.constant 0 : i32
      %dma_wait3A_1161 = arith.constant 0 : i32
      %dma_wait3A_1162 = tpu.memref_slice %arg2[%dma_wait3A_1160, %dma_wait3A_1161] : memref<16x2100000xf32, #tpu.memory_space<hbm>> -> memref<16x128xf32, #tpu.memory_space<hbm>>
      tpu.wait_dma2 semaphore(%arg16 : memref<!tpu.dma_semaphore, #tpu.memory_space<semaphore_mem>>) src(%dma_wait3A_1162 : memref<16x128xf32, #tpu.memory_space<hbm>>) dst(%dma_wait3A_1159 : memref<16x128xf32, #tpu.memory_space<vmem>>)
      %dma_wait3A_1163 = arith.constant 0 : i32
      %dma_wait3A_1164 = arith.constant 0 : i32
      %dma_wait3A_1165 = tpu.memref_slice %arg10[%dma_wait3A_1163, %dma_wait3A_1164] : memref<256x128xf32, #tpu.memory_space<vmem>> -> memref<16x128xf32, #tpu.memory_space<vmem>>
      %dma_wait3A_1166 = arith.constant 0 : i32
      %dma_wait3A_1167 = arith.constant 0 : i32
      %dma_wait3A_1168 = tpu.memref_slice %arg2[%dma_wait3A_1166, %dma_wait3A_1167] : memref<16x2100000xf32, #tpu.memory_space<hbm>> -> memref<16x128xf32, #tpu.memory_space<hbm>>
      %dma_wait3A_1169 = arith.constant 0 : i32
      %dma_wait3A_1170 = arith.constant 0 : i32
      %dma_wait3A_1171 = tpu.memref_slice %arg10[%dma_wait3A_1169, %dma_wait3A_1170] : memref<256x128xf32, #tpu.memory_space<vmem>> -> memref<16x128xf32, #tpu.memory_space<vmem>>
      %dma_wait3A_1172 = arith.constant 0 : i32
      %dma_wait3A_1173 = arith.constant 0 : i32
      %dma_wait3A_1174 = tpu.memref_slice %arg2[%dma_wait3A_1172, %dma_wait3A_1173] : memref<16x2100000xf32, #tpu.memory_space<hbm>> -> memref<16x128xf32, #tpu.memory_space<hbm>>
      tpu.wait_dma2 semaphore(%arg16 : memref<!tpu.dma_semaphore, #tpu.memory_space<semaphore_mem>>) src(%dma_wait3A_1174 : memref<16x128xf32, #tpu.memory_space<hbm>>) dst(%dma_wait3A_1171 : memref<16x128xf32, #tpu.memory_space<vmem>>)
      %dma_wait3A_1175 = arith.constant 0 : i32
      %dma_wait3A_1176 = arith.constant 0 : i32
      %dma_wait3A_1177 = tpu.memref_slice %arg11[%dma_wait3A_1175, %dma_wait3A_1176] : memref<256x128xf32, #tpu.memory_space<vmem>> -> memref<16x128xf32, #tpu.memory_space<vmem>>
      %dma_wait3A_1178 = arith.constant 0 : i32
      %dma_wait3A_1179 = arith.constant 0 : i32
      %dma_wait3A_1180 = tpu.memref_slice %arg2[%dma_wait3A_1178, %dma_wait3A_1179] : memref<16x2100000xf32, #tpu.memory_space<hbm>> -> memref<16x128xf32, #tpu.memory_space<hbm>>
      %dma_wait3A_1181 = arith.constant 0 : i32
      %dma_wait3A_1182 = arith.constant 0 : i32
      %dma_wait3A_1183 = tpu.memref_slice %arg11[%dma_wait3A_1181, %dma_wait3A_1182] : memref<256x128xf32, #tpu.memory_space<vmem>> -> memref<16x128xf32, #tpu.memory_space<vmem>>
      %dma_wait3A_1184 = arith.constant 0 : i32
      %dma_wait3A_1185 = arith.constant 0 : i32
      %dma_wait3A_1186 = tpu.memref_slice %arg2[%dma_wait3A_1184, %dma_wait3A_1185] : memref<16x2100000xf32, #tpu.memory_space<hbm>> -> memref<16x128xf32, #tpu.memory_space<hbm>>
      tpu.wait_dma2 semaphore(%arg16 : memref<!tpu.dma_semaphore, #tpu.memory_space<semaphore_mem>>) src(%dma_wait3A_1186 : memref<16x128xf32, #tpu.memory_space<hbm>>) dst(%dma_wait3A_1183 : memref<16x128xf32, #tpu.memory_space<vmem>>)
      %dma_wait3A_1187 = arith.constant 0 : i32
      %dma_wait3A_1188 = arith.constant 0 : i32
      %dma_wait3A_1189 = tpu.memref_slice %arg10[%dma_wait3A_1187, %dma_wait3A_1188] : memref<256x128xf32, #tpu.memory_space<vmem>> -> memref<16x128xf32, #tpu.memory_space<vmem>>
      %dma_wait3A_1190 = arith.constant 0 : i32
      %dma_wait3A_1191 = arith.constant 0 : i32
      %dma_wait3A_1192 = tpu.memref_slice %arg2[%dma_wait3A_1190, %dma_wait3A_1191] : memref<16x2100000xf32, #tpu.memory_space<hbm>> -> memref<16x128xf32, #tpu.memory_space<hbm>>
      %dma_wait3A_1193 = arith.constant 0 : i32
      %dma_wait3A_1194 = arith.constant 0 : i32
      %dma_wait3A_1195 = tpu.memref_slice %arg10[%dma_wait3A_1193, %dma_wait3A_1194] : memref<256x128xf32, #tpu.memory_space<vmem>> -> memref<16x128xf32, #tpu.memory_space<vmem>>
      %dma_wait3A_1196 = arith.constant 0 : i32
      %dma_wait3A_1197 = arith.constant 0 : i32
      %dma_wait3A_1198 = tpu.memref_slice %arg2[%dma_wait3A_1196, %dma_wait3A_1197] : memref<16x2100000xf32, #tpu.memory_space<hbm>> -> memref<16x128xf32, #tpu.memory_space<hbm>>
      tpu.wait_dma2 semaphore(%arg16 : memref<!tpu.dma_semaphore, #tpu.memory_space<semaphore_mem>>) src(%dma_wait3A_1198 : memref<16x128xf32, #tpu.memory_space<hbm>>) dst(%dma_wait3A_1195 : memref<16x128xf32, #tpu.memory_space<vmem>>)
      %dma_wait3A_1199 = arith.constant 0 : i32
      %dma_wait3A_1200 = arith.constant 0 : i32
      %dma_wait3A_1201 = tpu.memref_slice %arg11[%dma_wait3A_1199, %dma_wait3A_1200] : memref<256x128xf32, #tpu.memory_space<vmem>> -> memref<16x128xf32, #tpu.memory_space<vmem>>
      %dma_wait3A_1202 = arith.constant 0 : i32
      %dma_wait3A_1203 = arith.constant 0 : i32
      %dma_wait3A_1204 = tpu.memref_slice %arg2[%dma_wait3A_1202, %dma_wait3A_1203] : memref<16x2100000xf32, #tpu.memory_space<hbm>> -> memref<16x128xf32, #tpu.memory_space<hbm>>
      %dma_wait3A_1205 = arith.constant 0 : i32
      %dma_wait3A_1206 = arith.constant 0 : i32
      %dma_wait3A_1207 = tpu.memref_slice %arg11[%dma_wait3A_1205, %dma_wait3A_1206] : memref<256x128xf32, #tpu.memory_space<vmem>> -> memref<16x128xf32, #tpu.memory_space<vmem>>
      %dma_wait3A_1208 = arith.constant 0 : i32
      %dma_wait3A_1209 = arith.constant 0 : i32
      %dma_wait3A_1210 = tpu.memref_slice %arg2[%dma_wait3A_1208, %dma_wait3A_1209] : memref<16x2100000xf32, #tpu.memory_space<hbm>> -> memref<16x128xf32, #tpu.memory_space<hbm>>
      tpu.wait_dma2 semaphore(%arg16 : memref<!tpu.dma_semaphore, #tpu.memory_space<semaphore_mem>>) src(%dma_wait3A_1210 : memref<16x128xf32, #tpu.memory_space<hbm>>) dst(%dma_wait3A_1207 : memref<16x128xf32, #tpu.memory_space<vmem>>)
      %dma_wait3A_1211 = arith.constant 0 : i32
      %dma_wait3A_1212 = arith.constant 0 : i32
      %dma_wait3A_1213 = tpu.memref_slice %arg10[%dma_wait3A_1211, %dma_wait3A_1212] : memref<256x128xf32, #tpu.memory_space<vmem>> -> memref<16x128xf32, #tpu.memory_space<vmem>>
      %dma_wait3A_1214 = arith.constant 0 : i32
      %dma_wait3A_1215 = arith.constant 0 : i32
      %dma_wait3A_1216 = tpu.memref_slice %arg2[%dma_wait3A_1214, %dma_wait3A_1215] : memref<16x2100000xf32, #tpu.memory_space<hbm>> -> memref<16x128xf32, #tpu.memory_space<hbm>>
      %dma_wait3A_1217 = arith.constant 0 : i32
      %dma_wait3A_1218 = arith.constant 0 : i32
      %dma_wait3A_1219 = tpu.memref_slice %arg10[%dma_wait3A_1217, %dma_wait3A_1218] : memref<256x128xf32, #tpu.memory_space<vmem>> -> memref<16x128xf32, #tpu.memory_space<vmem>>
      %dma_wait3A_1220 = arith.constant 0 : i32
      %dma_wait3A_1221 = arith.constant 0 : i32
      %dma_wait3A_1222 = tpu.memref_slice %arg2[%dma_wait3A_1220, %dma_wait3A_1221] : memref<16x2100000xf32, #tpu.memory_space<hbm>> -> memref<16x128xf32, #tpu.memory_space<hbm>>
      tpu.wait_dma2 semaphore(%arg16 : memref<!tpu.dma_semaphore, #tpu.memory_space<semaphore_mem>>) src(%dma_wait3A_1222 : memref<16x128xf32, #tpu.memory_space<hbm>>) dst(%dma_wait3A_1219 : memref<16x128xf32, #tpu.memory_space<vmem>>)
      %dma_wait3A_1223 = arith.constant 0 : i32
      %dma_wait3A_1224 = arith.constant 0 : i32
      %dma_wait3A_1225 = tpu.memref_slice %arg11[%dma_wait3A_1223, %dma_wait3A_1224] : memref<256x128xf32, #tpu.memory_space<vmem>> -> memref<16x128xf32, #tpu.memory_space<vmem>>
      %dma_wait3A_1226 = arith.constant 0 : i32
      %dma_wait3A_1227 = arith.constant 0 : i32
      %dma_wait3A_1228 = tpu.memref_slice %arg2[%dma_wait3A_1226, %dma_wait3A_1227] : memref<16x2100000xf32, #tpu.memory_space<hbm>> -> memref<16x128xf32, #tpu.memory_space<hbm>>
      %dma_wait3A_1229 = arith.constant 0 : i32
      %dma_wait3A_1230 = arith.constant 0 : i32
      %dma_wait3A_1231 = tpu.memref_slice %arg11[%dma_wait3A_1229, %dma_wait3A_1230] : memref<256x128xf32, #tpu.memory_space<vmem>> -> memref<16x128xf32, #tpu.memory_space<vmem>>
      %dma_wait3A_1232 = arith.constant 0 : i32
      %dma_wait3A_1233 = arith.constant 0 : i32
      %dma_wait3A_1234 = tpu.memref_slice %arg2[%dma_wait3A_1232, %dma_wait3A_1233] : memref<16x2100000xf32, #tpu.memory_space<hbm>> -> memref<16x128xf32, #tpu.memory_space<hbm>>
      tpu.wait_dma2 semaphore(%arg16 : memref<!tpu.dma_semaphore, #tpu.memory_space<semaphore_mem>>) src(%dma_wait3A_1234 : memref<16x128xf32, #tpu.memory_space<hbm>>) dst(%dma_wait3A_1231 : memref<16x128xf32, #tpu.memory_space<vmem>>)
      %and3A_1235 = arith.constant 127 : i32
      %and3A_1236 = vector.broadcast %and3A_1235 : i32 to vector<16xi32>
      %and3A_1237 = arith.andi %add3A_575, %and3A_1236 : vector<16xi32>
      %and3A_1238 = arith.constant 127 : i32
      %and3A_1239 = vector.broadcast %and3A_1238 : i32 to vector<16xi32>
      %and3A_1240 = arith.andi %add3A_582, %and3A_1239 : vector<16xi32>
      %add3A_1241 = arith.constant 128 : i32
      %add3A_1242 = vector.broadcast %add3A_1241 : i32 to vector<16xi32>
      %add3A_1243 = arith.addi %add3A_1242, %iota3A : vector<16xi32>
      %mul3A_1244 = arith.constant 0 : i32
      %mul3A_1245 = vector.broadcast %mul3A_1244 : i32 to vector<16xi32>
      %mul3A_1246 = arith.muli %mul3A_1245, %add3A_1243 : vector<16xi32>
      %slice3A_1247 = vector.extract_strided_slice %and3A_1237 {offsets = [8], sizes = [1], strides = [1]} : vector<16xi32> to vector<1xi32>
      %squeeze3A_1248 = vector.extract %slice3A_1247[0] : i32 from vector<1xi32>
      %add3A_1249 = vector.broadcast %squeeze3A_1248 : i32 to vector<16xi32>
      %add3A_1250 = arith.addi %mul3A_1246, %add3A_1249 : vector<16xi32>
      %gather3A_1251 = tpu.vector_load_idx %arg10[%add3A_1243, %add3A_1250] : memref<256x128xf32, #tpu.memory_space<vmem>>[vector<16xi32>, vector<16xi32>], vector<16xf32>,
      %mul3A_1252 = arith.constant 0 : i32
      %mul3A_1253 = vector.broadcast %mul3A_1252 : i32 to vector<16xi32>
      %mul3A_1254 = arith.muli %mul3A_1253, %add3A_1243 : vector<16xi32>
      %slice3A_1255 = vector.extract_strided_slice %and3A_1240 {offsets = [8], sizes = [1], strides = [1]} : vector<16xi32> to vector<1xi32>
      %squeeze3A_1256 = vector.extract %slice3A_1255[0] : i32 from vector<1xi32>
      %add3A_1257 = vector.broadcast %squeeze3A_1256 : i32 to vector<16xi32>
      %add3A_1258 = arith.addi %mul3A_1254, %add3A_1257 : vector<16xi32>
      %gather3A_1259 = tpu.vector_load_idx %arg11[%add3A_1243, %add3A_1258] : memref<256x128xf32, #tpu.memory_space<vmem>>[vector<16xi32>, vector<16xi32>], vector<16xf32>,
      %mul3A_1260 = arith.mulf %gather3A_1251, %gather3A_1259 : vector<16xf32>
      %mul3A_1261 = arith.mulf %mul3A_1260, %get3A_3 : vector<16xf32>
      %cumsum3A_1262 = arith.constant true
      %cumsum3A_1263 = vector.broadcast %cumsum3A_1262 : i1 to vector<16xi1>
      %cumsum3A_1264 = tpu.scan <sum>, %mul3A_1261 masked %cumsum3A_1263 : vector<16xf32>, vector<16xi1> -> vector<16xf32>
      %mul3A_1265 = arith.constant 0 : i32
      %mul3A_1266 = vector.broadcast %mul3A_1265 : i32 to vector<16xi32>
      %mul3A_1267 = arith.muli %mul3A_1266, %add3A_1243 : vector<16xi32>
      %mul3A_1268 = arith.constant 16 : i32
      %mul3A_1269 = arith.muli %scan3A_568, %mul3A_1268 : i32
      %add3A_1270 = arith.constant 8 : i32
      %add3A_1271 = arith.addi %mul3A_1269, %add3A_1270 : i32
      %add3A_1272 = vector.broadcast %add3A_1271 : i32 to vector<16xi32>
      %add3A_1273 = arith.addi %mul3A_1267, %add3A_1272 : vector<16xi32>
      tpu.vector_store_idx %arg14[%add3A_1273], %cumsum3A_1264 masked %eq3A_5 : memref<512xf32, #tpu.memory_space<vmem>>[vector<16xi32>], vector<16xf32>, vector<16xi1>
      %add3A_1274 = arith.constant 144 : i32
      %add3A_1275 = vector.broadcast %add3A_1274 : i32 to vector<16xi32>
      %add3A_1276 = arith.addi %add3A_1275, %iota3A : vector<16xi32>
      %mul3A_1277 = arith.constant 0 : i32
      %mul3A_1278 = vector.broadcast %mul3A_1277 : i32 to vector<16xi32>
      %mul3A_1279 = arith.muli %mul3A_1278, %add3A_1276 : vector<16xi32>
      %slice3A_1280 = vector.extract_strided_slice %and3A_1237 {offsets = [9], sizes = [1], strides = [1]} : vector<16xi32> to vector<1xi32>
      %squeeze3A_1281 = vector.extract %slice3A_1280[0] : i32 from vector<1xi32>
      %add3A_1282 = vector.broadcast %squeeze3A_1281 : i32 to vector<16xi32>
      %add3A_1283 = arith.addi %mul3A_1279, %add3A_1282 : vector<16xi32>
      %gather3A_1284 = tpu.vector_load_idx %arg10[%add3A_1276, %add3A_1283] : memref<256x128xf32, #tpu.memory_space<vmem>>[vector<16xi32>, vector<16xi32>], vector<16xf32>,
      %mul3A_1285 = arith.constant 0 : i32
      %mul3A_1286 = vector.broadcast %mul3A_1285 : i32 to vector<16xi32>
      %mul3A_1287 = arith.muli %mul3A_1286, %add3A_1276 : vector<16xi32>
      %slice3A_1288 = vector.extract_strided_slice %and3A_1240 {offsets = [9], sizes = [1], strides = [1]} : vector<16xi32> to vector<1xi32>
      %squeeze3A_1289 = vector.extract %slice3A_1288[0] : i32 from vector<1xi32>
      %add3A_1290 = vector.broadcast %squeeze3A_1289 : i32 to vector<16xi32>
      %add3A_1291 = arith.addi %mul3A_1287, %add3A_1290 : vector<16xi32>
      %gather3A_1292 = tpu.vector_load_idx %arg11[%add3A_1276, %add3A_1291] : memref<256x128xf32, #tpu.memory_space<vmem>>[vector<16xi32>, vector<16xi32>], vector<16xf32>,
      %mul3A_1293 = arith.mulf %gather3A_1284, %gather3A_1292 : vector<16xf32>
      %mul3A_1294 = arith.mulf %mul3A_1293, %get3A_3 : vector<16xf32>
      %cumsum3A_1295 = arith.constant true
      %cumsum3A_1296 = vector.broadcast %cumsum3A_1295 : i1 to vector<16xi1>
      %cumsum3A_1297 = tpu.scan <sum>, %mul3A_1294 masked %cumsum3A_1296 : vector<16xf32>, vector<16xi1> -> vector<16xf32>
      %mul3A_1298 = arith.constant 0 : i32
      %mul3A_1299 = vector.broadcast %mul3A_1298 : i32 to vector<16xi32>
      %mul3A_1300 = arith.muli %mul3A_1299, %add3A_1276 : vector<16xi32>
      %mul3A_1301 = arith.constant 16 : i32
      %mul3A_1302 = arith.muli %scan3A_568, %mul3A_1301 : i32
      %add3A_1303 = arith.constant 9 : i32
      %add3A_1304 = arith.addi %mul3A_1302, %add3A_1303 : i32
      %add3A_1305 = vector.broadcast %add3A_1304 : i32 to vector<16xi32>
      %add3A_1306 = arith.addi %mul3A_1300, %add3A_1305 : vector<16xi32>
      tpu.vector_store_idx %arg14[%add3A_1306], %cumsum3A_1297 masked %eq3A_5 : memref<512xf32, #tpu.memory_space<vmem>>[vector<16xi32>], vector<16xf32>, vector<16xi1>
      %add3A_1307 = arith.constant 160 : i32
      %add3A_1308 = vector.broadcast %add3A_1307 : i32 to vector<16xi32>
      %add3A_1309 = arith.addi %add3A_1308, %iota3A : vector<16xi32>
      %mul3A_1310 = arith.constant 0 : i32
      %mul3A_1311 = vector.broadcast %mul3A_1310 : i32 to vector<16xi32>
      %mul3A_1312 = arith.muli %mul3A_1311, %add3A_1309 : vector<16xi32>
      %slice3A_1313 = vector.extract_strided_slice %and3A_1237 {offsets = [10], sizes = [1], strides = [1]} : vector<16xi32> to vector<1xi32>
      %squeeze3A_1314 = vector.extract %slice3A_1313[0] : i32 from vector<1xi32>
      %add3A_1315 = vector.broadcast %squeeze3A_1314 : i32 to vector<16xi32>
      %add3A_1316 = arith.addi %mul3A_1312, %add3A_1315 : vector<16xi32>
      %gather3A_1317 = tpu.vector_load_idx %arg10[%add3A_1309, %add3A_1316] : memref<256x128xf32, #tpu.memory_space<vmem>>[vector<16xi32>, vector<16xi32>], vector<16xf32>,
      %mul3A_1318 = arith.constant 0 : i32
      %mul3A_1319 = vector.broadcast %mul3A_1318 : i32 to vector<16xi32>
      %mul3A_1320 = arith.muli %mul3A_1319, %add3A_1309 : vector<16xi32>
      %slice3A_1321 = vector.extract_strided_slice %and3A_1240 {offsets = [10], sizes = [1], strides = [1]} : vector<16xi32> to vector<1xi32>
      %squeeze3A_1322 = vector.extract %slice3A_1321[0] : i32 from vector<1xi32>
      %add3A_1323 = vector.broadcast %squeeze3A_1322 : i32 to vector<16xi32>
      %add3A_1324 = arith.addi %mul3A_1320, %add3A_1323 : vector<16xi32>
      %gather3A_1325 = tpu.vector_load_idx %arg11[%add3A_1309, %add3A_1324] : memref<256x128xf32, #tpu.memory_space<vmem>>[vector<16xi32>, vector<16xi32>], vector<16xf32>,
      %mul3A_1326 = arith.mulf %gather3A_1317, %gather3A_1325 : vector<16xf32>
      %mul3A_1327 = arith.mulf %mul3A_1326, %get3A_3 : vector<16xf32>
      %cumsum3A_1328 = arith.constant true
      %cumsum3A_1329 = vector.broadcast %cumsum3A_1328 : i1 to vector<16xi1>
      %cumsum3A_1330 = tpu.scan <sum>, %mul3A_1327 masked %cumsum3A_1329 : vector<16xf32>, vector<16xi1> -> vector<16xf32>
      %mul3A_1331 = arith.constant 0 : i32
      %mul3A_1332 = vector.broadcast %mul3A_1331 : i32 to vector<16xi32>
      %mul3A_1333 = arith.muli %mul3A_1332, %add3A_1309 : vector<16xi32>
      %mul3A_1334 = arith.constant 16 : i32
      %mul3A_1335 = arith.muli %scan3A_568, %mul3A_1334 : i32
      %add3A_1336 = arith.constant 10 : i32
      %add3A_1337 = arith.addi %mul3A_1335, %add3A_1336 : i32
      %add3A_1338 = vector.broadcast %add3A_1337 : i32 to vector<16xi32>
      %add3A_1339 = arith.addi %mul3A_1333, %add3A_1338 : vector<16xi32>
      tpu.vector_store_idx %arg14[%add3A_1339], %cumsum3A_1330 masked %eq3A_5 : memref<512xf32, #tpu.memory_space<vmem>>[vector<16xi32>], vector<16xf32>, vector<16xi1>
      %add3A_1340 = arith.constant 176 : i32
      %add3A_1341 = vector.broadcast %add3A_1340 : i32 to vector<16xi32>
      %add3A_1342 = arith.addi %add3A_1341, %iota3A : vector<16xi32>
      %mul3A_1343 = arith.constant 0 : i32
      %mul3A_1344 = vector.broadcast %mul3A_1343 : i32 to vector<16xi32>
      %mul3A_1345 = arith.muli %mul3A_1344, %add3A_1342 : vector<16xi32>
      %slice3A_1346 = vector.extract_strided_slice %and3A_1237 {offsets = [11], sizes = [1], strides = [1]} : vector<16xi32> to vector<1xi32>
      %squeeze3A_1347 = vector.extract %slice3A_1346[0] : i32 from vector<1xi32>
      %add3A_1348 = vector.broadcast %squeeze3A_1347 : i32 to vector<16xi32>
      %add3A_1349 = arith.addi %mul3A_1345, %add3A_1348 : vector<16xi32>
      %gather3A_1350 = tpu.vector_load_idx %arg10[%add3A_1342, %add3A_1349] : memref<256x128xf32, #tpu.memory_space<vmem>>[vector<16xi32>, vector<16xi32>], vector<16xf32>,
      %mul3A_1351 = arith.constant 0 : i32
      %mul3A_1352 = vector.broadcast %mul3A_1351 : i32 to vector<16xi32>
      %mul3A_1353 = arith.muli %mul3A_1352, %add3A_1342 : vector<16xi32>
      %slice3A_1354 = vector.extract_strided_slice %and3A_1240 {offsets = [11], sizes = [1], strides = [1]} : vector<16xi32> to vector<1xi32>
      %squeeze3A_1355 = vector.extract %slice3A_1354[0] : i32 from vector<1xi32>
      %add3A_1356 = vector.broadcast %squeeze3A_1355 : i32 to vector<16xi32>
      %add3A_1357 = arith.addi %mul3A_1353, %add3A_1356 : vector<16xi32>
      %gather3A_1358 = tpu.vector_load_idx %arg11[%add3A_1342, %add3A_1357] : memref<256x128xf32, #tpu.memory_space<vmem>>[vector<16xi32>, vector<16xi32>], vector<16xf32>,
      %mul3A_1359 = arith.mulf %gather3A_1350, %gather3A_1358 : vector<16xf32>
      %mul3A_1360 = arith.mulf %mul3A_1359, %get3A_3 : vector<16xf32>
      %cumsum3A_1361 = arith.constant true
      %cumsum3A_1362 = vector.broadcast %cumsum3A_1361 : i1 to vector<16xi1>
      %cumsum3A_1363 = tpu.scan <sum>, %mul3A_1360 masked %cumsum3A_1362 : vector<16xf32>, vector<16xi1> -> vector<16xf32>
      %mul3A_1364 = arith.constant 0 : i32
      %mul3A_1365 = vector.broadcast %mul3A_1364 : i32 to vector<16xi32>
      %mul3A_1366 = arith.muli %mul3A_1365, %add3A_1342 : vector<16xi32>
      %mul3A_1367 = arith.constant 16 : i32
      %mul3A_1368 = arith.muli %scan3A_568, %mul3A_1367 : i32
      %add3A_1369 = arith.constant 11 : i32
      %add3A_1370 = arith.addi %mul3A_1368, %add3A_1369 : i32
      %add3A_1371 = vector.broadcast %add3A_1370 : i32 to vector<16xi32>
      %add3A_1372 = arith.addi %mul3A_1366, %add3A_1371 : vector<16xi32>
      tpu.vector_store_idx %arg14[%add3A_1372], %cumsum3A_1363 masked %eq3A_5 : memref<512xf32, #tpu.memory_space<vmem>>[vector<16xi32>], vector<16xf32>, vector<16xi1>
      %add3A_1373 = arith.constant 192 : i32
      %add3A_1374 = vector.broadcast %add3A_1373 : i32 to vector<16xi32>
      %add3A_1375 = arith.addi %add3A_1374, %iota3A : vector<16xi32>
      %mul3A_1376 = arith.constant 0 : i32
      %mul3A_1377 = vector.broadcast %mul3A_1376 : i32 to vector<16xi32>
      %mul3A_1378 = arith.muli %mul3A_1377, %add3A_1375 : vector<16xi32>
      %slice3A_1379 = vector.extract_strided_slice %and3A_1237 {offsets = [12], sizes = [1], strides = [1]} : vector<16xi32> to vector<1xi32>
      %squeeze3A_1380 = vector.extract %slice3A_1379[0] : i32 from vector<1xi32>
      %add3A_1381 = vector.broadcast %squeeze3A_1380 : i32 to vector<16xi32>
      %add3A_1382 = arith.addi %mul3A_1378, %add3A_1381 : vector<16xi32>
      %gather3A_1383 = tpu.vector_load_idx %arg10[%add3A_1375, %add3A_1382] : memref<256x128xf32, #tpu.memory_space<vmem>>[vector<16xi32>, vector<16xi32>], vector<16xf32>,
      %mul3A_1384 = arith.constant 0 : i32
      %mul3A_1385 = vector.broadcast %mul3A_1384 : i32 to vector<16xi32>
      %mul3A_1386 = arith.muli %mul3A_1385, %add3A_1375 : vector<16xi32>
      %slice3A_1387 = vector.extract_strided_slice %and3A_1240 {offsets = [12], sizes = [1], strides = [1]} : vector<16xi32> to vector<1xi32>
      %squeeze3A_1388 = vector.extract %slice3A_1387[0] : i32 from vector<1xi32>
      %add3A_1389 = vector.broadcast %squeeze3A_1388 : i32 to vector<16xi32>
      %add3A_1390 = arith.addi %mul3A_1386, %add3A_1389 : vector<16xi32>
      %gather3A_1391 = tpu.vector_load_idx %arg11[%add3A_1375, %add3A_1390] : memref<256x128xf32, #tpu.memory_space<vmem>>[vector<16xi32>, vector<16xi32>], vector<16xf32>,
      %mul3A_1392 = arith.mulf %gather3A_1383, %gather3A_1391 : vector<16xf32>
      %mul3A_1393 = arith.mulf %mul3A_1392, %get3A_3 : vector<16xf32>
      %cumsum3A_1394 = arith.constant true
      %cumsum3A_1395 = vector.broadcast %cumsum3A_1394 : i1 to vector<16xi1>
      %cumsum3A_1396 = tpu.scan <sum>, %mul3A_1393 masked %cumsum3A_1395 : vector<16xf32>, vector<16xi1> -> vector<16xf32>
      %mul3A_1397 = arith.constant 0 : i32
      %mul3A_1398 = vector.broadcast %mul3A_1397 : i32 to vector<16xi32>
      %mul3A_1399 = arith.muli %mul3A_1398, %add3A_1375 : vector<16xi32>
      %mul3A_1400 = arith.constant 16 : i32
      %mul3A_1401 = arith.muli %scan3A_568, %mul3A_1400 : i32
      %add3A_1402 = arith.constant 12 : i32
      %add3A_1403 = arith.addi %mul3A_1401, %add3A_1402 : i32
      %add3A_1404 = vector.broadcast %add3A_1403 : i32 to vector<16xi32>
      %add3A_1405 = arith.addi %mul3A_1399, %add3A_1404 : vector<16xi32>
      tpu.vector_store_idx %arg14[%add3A_1405], %cumsum3A_1396 masked %eq3A_5 : memref<512xf32, #tpu.memory_space<vmem>>[vector<16xi32>], vector<16xf32>, vector<16xi1>
      %add3A_1406 = arith.constant 208 : i32
      %add3A_1407 = vector.broadcast %add3A_1406 : i32 to vector<16xi32>
      %add3A_1408 = arith.addi %add3A_1407, %iota3A : vector<16xi32>
      %mul3A_1409 = arith.constant 0 : i32
      %mul3A_1410 = vector.broadcast %mul3A_1409 : i32 to vector<16xi32>
      %mul3A_1411 = arith.muli %mul3A_1410, %add3A_1408 : vector<16xi32>
      %slice3A_1412 = vector.extract_strided_slice %and3A_1237 {offsets = [13], sizes = [1], strides = [1]} : vector<16xi32> to vector<1xi32>
      %squeeze3A_1413 = vector.extract %slice3A_1412[0] : i32 from vector<1xi32>
      %add3A_1414 = vector.broadcast %squeeze3A_1413 : i32 to vector<16xi32>
      %add3A_1415 = arith.addi %mul3A_1411, %add3A_1414 : vector<16xi32>
      %gather3A_1416 = tpu.vector_load_idx %arg10[%add3A_1408, %add3A_1415] : memref<256x128xf32, #tpu.memory_space<vmem>>[vector<16xi32>, vector<16xi32>], vector<16xf32>,
      %mul3A_1417 = arith.constant 0 : i32
      %mul3A_1418 = vector.broadcast %mul3A_1417 : i32 to vector<16xi32>
      %mul3A_1419 = arith.muli %mul3A_1418, %add3A_1408 : vector<16xi32>
      %slice3A_1420 = vector.extract_strided_slice %and3A_1240 {offsets = [13], sizes = [1], strides = [1]} : vector<16xi32> to vector<1xi32>
      %squeeze3A_1421 = vector.extract %slice3A_1420[0] : i32 from vector<1xi32>
      %add3A_1422 = vector.broadcast %squeeze3A_1421 : i32 to vector<16xi32>
      %add3A_1423 = arith.addi %mul3A_1419, %add3A_1422 : vector<16xi32>
      %gather3A_1424 = tpu.vector_load_idx %arg11[%add3A_1408, %add3A_1423] : memref<256x128xf32, #tpu.memory_space<vmem>>[vector<16xi32>, vector<16xi32>], vector<16xf32>,
      %mul3A_1425 = arith.mulf %gather3A_1416, %gather3A_1424 : vector<16xf32>
      %mul3A_1426 = arith.mulf %mul3A_1425, %get3A_3 : vector<16xf32>
      %cumsum3A_1427 = arith.constant true
      %cumsum3A_1428 = vector.broadcast %cumsum3A_1427 : i1 to vector<16xi1>
      %cumsum3A_1429 = tpu.scan <sum>, %mul3A_1426 masked %cumsum3A_1428 : vector<16xf32>, vector<16xi1> -> vector<16xf32>
      %mul3A_1430 = arith.constant 0 : i32
      %mul3A_1431 = vector.broadcast %mul3A_1430 : i32 to vector<16xi32>
      %mul3A_1432 = arith.muli %mul3A_1431, %add3A_1408 : vector<16xi32>
      %mul3A_1433 = arith.constant 16 : i32
      %mul3A_1434 = arith.muli %scan3A_568, %mul3A_1433 : i32
      %add3A_1435 = arith.constant 13 : i32
      %add3A_1436 = arith.addi %mul3A_1434, %add3A_1435 : i32
      %add3A_1437 = vector.broadcast %add3A_1436 : i32 to vector<16xi32>
      %add3A_1438 = arith.addi %mul3A_1432, %add3A_1437 : vector<16xi32>
      tpu.vector_store_idx %arg14[%add3A_1438], %cumsum3A_1429 masked %eq3A_5 : memref<512xf32, #tpu.memory_space<vmem>>[vector<16xi32>], vector<16xf32>, vector<16xi1>
      %add3A_1439 = arith.constant 224 : i32
      %add3A_1440 = vector.broadcast %add3A_1439 : i32 to vector<16xi32>
      %add3A_1441 = arith.addi %add3A_1440, %iota3A : vector<16xi32>
      %mul3A_1442 = arith.constant 0 : i32
      %mul3A_1443 = vector.broadcast %mul3A_1442 : i32 to vector<16xi32>
      %mul3A_1444 = arith.muli %mul3A_1443, %add3A_1441 : vector<16xi32>
      %slice3A_1445 = vector.extract_strided_slice %and3A_1237 {offsets = [14], sizes = [1], strides = [1]} : vector<16xi32> to vector<1xi32>
      %squeeze3A_1446 = vector.extract %slice3A_1445[0] : i32 from vector<1xi32>
      %add3A_1447 = vector.broadcast %squeeze3A_1446 : i32 to vector<16xi32>
      %add3A_1448 = arith.addi %mul3A_1444, %add3A_1447 : vector<16xi32>
      %gather3A_1449 = tpu.vector_load_idx %arg10[%add3A_1441, %add3A_1448] : memref<256x128xf32, #tpu.memory_space<vmem>>[vector<16xi32>, vector<16xi32>], vector<16xf32>,
      %mul3A_1450 = arith.constant 0 : i32
      %mul3A_1451 = vector.broadcast %mul3A_1450 : i32 to vector<16xi32>
      %mul3A_1452 = arith.muli %mul3A_1451, %add3A_1441 : vector<16xi32>
      %slice3A_1453 = vector.extract_strided_slice %and3A_1240 {offsets = [14], sizes = [1], strides = [1]} : vector<16xi32> to vector<1xi32>
      %squeeze3A_1454 = vector.extract %slice3A_1453[0] : i32 from vector<1xi32>
      %add3A_1455 = vector.broadcast %squeeze3A_1454 : i32 to vector<16xi32>
      %add3A_1456 = arith.addi %mul3A_1452, %add3A_1455 : vector<16xi32>
      %gather3A_1457 = tpu.vector_load_idx %arg11[%add3A_1441, %add3A_1456] : memref<256x128xf32, #tpu.memory_space<vmem>>[vector<16xi32>, vector<16xi32>], vector<16xf32>,
      %mul3A_1458 = arith.mulf %gather3A_1449, %gather3A_1457 : vector<16xf32>
      %mul3A_1459 = arith.mulf %mul3A_1458, %get3A_3 : vector<16xf32>
      %cumsum3A_1460 = arith.constant true
      %cumsum3A_1461 = vector.broadcast %cumsum3A_1460 : i1 to vector<16xi1>
      %cumsum3A_1462 = tpu.scan <sum>, %mul3A_1459 masked %cumsum3A_1461 : vector<16xf32>, vector<16xi1> -> vector<16xf32>
      %mul3A_1463 = arith.constant 0 : i32
      %mul3A_1464 = vector.broadcast %mul3A_1463 : i32 to vector<16xi32>
      %mul3A_1465 = arith.muli %mul3A_1464, %add3A_1441 : vector<16xi32>
      %mul3A_1466 = arith.constant 16 : i32
      %mul3A_1467 = arith.muli %scan3A_568, %mul3A_1466 : i32
      %add3A_1468 = arith.constant 14 : i32
      %add3A_1469 = arith.addi %mul3A_1467, %add3A_1468 : i32
      %add3A_1470 = vector.broadcast %add3A_1469 : i32 to vector<16xi32>
      %add3A_1471 = arith.addi %mul3A_1465, %add3A_1470 : vector<16xi32>
      tpu.vector_store_idx %arg14[%add3A_1471], %cumsum3A_1462 masked %eq3A_5 : memref<512xf32, #tpu.memory_space<vmem>>[vector<16xi32>], vector<16xf32>, vector<16xi1>
      %add3A_1472 = arith.constant 240 : i32
      %add3A_1473 = vector.broadcast %add3A_1472 : i32 to vector<16xi32>
      %add3A_1474 = arith.addi %add3A_1473, %iota3A : vector<16xi32>
      %mul3A_1475 = arith.constant 0 : i32
      %mul3A_1476 = vector.broadcast %mul3A_1475 : i32 to vector<16xi32>
      %mul3A_1477 = arith.muli %mul3A_1476, %add3A_1474 : vector<16xi32>
      %slice3A_1478 = vector.extract_strided_slice %and3A_1237 {offsets = [15], sizes = [1], strides = [1]} : vector<16xi32> to vector<1xi32>
      %squeeze3A_1479 = vector.extract %slice3A_1478[0] : i32 from vector<1xi32>
      %add3A_1480 = vector.broadcast %squeeze3A_1479 : i32 to vector<16xi32>
      %add3A_1481 = arith.addi %mul3A_1477, %add3A_1480 : vector<16xi32>
      %gather3A_1482 = tpu.vector_load_idx %arg10[%add3A_1474, %add3A_1481] : memref<256x128xf32, #tpu.memory_space<vmem>>[vector<16xi32>, vector<16xi32>], vector<16xf32>,
      %mul3A_1483 = arith.constant 0 : i32
      %mul3A_1484 = vector.broadcast %mul3A_1483 : i32 to vector<16xi32>
      %mul3A_1485 = arith.muli %mul3A_1484, %add3A_1474 : vector<16xi32>
      %slice3A_1486 = vector.extract_strided_slice %and3A_1240 {offsets = [15], sizes = [1], strides = [1]} : vector<16xi32> to vector<1xi32>
      %squeeze3A_1487 = vector.extract %slice3A_1486[0] : i32 from vector<1xi32>
      %add3A_1488 = vector.broadcast %squeeze3A_1487 : i32 to vector<16xi32>
      %add3A_1489 = arith.addi %mul3A_1485, %add3A_1488 : vector<16xi32>
      %gather3A_1490 = tpu.vector_load_idx %arg11[%add3A_1474, %add3A_1489] : memref<256x128xf32, #tpu.memory_space<vmem>>[vector<16xi32>, vector<16xi32>], vector<16xf32>,
      %mul3A_1491 = arith.mulf %gather3A_1482, %gather3A_1490 : vector<16xf32>
      %mul3A_1492 = arith.mulf %mul3A_1491, %get3A_3 : vector<16xf32>
      %cumsum3A_1493 = arith.constant true
      %cumsum3A_1494 = vector.broadcast %cumsum3A_1493 : i1 to vector<16xi1>
      %cumsum3A_1495 = tpu.scan <sum>, %mul3A_1492 masked %cumsum3A_1494 : vector<16xf32>, vector<16xi1> -> vector<16xf32>
      %mul3A_1496 = arith.constant 0 : i32
      %mul3A_1497 = vector.broadcast %mul3A_1496 : i32 to vector<16xi32>
      %mul3A_1498 = arith.muli %mul3A_1497, %add3A_1474 : vector<16xi32>
      %mul3A_1499 = arith.constant 16 : i32
      %mul3A_1500 = arith.muli %scan3A_568, %mul3A_1499 : i32
      %add3A_1501 = arith.constant 15 : i32
      %add3A_1502 = arith.addi %mul3A_1500, %add3A_1501 : i32
      %add3A_1503 = vector.broadcast %add3A_1502 : i32 to vector<16xi32>
      %add3A_1504 = arith.addi %mul3A_1498, %add3A_1503 : vector<16xi32>
      tpu.vector_store_idx %arg14[%add3A_1504], %cumsum3A_1495 masked %eq3A_5 : memref<512xf32, #tpu.memory_space<vmem>>[vector<16xi32>], vector<16xf32>, vector<16xi1>
      %lt3A_1505 = arith.constant 31 : i32
      %lt3A_1506 = arith.cmpi slt, %scan3A_568, %lt3A_1505 : i32
      %convert_element_type3A_1507 = arith.extui %lt3A_1506 : i1 to i32
      %cond3A_1508 = arith.constant 0 : i32
      %cond3A_1509 = arith.cmpi ne, %convert_element_type3A_1507, %cond3A_1508 : i32
      scf.if %cond3A_1509 {
        %add3A_1510 = arith.constant 1 : i32
        %add3A_1511 = arith.addi %scan3A_568, %add3A_1510 : i32
        %mul3A_1512 = arith.constant 16 : i32
        %mul3A_1513 = arith.muli %add3A_1511, %mul3A_1512 : i32
        %get3A_1514 = arith.index_cast %mul3A_1513 : i32 to index
        %get3A_1515 = tpu.vector_load %arg8[%get3A_1514] {strides = array<i32>} : memref<512xi32, #tpu.memory_space<vmem>>, vector<16xi32>,
        %add3A_1516 = arith.constant 1000000 : i32
        %add3A_1517 = vector.broadcast %add3A_1516 : i32 to vector<16xi32>
        %add3A_1518 = arith.addi %get3A_1515, %add3A_1517 : vector<16xi32>
        %mul3A_1519 = arith.constant 16 : i32
        %mul3A_1520 = arith.muli %add3A_1511, %mul3A_1519 : i32
        %get3A_1521 = arith.index_cast %mul3A_1520 : i32 to index
        %get3A_1522 = tpu.vector_load %arg9[%get3A_1521] {strides = array<i32>} : memref<512xi32, #tpu.memory_space<vmem>>, vector<16xi32>,
        %add3A_1523 = arith.constant 1100000 : i32
        %add3A_1524 = vector.broadcast %add3A_1523 : i32 to vector<16xi32>
        %add3A_1525 = arith.addi %get3A_1522, %add3A_1524 : vector<16xi32>
        %slice3A_1526 = vector.extract_strided_slice %add3A_1518 {offsets = [8], sizes = [1], strides = [1]} : vector<16xi32> to vector<1xi32>
        %squeeze3A_1527 = vector.extract %slice3A_1526[0] : i32 from vector<1xi32>
        %shift_right_arithmetic3A_1528 = arith.constant 7 : i32
        %shift_right_arithmetic3A_1529 = arith.shrsi %squeeze3A_1527, %shift_right_arithmetic3A_1528 : i32
        %mul3A_1530 = arith.constant 128 : i32
        %mul3A_1531 = arith.muli %shift_right_arithmetic3A_1529, %mul3A_1530 : i32
        %multiple_of3A_1532 = tpu.assume_multiple %mul3A_1531, 128 : i32
        %slice3A_1533 = vector.extract_strided_slice %add3A_1525 {offsets = [8], sizes = [1], strides = [1]} : vector<16xi32> to vector<1xi32>
        %squeeze3A_1534 = vector.extract %slice3A_1533[0] : i32 from vector<1xi32>
        %shift_right_arithmetic3A_1535 = arith.constant 7 : i32
        %shift_right_arithmetic3A_1536 = arith.shrsi %squeeze3A_1534, %shift_right_arithmetic3A_1535 : i32
        %mul3A_1537 = arith.constant 128 : i32
        %mul3A_1538 = arith.muli %shift_right_arithmetic3A_1536, %mul3A_1537 : i32
        %multiple_of3A_1539 = tpu.assume_multiple %mul3A_1538, 128 : i32
        %dma_start3A_1540 = arith.constant 128 : i32
        %dma_start3A_1541 = arith.constant 0 : i32
        %dma_start3A_1542 = tpu.memref_slice %arg10[%dma_start3A_1540, %dma_start3A_1541] : memref<256x128xf32, #tpu.memory_space<vmem>> -> memref<16x128xf32, #tpu.memory_space<vmem>>
        %dma_start3A_1543 = arith.constant 0 : i32
        %dma_start3A_1544 = tpu.memref_slice %arg2[%dma_start3A_1543, %multiple_of3A_1532] : memref<16x2100000xf32, #tpu.memory_space<hbm>> -> memref<16x128xf32, #tpu.memory_space<hbm>>
        %dma_start3A_1545 = arith.constant 128 : i32
        %dma_start3A_1546 = arith.constant 0 : i32
        %dma_start3A_1547 = tpu.memref_slice %arg10[%dma_start3A_1545, %dma_start3A_1546] : memref<256x128xf32, #tpu.memory_space<vmem>> -> memref<16x128xf32, #tpu.memory_space<vmem>>
        %dma_start3A_1548 = arith.constant 0 : i32
        %dma_start3A_1549 = tpu.memref_slice %arg2[%dma_start3A_1548, %multiple_of3A_1532] : memref<16x2100000xf32, #tpu.memory_space<hbm>> -> memref<16x128xf32, #tpu.memory_space<hbm>>
        tpu.enqueue_dma source(%dma_start3A_1549 : memref<16x128xf32, #tpu.memory_space<hbm>>) target(%dma_start3A_1547 : memref<16x128xf32, #tpu.memory_space<vmem>>) target_semaphore(%arg16 : memref<!tpu.dma_semaphore, #tpu.memory_space<semaphore_mem>>)
        %dma_start3A_1550 = arith.constant 128 : i32
        %dma_start3A_1551 = arith.constant 0 : i32
        %dma_start3A_1552 = tpu.memref_slice %arg11[%dma_start3A_1550, %dma_start3A_1551] : memref<256x128xf32, #tpu.memory_space<vmem>> -> memref<16x128xf32, #tpu.memory_space<vmem>>
        %dma_start3A_1553 = arith.constant 0 : i32
        %dma_start3A_1554 = tpu.memref_slice %arg2[%dma_start3A_1553, %multiple_of3A_1539] : memref<16x2100000xf32, #tpu.memory_space<hbm>> -> memref<16x128xf32, #tpu.memory_space<hbm>>
        %dma_start3A_1555 = arith.constant 128 : i32
        %dma_start3A_1556 = arith.constant 0 : i32
        %dma_start3A_1557 = tpu.memref_slice %arg11[%dma_start3A_1555, %dma_start3A_1556] : memref<256x128xf32, #tpu.memory_space<vmem>> -> memref<16x128xf32, #tpu.memory_space<vmem>>
        %dma_start3A_1558 = arith.constant 0 : i32
        %dma_start3A_1559 = tpu.memref_slice %arg2[%dma_start3A_1558, %multiple_of3A_1539] : memref<16x2100000xf32, #tpu.memory_space<hbm>> -> memref<16x128xf32, #tpu.memory_space<hbm>>
        tpu.enqueue_dma source(%dma_start3A_1559 : memref<16x128xf32, #tpu.memory_space<hbm>>) target(%dma_start3A_1557 : memref<16x128xf32, #tpu.memory_space<vmem>>) target_semaphore(%arg16 : memref<!tpu.dma_semaphore, #tpu.memory_space<semaphore_mem>>)
        %slice3A_1560 = vector.extract_strided_slice %add3A_1518 {offsets = [9], sizes = [1], strides = [1]} : vector<16xi32> to vector<1xi32>
        %squeeze3A_1561 = vector.extract %slice3A_1560[0] : i32 from vector<1xi32>
        %shift_right_arithmetic3A_1562 = arith.constant 7 : i32
        %shift_right_arithmetic3A_1563 = arith.shrsi %squeeze3A_1561, %shift_right_arithmetic3A_1562 : i32
        %mul3A_1564 = arith.constant 128 : i32
        %mul3A_1565 = arith.muli %shift_right_arithmetic3A_1563, %mul3A_1564 : i32
        %multiple_of3A_1566 = tpu.assume_multiple %mul3A_1565, 128 : i32
        %slice3A_1567 = vector.extract_strided_slice %add3A_1525 {offsets = [9], sizes = [1], strides = [1]} : vector<16xi32> to vector<1xi32>
        %squeeze3A_1568 = vector.extract %slice3A_1567[0] : i32 from vector<1xi32>
        %shift_right_arithmetic3A_1569 = arith.constant 7 : i32
        %shift_right_arithmetic3A_1570 = arith.shrsi %squeeze3A_1568, %shift_right_arithmetic3A_1569 : i32
        %mul3A_1571 = arith.constant 128 : i32
        %mul3A_1572 = arith.muli %shift_right_arithmetic3A_1570, %mul3A_1571 : i32
        %multiple_of3A_1573 = tpu.assume_multiple %mul3A_1572, 128 : i32
        %dma_start3A_1574 = arith.constant 144 : i32
        %dma_start3A_1575 = arith.constant 0 : i32
        %dma_start3A_1576 = tpu.memref_slice %arg10[%dma_start3A_1574, %dma_start3A_1575] : memref<256x128xf32, #tpu.memory_space<vmem>> -> memref<16x128xf32, #tpu.memory_space<vmem>>
        %dma_start3A_1577 = arith.constant 0 : i32
        %dma_start3A_1578 = tpu.memref_slice %arg2[%dma_start3A_1577, %multiple_of3A_1566] : memref<16x2100000xf32, #tpu.memory_space<hbm>> -> memref<16x128xf32, #tpu.memory_space<hbm>>
        %dma_start3A_1579 = arith.constant 144 : i32
        %dma_start3A_1580 = arith.constant 0 : i32
        %dma_start3A_1581 = tpu.memref_slice %arg10[%dma_start3A_1579, %dma_start3A_1580] : memref<256x128xf32, #tpu.memory_space<vmem>> -> memref<16x128xf32, #tpu.memory_space<vmem>>
        %dma_start3A_1582 = arith.constant 0 : i32
        %dma_start3A_1583 = tpu.memref_slice %arg2[%dma_start3A_1582, %multiple_of3A_1566] : memref<16x2100000xf32, #tpu.memory_space<hbm>> -> memref<16x128xf32, #tpu.memory_space<hbm>>
        tpu.enqueue_dma source(%dma_start3A_1583 : memref<16x128xf32, #tpu.memory_space<hbm>>) target(%dma_start3A_1581 : memref<16x128xf32, #tpu.memory_space<vmem>>) target_semaphore(%arg16 : memref<!tpu.dma_semaphore, #tpu.memory_space<semaphore_mem>>)
        %dma_start3A_1584 = arith.constant 144 : i32
        %dma_start3A_1585 = arith.constant 0 : i32
        %dma_start3A_1586 = tpu.memref_slice %arg11[%dma_start3A_1584, %dma_start3A_1585] : memref<256x128xf32, #tpu.memory_space<vmem>> -> memref<16x128xf32, #tpu.memory_space<vmem>>
        %dma_start3A_1587 = arith.constant 0 : i32
        %dma_start3A_1588 = tpu.memref_slice %arg2[%dma_start3A_1587, %multiple_of3A_1573] : memref<16x2100000xf32, #tpu.memory_space<hbm>> -> memref<16x128xf32, #tpu.memory_space<hbm>>
        %dma_start3A_1589 = arith.constant 144 : i32
        %dma_start3A_1590 = arith.constant 0 : i32
        %dma_start3A_1591 = tpu.memref_slice %arg11[%dma_start3A_1589, %dma_start3A_1590] : memref<256x128xf32, #tpu.memory_space<vmem>> -> memref<16x128xf32, #tpu.memory_space<vmem>>
        %dma_start3A_1592 = arith.constant 0 : i32
        %dma_start3A_1593 = tpu.memref_slice %arg2[%dma_start3A_1592, %multiple_of3A_1573] : memref<16x2100000xf32, #tpu.memory_space<hbm>> -> memref<16x128xf32, #tpu.memory_space<hbm>>
        tpu.enqueue_dma source(%dma_start3A_1593 : memref<16x128xf32, #tpu.memory_space<hbm>>) target(%dma_start3A_1591 : memref<16x128xf32, #tpu.memory_space<vmem>>) target_semaphore(%arg16 : memref<!tpu.dma_semaphore, #tpu.memory_space<semaphore_mem>>)
        %slice3A_1594 = vector.extract_strided_slice %add3A_1518 {offsets = [10], sizes = [1], strides = [1]} : vector<16xi32> to vector<1xi32>
        %squeeze3A_1595 = vector.extract %slice3A_1594[0] : i32 from vector<1xi32>
        %shift_right_arithmetic3A_1596 = arith.constant 7 : i32
        %shift_right_arithmetic3A_1597 = arith.shrsi %squeeze3A_1595, %shift_right_arithmetic3A_1596 : i32
        %mul3A_1598 = arith.constant 128 : i32
        %mul3A_1599 = arith.muli %shift_right_arithmetic3A_1597, %mul3A_1598 : i32
        %multiple_of3A_1600 = tpu.assume_multiple %mul3A_1599, 128 : i32
        %slice3A_1601 = vector.extract_strided_slice %add3A_1525 {offsets = [10], sizes = [1], strides = [1]} : vector<16xi32> to vector<1xi32>
        %squeeze3A_1602 = vector.extract %slice3A_1601[0] : i32 from vector<1xi32>
        %shift_right_arithmetic3A_1603 = arith.constant 7 : i32
        %shift_right_arithmetic3A_1604 = arith.shrsi %squeeze3A_1602, %shift_right_arithmetic3A_1603 : i32
        %mul3A_1605 = arith.constant 128 : i32
        %mul3A_1606 = arith.muli %shift_right_arithmetic3A_1604, %mul3A_1605 : i32
        %multiple_of3A_1607 = tpu.assume_multiple %mul3A_1606, 128 : i32
        %dma_start3A_1608 = arith.constant 160 : i32
        %dma_start3A_1609 = arith.constant 0 : i32
        %dma_start3A_1610 = tpu.memref_slice %arg10[%dma_start3A_1608, %dma_start3A_1609] : memref<256x128xf32, #tpu.memory_space<vmem>> -> memref<16x128xf32, #tpu.memory_space<vmem>>
        %dma_start3A_1611 = arith.constant 0 : i32
        %dma_start3A_1612 = tpu.memref_slice %arg2[%dma_start3A_1611, %multiple_of3A_1600] : memref<16x2100000xf32, #tpu.memory_space<hbm>> -> memref<16x128xf32, #tpu.memory_space<hbm>>
        %dma_start3A_1613 = arith.constant 160 : i32
        %dma_start3A_1614 = arith.constant 0 : i32
        %dma_start3A_1615 = tpu.memref_slice %arg10[%dma_start3A_1613, %dma_start3A_1614] : memref<256x128xf32, #tpu.memory_space<vmem>> -> memref<16x128xf32, #tpu.memory_space<vmem>>
        %dma_start3A_1616 = arith.constant 0 : i32
        %dma_start3A_1617 = tpu.memref_slice %arg2[%dma_start3A_1616, %multiple_of3A_1600] : memref<16x2100000xf32, #tpu.memory_space<hbm>> -> memref<16x128xf32, #tpu.memory_space<hbm>>
        tpu.enqueue_dma source(%dma_start3A_1617 : memref<16x128xf32, #tpu.memory_space<hbm>>) target(%dma_start3A_1615 : memref<16x128xf32, #tpu.memory_space<vmem>>) target_semaphore(%arg16 : memref<!tpu.dma_semaphore, #tpu.memory_space<semaphore_mem>>)
        %dma_start3A_1618 = arith.constant 160 : i32
        %dma_start3A_1619 = arith.constant 0 : i32
        %dma_start3A_1620 = tpu.memref_slice %arg11[%dma_start3A_1618, %dma_start3A_1619] : memref<256x128xf32, #tpu.memory_space<vmem>> -> memref<16x128xf32, #tpu.memory_space<vmem>>
        %dma_start3A_1621 = arith.constant 0 : i32
        %dma_start3A_1622 = tpu.memref_slice %arg2[%dma_start3A_1621, %multiple_of3A_1607] : memref<16x2100000xf32, #tpu.memory_space<hbm>> -> memref<16x128xf32, #tpu.memory_space<hbm>>
        %dma_start3A_1623 = arith.constant 160 : i32
        %dma_start3A_1624 = arith.constant 0 : i32
        %dma_start3A_1625 = tpu.memref_slice %arg11[%dma_start3A_1623, %dma_start3A_1624] : memref<256x128xf32, #tpu.memory_space<vmem>> -> memref<16x128xf32, #tpu.memory_space<vmem>>
        %dma_start3A_1626 = arith.constant 0 : i32
        %dma_start3A_1627 = tpu.memref_slice %arg2[%dma_start3A_1626, %multiple_of3A_1607] : memref<16x2100000xf32, #tpu.memory_space<hbm>> -> memref<16x128xf32, #tpu.memory_space<hbm>>
        tpu.enqueue_dma source(%dma_start3A_1627 : memref<16x128xf32, #tpu.memory_space<hbm>>) target(%dma_start3A_1625 : memref<16x128xf32, #tpu.memory_space<vmem>>) target_semaphore(%arg16 : memref<!tpu.dma_semaphore, #tpu.memory_space<semaphore_mem>>)
        %slice3A_1628 = vector.extract_strided_slice %add3A_1518 {offsets = [11], sizes = [1], strides = [1]} : vector<16xi32> to vector<1xi32>
        %squeeze3A_1629 = vector.extract %slice3A_1628[0] : i32 from vector<1xi32>
        %shift_right_arithmetic3A_1630 = arith.constant 7 : i32
        %shift_right_arithmetic3A_1631 = arith.shrsi %squeeze3A_1629, %shift_right_arithmetic3A_1630 : i32
        %mul3A_1632 = arith.constant 128 : i32
        %mul3A_1633 = arith.muli %shift_right_arithmetic3A_1631, %mul3A_1632 : i32
        %multiple_of3A_1634 = tpu.assume_multiple %mul3A_1633, 128 : i32
        %slice3A_1635 = vector.extract_strided_slice %add3A_1525 {offsets = [11], sizes = [1], strides = [1]} : vector<16xi32> to vector<1xi32>
        %squeeze3A_1636 = vector.extract %slice3A_1635[0] : i32 from vector<1xi32>
        %shift_right_arithmetic3A_1637 = arith.constant 7 : i32
        %shift_right_arithmetic3A_1638 = arith.shrsi %squeeze3A_1636, %shift_right_arithmetic3A_1637 : i32
        %mul3A_1639 = arith.constant 128 : i32
        %mul3A_1640 = arith.muli %shift_right_arithmetic3A_1638, %mul3A_1639 : i32
        %multiple_of3A_1641 = tpu.assume_multiple %mul3A_1640, 128 : i32
        %dma_start3A_1642 = arith.constant 176 : i32
        %dma_start3A_1643 = arith.constant 0 : i32
        %dma_start3A_1644 = tpu.memref_slice %arg10[%dma_start3A_1642, %dma_start3A_1643] : memref<256x128xf32, #tpu.memory_space<vmem>> -> memref<16x128xf32, #tpu.memory_space<vmem>>
        %dma_start3A_1645 = arith.constant 0 : i32
        %dma_start3A_1646 = tpu.memref_slice %arg2[%dma_start3A_1645, %multiple_of3A_1634] : memref<16x2100000xf32, #tpu.memory_space<hbm>> -> memref<16x128xf32, #tpu.memory_space<hbm>>
        %dma_start3A_1647 = arith.constant 176 : i32
        %dma_start3A_1648 = arith.constant 0 : i32
        %dma_start3A_1649 = tpu.memref_slice %arg10[%dma_start3A_1647, %dma_start3A_1648] : memref<256x128xf32, #tpu.memory_space<vmem>> -> memref<16x128xf32, #tpu.memory_space<vmem>>
        %dma_start3A_1650 = arith.constant 0 : i32
        %dma_start3A_1651 = tpu.memref_slice %arg2[%dma_start3A_1650, %multiple_of3A_1634] : memref<16x2100000xf32, #tpu.memory_space<hbm>> -> memref<16x128xf32, #tpu.memory_space<hbm>>
        tpu.enqueue_dma source(%dma_start3A_1651 : memref<16x128xf32, #tpu.memory_space<hbm>>) target(%dma_start3A_1649 : memref<16x128xf32, #tpu.memory_space<vmem>>) target_semaphore(%arg16 : memref<!tpu.dma_semaphore, #tpu.memory_space<semaphore_mem>>)
        %dma_start3A_1652 = arith.constant 176 : i32
        %dma_start3A_1653 = arith.constant 0 : i32
        %dma_start3A_1654 = tpu.memref_slice %arg11[%dma_start3A_1652, %dma_start3A_1653] : memref<256x128xf32, #tpu.memory_space<vmem>> -> memref<16x128xf32, #tpu.memory_space<vmem>>
        %dma_start3A_1655 = arith.constant 0 : i32
        %dma_start3A_1656 = tpu.memref_slice %arg2[%dma_start3A_1655, %multiple_of3A_1641] : memref<16x2100000xf32, #tpu.memory_space<hbm>> -> memref<16x128xf32, #tpu.memory_space<hbm>>
        %dma_start3A_1657 = arith.constant 176 : i32
        %dma_start3A_1658 = arith.constant 0 : i32
        %dma_start3A_1659 = tpu.memref_slice %arg11[%dma_start3A_1657, %dma_start3A_1658] : memref<256x128xf32, #tpu.memory_space<vmem>> -> memref<16x128xf32, #tpu.memory_space<vmem>>
        %dma_start3A_1660 = arith.constant 0 : i32
        %dma_start3A_1661 = tpu.memref_slice %arg2[%dma_start3A_1660, %multiple_of3A_1641] : memref<16x2100000xf32, #tpu.memory_space<hbm>> -> memref<16x128xf32, #tpu.memory_space<hbm>>
        tpu.enqueue_dma source(%dma_start3A_1661 : memref<16x128xf32, #tpu.memory_space<hbm>>) target(%dma_start3A_1659 : memref<16x128xf32, #tpu.memory_space<vmem>>) target_semaphore(%arg16 : memref<!tpu.dma_semaphore, #tpu.memory_space<semaphore_mem>>)
        %slice3A_1662 = vector.extract_strided_slice %add3A_1518 {offsets = [12], sizes = [1], strides = [1]} : vector<16xi32> to vector<1xi32>
        %squeeze3A_1663 = vector.extract %slice3A_1662[0] : i32 from vector<1xi32>
        %shift_right_arithmetic3A_1664 = arith.constant 7 : i32
        %shift_right_arithmetic3A_1665 = arith.shrsi %squeeze3A_1663, %shift_right_arithmetic3A_1664 : i32
        %mul3A_1666 = arith.constant 128 : i32
        %mul3A_1667 = arith.muli %shift_right_arithmetic3A_1665, %mul3A_1666 : i32
        %multiple_of3A_1668 = tpu.assume_multiple %mul3A_1667, 128 : i32
        %slice3A_1669 = vector.extract_strided_slice %add3A_1525 {offsets = [12], sizes = [1], strides = [1]} : vector<16xi32> to vector<1xi32>
        %squeeze3A_1670 = vector.extract %slice3A_1669[0] : i32 from vector<1xi32>
        %shift_right_arithmetic3A_1671 = arith.constant 7 : i32
        %shift_right_arithmetic3A_1672 = arith.shrsi %squeeze3A_1670, %shift_right_arithmetic3A_1671 : i32
        %mul3A_1673 = arith.constant 128 : i32
        %mul3A_1674 = arith.muli %shift_right_arithmetic3A_1672, %mul3A_1673 : i32
        %multiple_of3A_1675 = tpu.assume_multiple %mul3A_1674, 128 : i32
        %dma_start3A_1676 = arith.constant 192 : i32
        %dma_start3A_1677 = arith.constant 0 : i32
        %dma_start3A_1678 = tpu.memref_slice %arg10[%dma_start3A_1676, %dma_start3A_1677] : memref<256x128xf32, #tpu.memory_space<vmem>> -> memref<16x128xf32, #tpu.memory_space<vmem>>
        %dma_start3A_1679 = arith.constant 0 : i32
        %dma_start3A_1680 = tpu.memref_slice %arg2[%dma_start3A_1679, %multiple_of3A_1668] : memref<16x2100000xf32, #tpu.memory_space<hbm>> -> memref<16x128xf32, #tpu.memory_space<hbm>>
        %dma_start3A_1681 = arith.constant 192 : i32
        %dma_start3A_1682 = arith.constant 0 : i32
        %dma_start3A_1683 = tpu.memref_slice %arg10[%dma_start3A_1681, %dma_start3A_1682] : memref<256x128xf32, #tpu.memory_space<vmem>> -> memref<16x128xf32, #tpu.memory_space<vmem>>
        %dma_start3A_1684 = arith.constant 0 : i32
        %dma_start3A_1685 = tpu.memref_slice %arg2[%dma_start3A_1684, %multiple_of3A_1668] : memref<16x2100000xf32, #tpu.memory_space<hbm>> -> memref<16x128xf32, #tpu.memory_space<hbm>>
        tpu.enqueue_dma source(%dma_start3A_1685 : memref<16x128xf32, #tpu.memory_space<hbm>>) target(%dma_start3A_1683 : memref<16x128xf32, #tpu.memory_space<vmem>>) target_semaphore(%arg16 : memref<!tpu.dma_semaphore, #tpu.memory_space<semaphore_mem>>)
        %dma_start3A_1686 = arith.constant 192 : i32
        %dma_start3A_1687 = arith.constant 0 : i32
        %dma_start3A_1688 = tpu.memref_slice %arg11[%dma_start3A_1686, %dma_start3A_1687] : memref<256x128xf32, #tpu.memory_space<vmem>> -> memref<16x128xf32, #tpu.memory_space<vmem>>
        %dma_start3A_1689 = arith.constant 0 : i32
        %dma_start3A_1690 = tpu.memref_slice %arg2[%dma_start3A_1689, %multiple_of3A_1675] : memref<16x2100000xf32, #tpu.memory_space<hbm>> -> memref<16x128xf32, #tpu.memory_space<hbm>>
        %dma_start3A_1691 = arith.constant 192 : i32
        %dma_start3A_1692 = arith.constant 0 : i32
        %dma_start3A_1693 = tpu.memref_slice %arg11[%dma_start3A_1691, %dma_start3A_1692] : memref<256x128xf32, #tpu.memory_space<vmem>> -> memref<16x128xf32, #tpu.memory_space<vmem>>
        %dma_start3A_1694 = arith.constant 0 : i32
        %dma_start3A_1695 = tpu.memref_slice %arg2[%dma_start3A_1694, %multiple_of3A_1675] : memref<16x2100000xf32, #tpu.memory_space<hbm>> -> memref<16x128xf32, #tpu.memory_space<hbm>>
        tpu.enqueue_dma source(%dma_start3A_1695 : memref<16x128xf32, #tpu.memory_space<hbm>>) target(%dma_start3A_1693 : memref<16x128xf32, #tpu.memory_space<vmem>>) target_semaphore(%arg16 : memref<!tpu.dma_semaphore, #tpu.memory_space<semaphore_mem>>)
        %slice3A_1696 = vector.extract_strided_slice %add3A_1518 {offsets = [13], sizes = [1], strides = [1]} : vector<16xi32> to vector<1xi32>
        %squeeze3A_1697 = vector.extract %slice3A_1696[0] : i32 from vector<1xi32>
        %shift_right_arithmetic3A_1698 = arith.constant 7 : i32
        %shift_right_arithmetic3A_1699 = arith.shrsi %squeeze3A_1697, %shift_right_arithmetic3A_1698 : i32
        %mul3A_1700 = arith.constant 128 : i32
        %mul3A_1701 = arith.muli %shift_right_arithmetic3A_1699, %mul3A_1700 : i32
        %multiple_of3A_1702 = tpu.assume_multiple %mul3A_1701, 128 : i32
        %slice3A_1703 = vector.extract_strided_slice %add3A_1525 {offsets = [13], sizes = [1], strides = [1]} : vector<16xi32> to vector<1xi32>
        %squeeze3A_1704 = vector.extract %slice3A_1703[0] : i32 from vector<1xi32>
        %shift_right_arithmetic3A_1705 = arith.constant 7 : i32
        %shift_right_arithmetic3A_1706 = arith.shrsi %squeeze3A_1704, %shift_right_arithmetic3A_1705 : i32
        %mul3A_1707 = arith.constant 128 : i32
        %mul3A_1708 = arith.muli %shift_right_arithmetic3A_1706, %mul3A_1707 : i32
        %multiple_of3A_1709 = tpu.assume_multiple %mul3A_1708, 128 : i32
        %dma_start3A_1710 = arith.constant 208 : i32
        %dma_start3A_1711 = arith.constant 0 : i32
        %dma_start3A_1712 = tpu.memref_slice %arg10[%dma_start3A_1710, %dma_start3A_1711] : memref<256x128xf32, #tpu.memory_space<vmem>> -> memref<16x128xf32, #tpu.memory_space<vmem>>
        %dma_start3A_1713 = arith.constant 0 : i32
        %dma_start3A_1714 = tpu.memref_slice %arg2[%dma_start3A_1713, %multiple_of3A_1702] : memref<16x2100000xf32, #tpu.memory_space<hbm>> -> memref<16x128xf32, #tpu.memory_space<hbm>>
        %dma_start3A_1715 = arith.constant 208 : i32
        %dma_start3A_1716 = arith.constant 0 : i32
        %dma_start3A_1717 = tpu.memref_slice %arg10[%dma_start3A_1715, %dma_start3A_1716] : memref<256x128xf32, #tpu.memory_space<vmem>> -> memref<16x128xf32, #tpu.memory_space<vmem>>
        %dma_start3A_1718 = arith.constant 0 : i32
        %dma_start3A_1719 = tpu.memref_slice %arg2[%dma_start3A_1718, %multiple_of3A_1702] : memref<16x2100000xf32, #tpu.memory_space<hbm>> -> memref<16x128xf32, #tpu.memory_space<hbm>>
        tpu.enqueue_dma source(%dma_start3A_1719 : memref<16x128xf32, #tpu.memory_space<hbm>>) target(%dma_start3A_1717 : memref<16x128xf32, #tpu.memory_space<vmem>>) target_semaphore(%arg16 : memref<!tpu.dma_semaphore, #tpu.memory_space<semaphore_mem>>)
        %dma_start3A_1720 = arith.constant 208 : i32
        %dma_start3A_1721 = arith.constant 0 : i32
        %dma_start3A_1722 = tpu.memref_slice %arg11[%dma_start3A_1720, %dma_start3A_1721] : memref<256x128xf32, #tpu.memory_space<vmem>> -> memref<16x128xf32, #tpu.memory_space<vmem>>
        %dma_start3A_1723 = arith.constant 0 : i32
        %dma_start3A_1724 = tpu.memref_slice %arg2[%dma_start3A_1723, %multiple_of3A_1709] : memref<16x2100000xf32, #tpu.memory_space<hbm>> -> memref<16x128xf32, #tpu.memory_space<hbm>>
        %dma_start3A_1725 = arith.constant 208 : i32
        %dma_start3A_1726 = arith.constant 0 : i32
        %dma_start3A_1727 = tpu.memref_slice %arg11[%dma_start3A_1725, %dma_start3A_1726] : memref<256x128xf32, #tpu.memory_space<vmem>> -> memref<16x128xf32, #tpu.memory_space<vmem>>
        %dma_start3A_1728 = arith.constant 0 : i32
        %dma_start3A_1729 = tpu.memref_slice %arg2[%dma_start3A_1728, %multiple_of3A_1709] : memref<16x2100000xf32, #tpu.memory_space<hbm>> -> memref<16x128xf32, #tpu.memory_space<hbm>>
        tpu.enqueue_dma source(%dma_start3A_1729 : memref<16x128xf32, #tpu.memory_space<hbm>>) target(%dma_start3A_1727 : memref<16x128xf32, #tpu.memory_space<vmem>>) target_semaphore(%arg16 : memref<!tpu.dma_semaphore, #tpu.memory_space<semaphore_mem>>)
        %slice3A_1730 = vector.extract_strided_slice %add3A_1518 {offsets = [14], sizes = [1], strides = [1]} : vector<16xi32> to vector<1xi32>
        %squeeze3A_1731 = vector.extract %slice3A_1730[0] : i32 from vector<1xi32>
        %shift_right_arithmetic3A_1732 = arith.constant 7 : i32
        %shift_right_arithmetic3A_1733 = arith.shrsi %squeeze3A_1731, %shift_right_arithmetic3A_1732 : i32
        %mul3A_1734 = arith.constant 128 : i32
        %mul3A_1735 = arith.muli %shift_right_arithmetic3A_1733, %mul3A_1734 : i32
        %multiple_of3A_1736 = tpu.assume_multiple %mul3A_1735, 128 : i32
        %slice3A_1737 = vector.extract_strided_slice %add3A_1525 {offsets = [14], sizes = [1], strides = [1]} : vector<16xi32> to vector<1xi32>
        %squeeze3A_1738 = vector.extract %slice3A_1737[0] : i32 from vector<1xi32>
        %shift_right_arithmetic3A_1739 = arith.constant 7 : i32
        %shift_right_arithmetic3A_1740 = arith.shrsi %squeeze3A_1738, %shift_right_arithmetic3A_1739 : i32
        %mul3A_1741 = arith.constant 128 : i32
        %mul3A_1742 = arith.muli %shift_right_arithmetic3A_1740, %mul3A_1741 : i32
        %multiple_of3A_1743 = tpu.assume_multiple %mul3A_1742, 128 : i32
        %dma_start3A_1744 = arith.constant 224 : i32
        %dma_start3A_1745 = arith.constant 0 : i32
        %dma_start3A_1746 = tpu.memref_slice %arg10[%dma_start3A_1744, %dma_start3A_1745] : memref<256x128xf32, #tpu.memory_space<vmem>> -> memref<16x128xf32, #tpu.memory_space<vmem>>
        %dma_start3A_1747 = arith.constant 0 : i32
        %dma_start3A_1748 = tpu.memref_slice %arg2[%dma_start3A_1747, %multiple_of3A_1736] : memref<16x2100000xf32, #tpu.memory_space<hbm>> -> memref<16x128xf32, #tpu.memory_space<hbm>>
        %dma_start3A_1749 = arith.constant 224 : i32
        %dma_start3A_1750 = arith.constant 0 : i32
        %dma_start3A_1751 = tpu.memref_slice %arg10[%dma_start3A_1749, %dma_start3A_1750] : memref<256x128xf32, #tpu.memory_space<vmem>> -> memref<16x128xf32, #tpu.memory_space<vmem>>
        %dma_start3A_1752 = arith.constant 0 : i32
        %dma_start3A_1753 = tpu.memref_slice %arg2[%dma_start3A_1752, %multiple_of3A_1736] : memref<16x2100000xf32, #tpu.memory_space<hbm>> -> memref<16x128xf32, #tpu.memory_space<hbm>>
        tpu.enqueue_dma source(%dma_start3A_1753 : memref<16x128xf32, #tpu.memory_space<hbm>>) target(%dma_start3A_1751 : memref<16x128xf32, #tpu.memory_space<vmem>>) target_semaphore(%arg16 : memref<!tpu.dma_semaphore, #tpu.memory_space<semaphore_mem>>)
        %dma_start3A_1754 = arith.constant 224 : i32
        %dma_start3A_1755 = arith.constant 0 : i32
        %dma_start3A_1756 = tpu.memref_slice %arg11[%dma_start3A_1754, %dma_start3A_1755] : memref<256x128xf32, #tpu.memory_space<vmem>> -> memref<16x128xf32, #tpu.memory_space<vmem>>
        %dma_start3A_1757 = arith.constant 0 : i32
        %dma_start3A_1758 = tpu.memref_slice %arg2[%dma_start3A_1757, %multiple_of3A_1743] : memref<16x2100000xf32, #tpu.memory_space<hbm>> -> memref<16x128xf32, #tpu.memory_space<hbm>>
        %dma_start3A_1759 = arith.constant 224 : i32
        %dma_start3A_1760 = arith.constant 0 : i32
        %dma_start3A_1761 = tpu.memref_slice %arg11[%dma_start3A_1759, %dma_start3A_1760] : memref<256x128xf32, #tpu.memory_space<vmem>> -> memref<16x128xf32, #tpu.memory_space<vmem>>
        %dma_start3A_1762 = arith.constant 0 : i32
        %dma_start3A_1763 = tpu.memref_slice %arg2[%dma_start3A_1762, %multiple_of3A_1743] : memref<16x2100000xf32, #tpu.memory_space<hbm>> -> memref<16x128xf32, #tpu.memory_space<hbm>>
        tpu.enqueue_dma source(%dma_start3A_1763 : memref<16x128xf32, #tpu.memory_space<hbm>>) target(%dma_start3A_1761 : memref<16x128xf32, #tpu.memory_space<vmem>>) target_semaphore(%arg16 : memref<!tpu.dma_semaphore, #tpu.memory_space<semaphore_mem>>)
        %slice3A_1764 = vector.extract_strided_slice %add3A_1518 {offsets = [15], sizes = [1], strides = [1]} : vector<16xi32> to vector<1xi32>
        %squeeze3A_1765 = vector.extract %slice3A_1764[0] : i32 from vector<1xi32>
        %shift_right_arithmetic3A_1766 = arith.constant 7 : i32
        %shift_right_arithmetic3A_1767 = arith.shrsi %squeeze3A_1765, %shift_right_arithmetic3A_1766 : i32
        %mul3A_1768 = arith.constant 128 : i32
        %mul3A_1769 = arith.muli %shift_right_arithmetic3A_1767, %mul3A_1768 : i32
        %multiple_of3A_1770 = tpu.assume_multiple %mul3A_1769, 128 : i32
        %slice3A_1771 = vector.extract_strided_slice %add3A_1525 {offsets = [15], sizes = [1], strides = [1]} : vector<16xi32> to vector<1xi32>
        %squeeze3A_1772 = vector.extract %slice3A_1771[0] : i32 from vector<1xi32>
        %shift_right_arithmetic3A_1773 = arith.constant 7 : i32
        %shift_right_arithmetic3A_1774 = arith.shrsi %squeeze3A_1772, %shift_right_arithmetic3A_1773 : i32
        %mul3A_1775 = arith.constant 128 : i32
        %mul3A_1776 = arith.muli %shift_right_arithmetic3A_1774, %mul3A_1775 : i32
        %multiple_of3A_1777 = tpu.assume_multiple %mul3A_1776, 128 : i32
        %dma_start3A_1778 = arith.constant 240 : i32
        %dma_start3A_1779 = arith.constant 0 : i32
        %dma_start3A_1780 = tpu.memref_slice %arg10[%dma_start3A_1778, %dma_start3A_1779] : memref<256x128xf32, #tpu.memory_space<vmem>> -> memref<16x128xf32, #tpu.memory_space<vmem>>
        %dma_start3A_1781 = arith.constant 0 : i32
        %dma_start3A_1782 = tpu.memref_slice %arg2[%dma_start3A_1781, %multiple_of3A_1770] : memref<16x2100000xf32, #tpu.memory_space<hbm>> -> memref<16x128xf32, #tpu.memory_space<hbm>>
        %dma_start3A_1783 = arith.constant 240 : i32
        %dma_start3A_1784 = arith.constant 0 : i32
        %dma_start3A_1785 = tpu.memref_slice %arg10[%dma_start3A_1783, %dma_start3A_1784] : memref<256x128xf32, #tpu.memory_space<vmem>> -> memref<16x128xf32, #tpu.memory_space<vmem>>
        %dma_start3A_1786 = arith.constant 0 : i32
        %dma_start3A_1787 = tpu.memref_slice %arg2[%dma_start3A_1786, %multiple_of3A_1770] : memref<16x2100000xf32, #tpu.memory_space<hbm>> -> memref<16x128xf32, #tpu.memory_space<hbm>>
        tpu.enqueue_dma source(%dma_start3A_1787 : memref<16x128xf32, #tpu.memory_space<hbm>>) target(%dma_start3A_1785 : memref<16x128xf32, #tpu.memory_space<vmem>>) target_semaphore(%arg16 : memref<!tpu.dma_semaphore, #tpu.memory_space<semaphore_mem>>)
        %dma_start3A_1788 = arith.constant 240 : i32
        %dma_start3A_1789 = arith.constant 0 : i32
        %dma_start3A_1790 = tpu.memref_slice %arg11[%dma_start3A_1788, %dma_start3A_1789] : memref<256x128xf32, #tpu.memory_space<vmem>> -> memref<16x128xf32, #tpu.memory_space<vmem>>
        %dma_start3A_1791 = arith.constant 0 : i32
        %dma_start3A_1792 = tpu.memref_slice %arg2[%dma_start3A_1791, %multiple_of3A_1777] : memref<16x2100000xf32, #tpu.memory_space<hbm>> -> memref<16x128xf32, #tpu.memory_space<hbm>>
        %dma_start3A_1793 = arith.constant 240 : i32
        %dma_start3A_1794 = arith.constant 0 : i32
        %dma_start3A_1795 = tpu.memref_slice %arg11[%dma_start3A_1793, %dma_start3A_1794] : memref<256x128xf32, #tpu.memory_space<vmem>> -> memref<16x128xf32, #tpu.memory_space<vmem>>
        %dma_start3A_1796 = arith.constant 0 : i32
        %dma_start3A_1797 = tpu.memref_slice %arg2[%dma_start3A_1796, %multiple_of3A_1777] : memref<16x2100000xf32, #tpu.memory_space<hbm>> -> memref<16x128xf32, #tpu.memory_space<hbm>>
        tpu.enqueue_dma source(%dma_start3A_1797 : memref<16x128xf32, #tpu.memory_space<hbm>>) target(%dma_start3A_1795 : memref<16x128xf32, #tpu.memory_space<vmem>>) target_semaphore(%arg16 : memref<!tpu.dma_semaphore, #tpu.memory_space<semaphore_mem>>)
      } else {
      }
    }
    %scan3A_559 = arith.constant 32 : i32
    %get3A_560 = arith.constant 0 : index
    %get3A_561 = tpu.vector_load %arg13[%get3A_560] {strides = array<i32>} : memref<16xf32, #tpu.memory_space<vmem>>, vector<16xf32>,
    %scan3A_562 = arith.constant 0 : i32
    %scan3A_563 = arith.constant 0 : i32
    %scan3A_564 = arith.constant 32 : i32
    %scan3A_565 = arith.addi %scan3A_563, %scan3A_564 : i32
    %scan3A_566 = arith.constant 1 : i32
    scf.for %scan3A_568 = %scan3A_563 to %scan3A_565 step %scan3A_566  : i32 {
      %mul3A_569 = arith.constant 16 : i32
      %mul3A_570 = arith.muli %scan3A_568, %mul3A_569 : i32
      %get3A_571 = arith.index_cast %mul3A_570 : i32 to index
      %get3A_572 = tpu.vector_load %arg14[%get3A_571] {strides = array<i32>} : memref<512xf32, #tpu.memory_space<vmem>>, vector<16xf32>,
      %add3A_573 = arith.addf %get3A_572, %get3A_561 : vector<16xf32>
      %neg3A = arith.constant 0.000000e+00 : f32
      %neg3A_574 = vector.broadcast %neg3A : f32 to vector<16xf32>
      %neg3A_575 = arith.subf %neg3A_574, %add3A_573 : vector<16xf32>
      %exp3A = math.exp %neg3A_575 : vector<16xf32>
      %add3A_576 = arith.constant 1.000000e+00 : f32
      %add3A_577 = vector.broadcast %add3A_576 : f32 to vector<16xf32>
      %add3A_578 = arith.addf %add3A_577, %exp3A : vector<16xf32>
      %div3A = arith.constant 1.000000e+00 : f32
      %div3A_579 = vector.broadcast %div3A : f32 to vector<16xf32>
      %div3A_580 = arith.divf %div3A_579, %add3A_578 : vector<16xf32>
      %swap3A = arith.index_cast %mul3A_570 : i32 to index
      %swap3A_581 = tpu.vector_load %arg14[%swap3A] {strides = array<i32>} : memref<512xf32, #tpu.memory_space<vmem>>, vector<16xf32>,
      tpu.vector_store %arg14[%swap3A], %div3A_580 {strides = array<i32>} : memref<512xf32, #tpu.memory_space<vmem>>, vector<16xf32>,
    }
    %scan3A_567 = arith.constant 32 : i32
    "tpu.region"() ({
      %run_scoped3A = tpu.sem_alloc : memref<!tpu.dma_semaphore, #tpu.memory_space<semaphore_mem>>
      %dma_start3A_568 = tpu.memref_slice %arg7[%mul3A_2] : memref<16384xf32, #tpu.memory_space<hbm>> -> memref<512xf32, #tpu.memory_space<hbm>>
      %dma_start3A_569 = tpu.memref_slice %arg7[%mul3A_2] : memref<16384xf32, #tpu.memory_space<hbm>> -> memref<512xf32, #tpu.memory_space<hbm>>
      tpu.enqueue_dma source(%arg14 : memref<512xf32, #tpu.memory_space<vmem>>) target(%dma_start3A_569 : memref<512xf32, #tpu.memory_space<hbm>>) target_semaphore(%run_scoped3A : memref<!tpu.dma_semaphore, #tpu.memory_space<semaphore_mem>>)
      %dma_wait3A = tpu.memref_slice %arg7[%mul3A_2] : memref<16384xf32, #tpu.memory_space<hbm>> -> memref<512xf32, #tpu.memory_space<hbm>>
      %dma_wait3A_570 = tpu.memref_slice %arg7[%mul3A_2] : memref<16384xf32, #tpu.memory_space<hbm>> -> memref<512xf32, #tpu.memory_space<hbm>>
      tpu.wait_dma2 semaphore(%run_scoped3A : memref<!tpu.dma_semaphore, #tpu.memory_space<semaphore_mem>>) src(%arg14 : memref<512xf32, #tpu.memory_space<vmem>>) dst(%dma_wait3A_570 : memref<512xf32, #tpu.memory_space<hbm>>)
      tpu.yield
    }) : () -> ()
    return
  }
}

</mosaic_0001>

<sc_bundles>
// kernel: kernel.3.cloned.1.call-start
scs
__scs_entry_jumppad:
0x0: {  	(pc) =	sbr.rel $0x88, $3  }
0x1: {  	(tag) =	ssettag $0x0;
	lr =	simm.s32 $0x1  }
0x2: {  	[smem:$0x3F9C] =	sst lr;
	_ =	strace $0xD0000000  }
0x3: {  	_ = 	snop  }
0x4: {  	_ = 	snop  }
0x5: {  	_ = 	snop  }
0x6: {  	_ = 	snop  }
0x7: {  	_ = 	snop  }
__scs_overlays_trampoline_lowered:
0x8: {  	[smem:$0x3FAB] =	sst s0  }
0x9: {  	[smem:$0x3FAC] =	sst s1  }
0xa: {  	[smem:$0x3FAD] =	sst s2  }
0xb: {  	[smem:$0x3FAE] =	sst s3  }
0xc: {  	[smem:$0x3FAF] =	sst s4  }
0xd: {  	[smem:$0x3FB0] =	sst s5  }
0xe: {  	[smem:$0x3FB1] =	sst s6  }
0xf: {  	[smem:$0x3FB2] =	sst s7  }
0x10: {  	[smem:$0x3FB3] =	sst s8  }
0x11: {  	[smem:$0x3FB4] =	sst s9;
	s0 =	simm.s32 @!p0 $0x0  }
0x12: {  	s1 =	sld [smem:$0x3F9A];
	s0 =	simm.s32 @p0 $0x1  }
0x13: {  	[smem:$0x3FB5] =	sst s0;
	s0 =	simm.s32 @!p1 $0x0  }
0x14: {  	s2 =	sld [smem:$0x3F99];
	s0 =	simm.s32 @p1 $0x1  }
0x15: {  	[smem:$0x3FB6] =	sst s0;
	s0 =	simm.s32 @!p2 $0x0  }
0x16: {  	s3 =	sld [smem:$0x3FDB];
	s0 =	simm.s32 @p2 $0x1  }
0x17: {  	s4 =	simm.s32 $0x1BF5;
	[smem:$0x3FB8] =	sst s0  }
0x18: {  	s0 =	sld [smem:$0x3F9B];
	_ =	swait.ge [sflag:s4], $0x0  }
0x19: {  	s7 =	sld [smem:$0x3F9C]  }
0x1a: {  	s8 =	sadd.s32 $0xFFFFE003, lr  }
0x1b: {  	s9 =	sadd.s32 $0xFFFFFEF7, lr;
	s5 =	simm.s32 $0xFFFFFFFF;
	p2 =	slt.u32 s8, $0xFFFFF086  }
0x1c: {  	p1 =	slt.u32 s9, $0xF7A;
	s5 =	simm.s32 @!p2 $0x0  }
0x1d: {  	s5 =	simm.s32 @p1 $0x1;
	p0 =	seq.s32 s7, s2  }
0x1e: {  	s7 =	smul.u32 @!p0 $0xF7A, s2;
	p2 =	seq.s32 @!p0 s5, $0x0  }
0x1f: {  	s9 =	smul.u32 $0xF7A, s1;
	s8 =	simm.s32 @!p0 $0x1BF5;
	p2 =	por !p2, p0  }
0x20: {  	[sflag:s8] =	ssyncset.s32 @!p0 $0xFFFFF086;
	s6 =	sadd.s32 @!p0 s3, s7;
	s7 =	simm.s32 @!p0 $0x108  }
0x21: {  	s3 =	sadd.s32 s3, s9;
	s6 =	sadd.s32 @!p0 $0x88, s6;
	s7 =	simm.s32 @p2 $0x1082  }
0x22: {  	[simem:s7], [sflag:s8] =	dma.local @!p0 [hbm:s6], $0xF7A  }
0x23: {  	s9 =	sor.u32 $0xD0000000, s2;
	s6 =	simm.s32 $0x108;
	_ =	swait.ge @!p0 [sflag:s8], $0x0  }
0x24: {  	s3 =	sadd.s32 $0x88, s3;
	s6 =	simm.s32 @!p1 $0x1082;
	[sflag:s4] =	ssyncset.s32 $0xFFFFF086  }
0x25: {  	[simem:s6], [sflag:s4] =	dma.local [hbm:s3], $0xF7A  }
0x26: {  	[smem:$0x3F9C] =	sst s1;
	(tag) =	ssettag s2;
	_ =	strace s9  }
0x27: {  	s1 =	sld [smem:$0x3FAC]  }
0x28: {  	s2 =	sld [smem:$0x3FAD]  }
0x29: {  	s4 =	sld [smem:$0x3FAF]  }
0x2a: {  	p0 =	seq.s32 s5, $0x0;
	s5 =	sld [smem:$0x3FB0]  }
0x2b: {  	s6 =	sld [smem:$0x3FB1]  }
0x2c: {  	s7 =	sld [smem:$0x3FB2]  }
0x2d: {  	s3 =	simm.s32 $0x108;
	s8 =	sld [smem:$0x3FB3]  }
0x2e: {  	s3 =	simm.s32 @!p0 $0x1082;
	s9 =	sld [smem:$0x3FB4]  }
0x2f: {  	lr =	sadd.s32 s0, s3;
	s0 =	sld [smem:$0x3FAB]  }
0x30: {  	s3 =	sld [smem:$0x3FAE]  }
0x31: {  	[smem:$0x3FB7] =	sst s10  }
0x32: {  	s10 =	sld [smem:$0x3FB5];
	_ =	sdelay $0x3  }
0x33: {  	p0 =	seq.s32 s10, $0x1;
	s10 =	sld [smem:$0x3FB7];
	_ =	sdelay $0x3  }
0x34: {  	[smem:$0x3FB7] =	sst s10  }
0x35: {  	s10 =	sld [smem:$0x3FB6];
	_ =	sdelay $0x3  }
0x36: {  	p1 =	seq.s32 s10, $0x1;
	s10 =	sld [smem:$0x3FB7];
	_ =	sdelay $0x3  }
0x37: {  	[smem:$0x3FB7] =	sst s10  }
0x38: {  	s10 =	sld [smem:$0x3FB8]  }
0x39: {  	_ = 	snop;
	(pc) =	sbr.ind lr, $3  }
0x3a: {  	_ = 	snop  }
0x3b: {  	_ = 	snop  }
0x3c: {  	p2 =	seq.s32 s10, $0x1;
	s10 =	sld [smem:$0x3FB7]  }
0x3d: {  	_ =	shalt  }
0x3e: {  	_ =	shalt  }
0x3f: {  	_ =	shalt  }
0x40: {  	_ =	shalt  }
0x41: {  	_ =	shalt  }
0x42: {  	_ =	shalt  }
0x43: {  	_ =	shalt  }
0x44: {  	_ =	shalt  }
0x45: {  	_ =	shalt  }
0x46: {  	_ =	shalt  }
0x47: {  	_ =	shalt  }
0x48: {  	_ =	shalt  }
0x49: {  	_ =	shalt  }
0x4a: {  	_ =	shalt  }
0x4b: {  	_ =	shalt  }
0x4c: {  	_ =	shalt  }
0x4d: {  	_ =	shalt  }
0x4e: {  	_ =	shalt  }
0x4f: {  	_ =	shalt  }
0x50: {  	_ =	shalt  }
0x51: {  	_ =	shalt  }
0x52: {  	_ =	shalt  }
0x53: {  	_ =	shalt  }
0x54: {  	_ =	shalt  }
0x55: {  	_ =	shalt  }
0x56: {  	_ =	shalt  }
0x57: {  	_ =	shalt  }
0x58: {  	_ =	shalt  }
0x59: {  	_ =	shalt  }
0x5a: {  	_ =	shalt  }
0x5b: {  	_ =	shalt  }
0x5c: {  	_ =	shalt  }
0x5d: {  	_ =	shalt  }
0x5e: {  	_ =	shalt  }
0x5f: {  	_ =	shalt  }
0x60: {  	_ =	shalt  }
0x61: {  	_ =	shalt  }
0x62: {  	_ =	shalt  }
0x63: {  	_ =	shalt  }
0x64: {  	_ =	shalt  }
0x65: {  	_ =	shalt  }
0x66: {  	_ =	shalt  }
0x67: {  	_ =	shalt  }
0x68: {  	_ =	shalt  }
0x69: {  	_ =	shalt  }
0x6a: {  	_ =	shalt  }
0x6b: {  	_ =	shalt  }
0x6c: {  	_ =	shalt  }
0x6d: {  	_ =	shalt  }
0x6e: {  	_ =	shalt  }
0x6f: {  	_ =	shalt  }
0x70: {  	_ =	shalt  }
0x71: {  	_ =	shalt  }
0x72: {  	_ =	shalt  }
0x73: {  	_ =	shalt  }
0x74: {  	_ =	shalt  }
0x75: {  	_ =	shalt  }
0x76: {  	_ =	shalt  }
0x77: {  	_ =	shalt  }
0x78: {  	_ =	shalt  }
0x79: {  	_ =	shalt  }
0x7a: {  	_ =	shalt  }
0x7b: {  	_ =	shalt  }
0x7c: {  	_ =	shalt  }
0x7d: {  	_ =	shalt  }
0x7e: {  	_ =	shalt  }
0x7f: {  	_ =	shalt  }
0x80: {  	_ =	shalt  }
0x81: {  	_ =	shalt  }
0x82: {  	_ =	shalt  }
0x83: {  	_ =	shalt  }
0x84: {  	_ =	shalt  }
0x85: {  	_ =	shalt  }
0x86: {  	_ =	shalt  }
0x87: {  	_ =	shalt  }
.Lfunc_end0:
.L_simem_size_0:
called_computation_lowered:
.L_overlay_start_0:
0x88: {  	s2 =	sld [smem:$0x3FD9]  }
0x89: {  	s3 =	sld [smem:$0x3FFE];
	_ =	sdelay $0x1  }
0x8a: {  	s1 =	srdreg.scid  }
0x8b: {  	s0 =	sand.u32 $0x1, s1  }
0x8c: {  	s17 =	sshll.u32 s0, $0xA;
	s2 =	sadd.s32 s3, s2  }
0x8d: {  	s2 =	sadd.s32 s2, s17  }
0x8e: {  	[smem:$0x3FC3] =	sst s2  }
0x8f: {  	_ = 	snop  }
0x90: {  	s2 =	sld [smem:$0x3FC9]  }
0x91: {  	s18 =	sld [smem:$0x3FC8]  }
0x92: {  	s4 =	sld [smem:$0x3FC7]  }
0x93: {  	s5 =	sld [smem:$0x3FC6]  }
0x94: {  	s6 =	sld [smem:$0x3FD0];
	(tm) =	ssettm $0x1  }
0x95: {  	s7 =	sld [smem:$0x3FFB];
	_ =	sdelay $0x3  }
0x96: {  	_ =	strace s7  }
0x97: {  	s7 =	sld [smem:$0x3FFC];
	_ =	sdelay $0x3  }
0x98: {  	_ =	strace s7  }
0x99: {  	s7 =	sld [smem:$0x3FFD];
	_ =	sdelay $0x3  }
0x9a: {  	_ =	strace s7  }
0x9b: {  	_ =	strace $0x8FFFFFFF  }
0x9c: {  	s19 =	sld [smem:$0x3FDB];
	_ =	sdelay $0x1  }
0x9d: {  	s8 =	simm.s32 $_scs_section_size  }
0x9e: {  	s9 =	simm.s32 $_size__tile_overlayer_lowered;
	s10 =	simm.s32 $_tile_overlayer_lowered  }
0x9f: {  	s22 =	simm.s32 $0x1BFF;
	s21 =	sshll.u32 s10, $0x1;
	s7 =	sadd.s32 s8, s19  }
0xa0: {  	s11 =	simm.s32 $0x0;
	s20 =	sshll.u32 s9, $0x1;
	s9 =	sadd.s32 s21, s7  }
0xa1: {  	[timem:s11], [sflag:s22] =	dma.local [hbm:s9], s20  }
0xa2: {  	_ =	swait.ge [sflag:s22], s20  }
0xa3: {  	s8 =	ssub.s32 $0x0, s20;
	[sflag:s22] =	ssyncset.done $0x0  }
0xa4: {  	[sflag:s22] =	ssyncadd.s32 s8;
	_ =	sdelay $0x1  }
0xa5: {  	s23 =	simm.s32 $0x1B8B  }
0xa6: {  	_ =	swait.ge [sflag:s23], $0x1  }
0xa7: {  	[sflag:s23] =	ssyncset.done $0x0  }
0xa8: {  	s25 =	simm.s32 $0x1B8E;
	s24 =	sld [smem:$0x3FFE];
	[sflag:s23] =	ssyncadd.s32 $0xFFFFFFFF  }
0xa9: {  	s26 =	simm.s32 $execute0_lowered;
	[smem:$0x3FD2] =	sst s25  }
0xaa: {  	s9 =	sshll.u32 s26, $0x1;
	_ =	strace $0x80000046;
	[dreg:$0x1] =	wrdreg $0xFFFFFFFF  }
0xab: {  	s28 =	simm.s32 $_size_execute0_lowered;
	s7 =	sadd.s32 s7, s9;
	[dreg:$0x0] =	wrdreg $0x0  }
0xac: {  	s9 =	sshll.u32 s28, $0x1;
	[dreg:$0x2] =	wrdreg s7  }
0xad: {  	[dreg:$0x3] =	wrdreg s9  }
0xae: {  	[dreg:$0x4] =	wrdreg $0xC0  }
0xaf: {  	_ =	task [dreg:s11], $0x5FFFF  }
0xb0: {  	[dreg:$0x1] =	wrdreg $0xFFFFFFFF  }
0xb1: {  	[dreg:$0x0] =	wrdreg $0x60  }
0xb2: {  	[dreg:$0x2] =	wrdreg s4  }
0xb3: {  	[dreg:$0x3] =	wrdreg s2  }
0xb4: {  	[dreg:$0x4] =	wrdreg s18  }
0xb5: {  	[dreg:$0x5] =	wrdreg s5  }
0xb6: {  	[dreg:$0x6] =	wrdreg s24  }
0xb7: {  	[dreg:$0x7] =	wrdreg s6  }
0xb8: {  	[dreg:$0x8] =	wrdreg $0x9  }
0xb9: {  	_ =	task.clear_ibuf [dreg:s11], $0x9FFFF;
	_ =	strace $0x90000046  }
0xba: {  	s29 =	simm.s32 $0x9;
	_ =	strace $0x80000048  }
0xbb: {  	_ =	swait.ge [sflag:s29], $0x1  }
0xbc: {  	[sflag:s29] =	ssyncadd.s32 $0xFFFFFFFF  }
0xbd: {  	_ =	strace $0x90000048  }
0xbe: {  	_ =	sfence  }
0xbf: {  	s30 =	sld [smem:$0x0];
	_ =	sdelay $0x2  }
0xc0: {  	s31 =	sshll.u32 s1, $0xD;
	s1 =	sshrl.u32 s1, $0x2  }
0xc1: {  	s3 =	sand.u32 $0x4000, s31;
	s1 =	sadd.s32 s1, s30  }
0xc2: {  	s0 =	sor.u32 s3, s0;
	s1 =	sshll.u32 s1, $0x11  }
0xc3: {  	s0 =	sor.u32 s1, s0  }
0xc4: {  	s0 =	sadd.s32 $0x8F2B, s0  }
0xc5: {  	[sflag:s0] =	ssyncadd.remote.s32 $0x1  }
0xc6: {  	_ =	sfence.sel $0xFFFF  }
0xc7: {  	[dreg:$0x0] =	wrdreg $0xFFFFFFFF;
	(pc) =	sbr.abs _section_cstart, $3  }
0xc8: {  	[dreg:$0x1] =	wrdreg $0xFFFFFFFF  }
0xc9: {  	_ =	task.clear_ibuf [dreg:s11], $0x2FFFF;
	_ =	strace $0x9FFFFFFF  }
0xca: {  	(tm) =	ssettm $0x7FFFFFFF  }
0xcb: {  	_ =	shalt  }
tec
execute0_lowered:
.L_overlay_start_1:
0x0: {  	(tag) =	ssettag $0x1  }
0x1: {  	s1 =	rddreg [dreg:$0x0]  }
0x2: {  	s0 =	rddreg [dreg:$0x1]  }
0x3: {  	s2 =	rddreg [dreg:$0x2]  }
0x4: {  	s3 =	rddreg [dreg:$0x4]  }
0x5: {  	s4 =	rddreg [dreg:$0x5];
	s24 =	simm.s32 $0x0  }
0x6: {  	s5 =	srdreg.scid;
	s8 =	stileid.u32;
	s14 =	simm.s32 $0x1005C00  }
0x7: {  	s15 =	simm.s32 $0x400;
	s16 =	simm.s32 $0x8400;
	s29 =	simm.s32 $0xB400  }
0x8: {  	s30 =	simm.s32 $0x3C00;
	s31 =	simm.s32 $0xBC00;
	s11 =	simm.s32 $0xCC00  }
0x9: {  	s12 =	simm.s32 $0x5400;
	s13 =	simm.s32 $0xD400;
	s9 =	simm.s32 $0x6C00  }
0xa: {  	s10 =	simm.s32 $0x7400;
	s17 =	simm.s32 $0xF400;
	s18 =	simm.s32 $0x7C00  }
0xb: {  	s19 =	simm.s32 $0xFC00;
	s20 =	simm.s32 $0x1;
	s21 =	simm.s32 $0x10500  }
0xc: {  	s22 =	simm.s32 $0x2;
	[smem:$0x7FF] =	sst s24;
	s5 =	sand.u32 $0x1, s5  }
0xd: {  	s8 =	sshll.u32 s8, $0x7;
	s3 =	sadd.s32 $0x400, s3;
	_ =	strace $0x80000047  }
0xe: {  	v0 =	vlaneseq.u32;
	s6 =	ssub.s32 $0x2, s5;
	s5 =	sshll.u32 s5, $0x6;
	[dreg:$0x7] =	wrdreg s3  }
0xf: {  	v0 =	vmul.u32 $0x80, v0;
	s3 =	simm.s32 $0xEC00;
	s7 =	sshrl.u32 s6, $0x1;
	s5 =	sor.u32 s5, s8  }
0x10: {  	vm0 =	vcmask $0x3F3C;
	s8 =	simm.s32 $0xE400;
	s23 =	ssub.s32 s6, s7;
	s0 =	sadd.s32 s0, s5  }
0x11: {  	v1 =	vor.u32 $0x800, v0;
	v2 =	vor.u32 $0x1000, v0;
	v3 =	vor.u32 $0x1800, v0;
	s25 =	sadd.s32 s2, s5;
	s26 =	sadd.s32 s4, s5;
	s4 =	simm.s32 $0xC400  }
0x12: {  	v4 =	vor.u32 $0x2000, v0;
	v5 =	vor.u32 $0x2800, v0;
	v6 =	vor.u32 $0x3000, v0;
	s2 =	simm.s32 $0x4C00;
	s5 =	simm.s32 $0x5C00;
	[dreg:$0x8] =	wrdreg s0  }
0x13: {  	v7 =	vor.u32 $0x3800, v0;
	v8 =	vor.u32 $0x4000, v0;
	v9 =	vor.u32 $0x4800, v0;
	s6 =	simm.s32 $0xDC00;
	s7 =	simm.s32 $0x6400;
	[dreg:$0x9] =	wrdreg s25  }
0x14: {  	v10 =	vor.u32 $0x5000, v0;
	v11 =	vor.u32 $0x5800, v0;
	v12 =	vor.u32 $0x6000, v0;
	[dreg:$0xa] =	wrdreg s26;
	s28 =	smax.u32 s23, $0x1;
	s25 =	simm.s32 $0x3  }
0x15: {  	v13 =	vor.u32 $0x6800, v0;
	v14 =	vor.u32 $0x7000, v0;
	v15 =	vor.u32 $0x7800, v0;
	s0 =	simm.s32 $0x4400;
	s26 =	simm.s32 $0x0;
	[dreg:$0xb] =	wrdreg s28  }
.LBB2_1:
0x16: {  	[dreg:$0xc] =	wrdreg s26  }
0x17: {  	s23 =	rddreg [dreg:$0x8]  }
0x18: {  	[tilespmem:s24], [sflag:$0x3] =	stream.linear.gather [hbm4b:s23+s24], $0x200, $0x38;
	[tilespmem:$0x10700] =	vst v63  }
0x19: {  	_ =	swait.ge [sflag:s25], $0x200  }
0x1a: {  	[sflag:s25] =	ssyncset.done $0x0  }
0x1b: {  	s28 =	simm.s32 $0x200;
	s26 =	rddreg [dreg:$0x9];
	[sflag:s25] =	ssyncadd.s32 $0xFFFFFE00  }
0x1c: {  	[tilespmem:s28], [sflag:$0x3] =	stream.linear.gather [hbm4b:s26+s24], $0x200, $0x38;
	[tilespmem:$0x10700] =	vst v63  }
0x1d: {  	_ =	swait.ge [sflag:s25], $0x200  }
0x1e: {  	[sflag:s25] =	ssyncset.done $0x0  }
0x1f: {  	[sflag:s25] =	ssyncadd.s32 $0xFFFFFE00  }
0x20: {  	s28 =	simm.s32 $0x10400;
	s26 =	rddreg [dreg:$0x3]  }
0x21: {  	[tilespmem:s28], [sflag:$0x3] =	stream.linear.gather [hbm4b:s26+s24], $0x80, $0x38;
	[tilespmem:$0x10700] =	vst v63  }
0x22: {  	_ =	swait.ge [sflag:s25], $0x80  }
0x23: {  	[sflag:s25] =	ssyncset.done $0x0  }
0x24: {  	s28 =	simm.s32 $0x10480;
	s26 =	rddreg [dreg:$0x7];
	[sflag:s25] =	ssyncadd.s32 $0xFFFFFF80  }
0x25: {  	[tilespmem:s28], [sflag:$0x3] =	stream.linear.gather [hbm4b:s26+s24], $0x80, $0x38;
	[tilespmem:$0x10700] =	vst v63  }
0x26: {  	_ =	swait.ge [sflag:s25], $0x80  }
0x27: {  	[sflag:s25] =	ssyncset.done $0x0  }
0x28: {  	[sflag:s25] =	ssyncadd.s32 $0xFFFFFF80  }
0x29: {  	v16 =	vld [tilespmem:$0x0]  }
0x2a: {  	v17 =	vld [tilespmem:$0x200];
	_ =	sdelay $0x3  }
0x2b: {  	v18 =	vadd.s32 $0xF4240, v16  }
0x2c: {  	v17 =	vadd.s32 $0x10C8E0, v17;
	(v2sf) =	vpush v18, $0x0  }
0x2d: {  	(v2sf) =	vpush v17, $0x0;
	_ =	sdelay $0x5  }
0x2e: {  	(v2sf) =	vpush v18, $0x1;
	_ =	sdelay $0x1  }
0x2f: {  	(v2sf) =	vpush v17, $0x1;
	_ =	sdelay $0x5  }
0x30: {  	s24 =	spop (v2sf);
	(v2sf) =	vpush v18, $0x2  }
0x31: {  	s25 =	spop (v2sf);
	(v2sf) =	vpush v17, $0x2;
	_ =	sdelay $0x4  }
0x32: {  	s23 =	sand.u32 $0xFFFFF80, s24  }
0x33: {  	s23 =	sadd.s32 s1, s23;
	s26 =	spop (v2sf);
	(v2sf) =	vpush v18, $0x3  }
0x34: {  	v16 =	vld [tilespmem:$0x10400];
	[tilespmem:s15], [sflag:$0x1] =	stream.strided.gather [hbm4b:s23+s15], $0x800, s14, s15, $0x38  }
0x35: {  	s23 =	sand.u32 $0xFFFFF80, s25;
	s24 =	spop (v2sf);
	(v2sf) =	vpush v17, $0x3  }
0x36: {  	s23 =	sadd.s32 s1, s23  }
0x37: {  	[tilespmem:s16], [sflag:$0x1] =	stream.strided.gather [hbm4b:s23+s15], $0x800, s14, s15, $0x38;
	[tilespmem:$0x10700] =	vst v63  }
0x38: {  	s23 =	sand.u32 $0xFFFFF80, s26  }
0x39: {  	s28 =	simm.s32 $0xC00;
	s23 =	sadd.s32 s1, s23  }
0x3a: {  	[tilespmem:s28], [sflag:$0x1] =	stream.strided.gather [hbm4b:s23+s15], $0x800, s14, s15, $0x38;
	[tilespmem:$0x10700] =	vst v63  }
0x3b: {  	s26 =	spop (v2sf);
	(v2sf) =	vpush v18, $0x4  }
0x3c: {  	s23 =	sand.u32 $0xFFFFF80, s24;
	s24 =	spop (v2sf);
	(v2sf) =	vpush v17, $0x4;
	_ =	sdelay $0x2  }
0x3d: {  	s25 =	simm.s32 $0x8C00;
	s23 =	sadd.s32 s1, s23  }
0x3e: {  	[tilespmem:s25], [sflag:$0x1] =	stream.strided.gather [hbm4b:s23+s15], $0x800, s14, s15, $0x38;
	[tilespmem:$0x10700] =	vst v63  }
0x3f: {  	s23 =	sand.u32 $0xFFFFF80, s26  }
0x40: {  	s28 =	simm.s32 $0x1400;
	s23 =	sadd.s32 s1, s23;
	s26 =	spop (v2sf);
	(v2sf) =	vpush v18, $0x5  }
0x41: {  	[tilespmem:s28], [sflag:$0x1] =	stream.strided.gather [hbm4b:s23+s15], $0x800, s14, s15, $0x38;
	[tilespmem:$0x10700] =	vst v63  }
0x42: {  	s23 =	sand.u32 $0xFFFFF80, s24;
	s24 =	spop (v2sf);
	(v2sf) =	vpush v17, $0x5  }
0x43: {  	s25 =	simm.s32 $0x9400;
	s23 =	sadd.s32 s1, s23  }
0x44: {  	[tilespmem:s25], [sflag:$0x1] =	stream.strided.gather [hbm4b:s23+s15], $0x800, s14, s15, $0x38;
	[tilespmem:$0x10700] =	vst v63  }
0x45: {  	s23 =	sand.u32 $0xFFFFF80, s26  }
0x46: {  	s28 =	simm.s32 $0x1C00;
	s23 =	sadd.s32 s1, s23  }
0x47: {  	[tilespmem:s28], [sflag:$0x1] =	stream.strided.gather [hbm4b:s23+s15], $0x800, s14, s15, $0x38;
	[tilespmem:$0x10700] =	vst v63  }
0x48: {  	s23 =	sand.u32 $0xFFFFF80, s24;
	s26 =	spop (v2sf);
	(v2sf) =	vpush v18, $0x6  }
0x49: {  	s25 =	simm.s32 $0x9C00;
	s23 =	sadd.s32 s1, s23;
	s24 =	spop (v2sf);
	(v2sf) =	vpush v17, $0x6  }
0x4a: {  	[tilespmem:s25], [sflag:$0x1] =	stream.strided.gather [hbm4b:s23+s15], $0x800, s14, s15, $0x38;
	[tilespmem:$0x10700] =	vst v63  }
0x4b: {  	s23 =	sand.u32 $0xFFFFF80, s26  }
0x4c: {  	s28 =	simm.s32 $0x2400;
	s23 =	sadd.s32 s1, s23  }
0x4d: {  	[tilespmem:s28], [sflag:$0x1] =	stream.strided.gather [hbm4b:s23+s15], $0x800, s14, s15, $0x38;
	[tilespmem:$0x10700] =	vst v63  }
0x4e: {  	s23 =	sand.u32 $0xFFFFF80, s24  }
0x4f: {  	s25 =	simm.s32 $0xA400;
	s26 =	spop (v2sf);
	(v2sf) =	vpush v18, $0x7;
	s23 =	sadd.s32 s1, s23  }
0x50: {  	[tilespmem:s25], [sflag:$0x1] =	stream.strided.gather [hbm4b:s23+s15], $0x800, s14, s15, $0x38;
	[tilespmem:$0x10700] =	vst v63  }
0x51: {  	s24 =	spop (v2sf);
	(v2sf) =	vpush v17, $0x7;
	s23 =	sand.u32 $0xFFFFF80, s26  }
0x52: {  	s28 =	simm.s32 $0x2C00;
	s23 =	sadd.s32 s1, s23  }
0x53: {  	[tilespmem:s28], [sflag:$0x1] =	stream.strided.gather [hbm4b:s23+s15], $0x800, s14, s15, $0x38;
	[tilespmem:$0x10700] =	vst v63  }
0x54: {  	s23 =	sand.u32 $0xFFFFF80, s24  }
0x55: {  	s25 =	simm.s32 $0xAC00;
	s23 =	sadd.s32 s1, s23  }
0x56: {  	[tilespmem:s25], [sflag:$0x1] =	stream.strided.gather [hbm4b:s23+s15], $0x800, s14, s15, $0x38;
	[tilespmem:$0x10700] =	vst v63  }
0x57: {  	s26 =	spop (v2sf);
	(v2sf) =	vpush v18, $0x8  }
0x58: {  	s25 =	spop (v2sf);
	(v2sf) =	vpush v17, $0x8;
	_ =	sdelay $0x4  }
0x59: {  	s23 =	sand.u32 $0xFFFFF80, s26  }
0x5a: {  	s28 =	simm.s32 $0x3400;
	s23 =	sadd.s32 s1, s23;
	s26 =	spop (v2sf);
	(v2sf) =	vpush v18, $0x9  }
0x5b: {  	[tilespmem:s28], [sflag:$0x1] =	stream.strided.gather [hbm4b:s23+s15], $0x800, s14, s15, $0x38;
	[tilespmem:$0x10700] =	vst v63  }
0x5c: {  	s28 =	spop (v2sf);
	(v2sf) =	vpush v17, $0x9;
	_ =	sdelay $0x2  }
0x5d: {  	s23 =	sand.u32 $0xFFFFF80, s25  }
0x5e: {  	s23 =	sadd.s32 s1, s23  }
0x5f: {  	[tilespmem:s29], [sflag:$0x1] =	stream.strided.gather [hbm4b:s23+s15], $0x800, s14, s15, $0x38;
	[tilespmem:$0x10700] =	vst v63  }
0x60: {  	s23 =	sand.u32 $0xFFFFF80, s26;
	s24 =	spop (v2sf);
	(v2sf) =	vpush v18, $0xA  }
0x61: {  	s23 =	sadd.s32 s1, s23;
	s25 =	spop (v2sf);
	(v2sf) =	vpush v17, $0xA  }
0x62: {  	[tilespmem:s30], [sflag:$0x1] =	stream.strided.gather [hbm4b:s23+s15], $0x800, s14, s15, $0x38;
	[tilespmem:$0x10700] =	vst v63  }
0x63: {  	s23 =	sand.u32 $0xFFFFF80, s28  }
0x64: {  	s23 =	sadd.s32 s1, s23  }
0x65: {  	[tilespmem:s31], [sflag:$0x1] =	stream.strided.gather [hbm4b:s23+s15], $0x800, s14, s15, $0x38;
	[tilespmem:$0x10700] =	vst v63  }
0x66: {  	s23 =	sand.u32 $0xFFFFF80, s24  }
0x67: {  	s23 =	sadd.s32 s1, s23;
	s26 =	spop (v2sf);
	(v2sf) =	vpush v18, $0xB  }
0x68: {  	[tilespmem:s0], [sflag:$0x2] =	stream.strided.gather [hbm4b:s23+s15], $0x800, s14, s15, $0x38;
	[tilespmem:$0x10700] =	vst v63  }
0x69: {  	s23 =	sand.u32 $0xFFFFF80, s25;
	s28 =	spop (v2sf);
	(v2sf) =	vpush v17, $0xB  }
0x6a: {  	s23 =	sadd.s32 s1, s23  }
0x6b: {  	[tilespmem:s4], [sflag:$0x2] =	stream.strided.gather [hbm4b:s23+s15], $0x800, s14, s15, $0x38;
	[tilespmem:$0x10700] =	vst v63  }
0x6c: {  	s23 =	sand.u32 $0xFFFFF80, s26  }
0x6d: {  	s23 =	sadd.s32 s1, s23  }
0x6e: {  	[tilespmem:s2], [sflag:$0x2] =	stream.strided.gather [hbm4b:s23+s15], $0x800, s14, s15, $0x38;
	[tilespmem:$0x10700] =	vst v63  }
0x6f: {  	s23 =	sand.u32 $0xFFFFF80, s28;
	s24 =	spop (v2sf);
	(v2sf) =	vpush v18, $0xC  }
0x70: {  	s23 =	sadd.s32 s1, s23;
	s25 =	spop (v2sf);
	(v2sf) =	vpush v17, $0xC  }
0x71: {  	[tilespmem:s11], [sflag:$0x2] =	stream.strided.gather [hbm4b:s23+s15], $0x800, s14, s15, $0x38;
	[tilespmem:$0x10700] =	vst v63  }
0x72: {  	s23 =	sand.u32 $0xFFFFF80, s24;
	(v2sf) =	vpush v18, $0xD  }
0x73: {  	s23 =	sadd.s32 s1, s23  }
0x74: {  	[tilespmem:s12], [sflag:$0x2] =	stream.strided.gather [hbm4b:s23+s15], $0x800, s14, s15, $0x38;
	[tilespmem:$0x10700] =	vst v63  }
0x75: {  	s23 =	sand.u32 $0xFFFFF80, s25  }
0x76: {  	s26 =	spop (v2sf);
	s23 =	sadd.s32 s1, s23  }
0x77: {  	(v2sf) =	vpush v17, $0xD;
	[tilespmem:s13], [sflag:$0x2] =	stream.strided.gather [hbm4b:s23+s15], $0x800, s14, s15, $0x38;
	[tilespmem:$0x10700] =	vst v63  }
0x78: {  	s28 =	spop (v2sf);
	(v2sf) =	vpush v18, $0xE;
	s23 =	sand.u32 $0xFFFFF80, s26  }
0x79: {  	s23 =	sadd.s32 s1, s23  }
0x7a: {  	[tilespmem:s5], [sflag:$0x2] =	stream.strided.gather [hbm4b:s23+s15], $0x800, s14, s15, $0x38;
	[tilespmem:$0x10700] =	vst v63  }
0x7b: {  	s23 =	sand.u32 $0xFFFFF80, s28  }
0x7c: {  	s23 =	sadd.s32 s1, s23  }
0x7d: {  	[tilespmem:s6], [sflag:$0x2] =	stream.strided.gather [hbm4b:s23+s15], $0x800, s14, s15, $0x38;
	[tilespmem:$0x10700] =	vst v63  }
0x7e: {  	s24 =	spop (v2sf);
	(v2sf) =	vpush v17, $0xE  }
0x7f: {  	s25 =	spop (v2sf);
	(v2sf) =	vpush v18, $0xF  }
0x80: {  	s23 =	sand.u32 $0xFFFFF80, s24  }
0x81: {  	s23 =	sadd.s32 s1, s23;
	s26 =	spop (v2sf)  }
0x82: {  	(v2sf) =	vpush v17, $0xF;
	[tilespmem:s7], [sflag:$0x2] =	stream.strided.gather [hbm4b:s23+s15], $0x800, s14, s15, $0x38;
	[tilespmem:$0x10700] =	vst v63  }
0x83: {  	s23 =	sand.u32 $0xFFFFF80, s25  }
0x84: {  	s23 =	sadd.s32 s1, s23  }
0x85: {  	[tilespmem:s8], [sflag:$0x2] =	stream.strided.gather [hbm4b:s23+s15], $0x800, s14, s15, $0x38;
	[tilespmem:$0x10700] =	vst v63  }
0x86: {  	s28 =	spop (v2sf);
	s23 =	sand.u32 $0xFFFFF80, s26  }
0x87: {  	s24 =	sand.u32 $0xFFFFF80, s28;
	s25 =	spop (v2sf);
	s23 =	sadd.s32 s1, s23  }
0x88: {  	[tilespmem:s9], [sflag:$0x2] =	stream.strided.gather [hbm4b:s23+s15], $0x800, s14, s15, $0x38;
	[tilespmem:$0x10700] =	vst v63  }
0x89: {  	s26 =	sand.u32 $0xFFFFF80, s25;
	s23 =	sadd.s32 s1, s24  }
0x8a: {  	[tilespmem:s3], [sflag:$0x2] =	stream.strided.gather [hbm4b:s23+s15], $0x800, s14, s15, $0x38;
	[tilespmem:$0x10700] =	vst v63  }
0x8b: {  	s23 =	sadd.s32 s1, s26  }
0x8c: {  	[tilespmem:s10], [sflag:$0x2] =	stream.strided.gather [hbm4b:s23+s15], $0x800, s14, s15, $0x38;
	[tilespmem:$0x10700] =	vst v63  }
0x8d: {  	s28 =	spop (v2sf)  }
0x8e: {  	s24 =	sand.u32 $0xFFFFF80, s28;
	s25 =	spop (v2sf)  }
0x8f: {  	s23 =	sadd.s32 s1, s24;
	s26 =	sand.u32 $0xFFFFF80, s25  }
0x90: {  	[tilespmem:s17], [sflag:$0x2] =	stream.strided.gather [hbm4b:s23+s15], $0x800, s14, s15, $0x38;
	[tilespmem:$0x10700] =	vst v63  }
0x91: {  	s28 =	spop (v2sf);
	s23 =	sadd.s32 s1, s26  }
0x92: {  	[tilespmem:s18], [sflag:$0x2] =	stream.strided.gather [hbm4b:s23+s15], $0x800, s14, s15, $0x38;
	[tilespmem:$0x10700] =	vst v63  }
0x93: {  	s23 =	sand.u32 $0xFFFFF80, s28  }
0x94: {  	s23 =	sadd.s32 s1, s23  }
0x95: {  	[tilespmem:s19], [sflag:$0x2] =	stream.strided.gather [hbm4b:s23+s15], $0x800, s14, s15, $0x38;
	[tilespmem:$0x10700] =	vst v63  }
0x96: {  	s24 =	simm.s32 $0x210;
	s25 =	simm.s32 $0x10;
	s23 =	simm.s32 $0xF  }
.LBB2_2:
0x97: {  	v17 =	vld [tilespmem:s25+$0xFFFFFFF0]  }
0x98: {  	v18 =	vld [tilespmem:s24+$0xFFFFFFF0];
	_ =	swait.ge [sflag:s20], $0x800  }
0x99: {  	[sflag:s20] =	ssyncset.done $0x0  }
0x9a: {  	[sflag:s20] =	ssyncadd.s32 $0xFFFFF800  }
0x9b: {  	_ =	swait.ge [sflag:s20], $0x800  }
0x9c: {  	[sflag:s20] =	ssyncset.done $0x0  }
0x9d: {  	[sflag:s20] =	ssyncadd.s32 $0xFFFFF800  }
0x9e: {  	_ =	swait.ge [sflag:s20], $0x800  }
0x9f: {  	[sflag:s20] =	ssyncset.done $0x0  }
0xa0: {  	[sflag:s20] =	ssyncadd.s32 $0xFFFFF800  }
0xa1: {  	_ =	swait.ge [sflag:s20], $0x800  }
0xa2: {  	[sflag:s20] =	ssyncset.done $0x0  }
0xa3: {  	[sflag:s20] =	ssyncadd.s32 $0xFFFFF800  }
0xa4: {  	_ =	swait.ge [sflag:s20], $0x800  }
0xa5: {  	[sflag:s20] =	ssyncset.done $0x0  }
0xa6: {  	[sflag:s20] =	ssyncadd.s32 $0xFFFFF800  }
0xa7: {  	_ =	swait.ge [sflag:s20], $0x800  }
0xa8: {  	[sflag:s20] =	ssyncset.done $0x0  }
0xa9: {  	[sflag:s20] =	ssyncadd.s32 $0xFFFFF800  }
0xaa: {  	_ =	swait.ge [sflag:s20], $0x800  }
0xab: {  	[sflag:s20] =	ssyncset.done $0x0  }
0xac: {  	[sflag:s20] =	ssyncadd.s32 $0xFFFFF800  }
0xad: {  	_ =	swait.ge [sflag:s20], $0x800  }
0xae: {  	[sflag:s20] =	ssyncset.done $0x0  }
0xaf: {  	[sflag:s20] =	ssyncadd.s32 $0xFFFFF800  }
0xb0: {  	_ =	swait.ge [sflag:s20], $0x800  }
0xb1: {  	[sflag:s20] =	ssyncset.done $0x0  }
0xb2: {  	[sflag:s20] =	ssyncadd.s32 $0xFFFFF800  }
0xb3: {  	_ =	swait.ge [sflag:s20], $0x800  }
0xb4: {  	[sflag:s20] =	ssyncset.done $0x0  }
0xb5: {  	[sflag:s20] =	ssyncadd.s32 $0xFFFFF800  }
0xb6: {  	_ =	swait.ge [sflag:s20], $0x800  }
0xb7: {  	[sflag:s20] =	ssyncset.done $0x0  }
0xb8: {  	[sflag:s20] =	ssyncadd.s32 $0xFFFFF800  }
0xb9: {  	_ =	swait.ge [sflag:s20], $0x800  }
0xba: {  	[sflag:s20] =	ssyncset.done $0x0  }
0xbb: {  	[sflag:s20] =	ssyncadd.s32 $0xFFFFF800  }
0xbc: {  	_ =	swait.ge [sflag:s20], $0x800  }
0xbd: {  	[sflag:s20] =	ssyncset.done $0x0  }
0xbe: {  	[sflag:s20] =	ssyncadd.s32 $0xFFFFF800  }
0xbf: {  	v17 =	vand.u32 $0x7F, v17;
	_ =	swait.ge [sflag:s20], $0x800  }
0xc0: {  	v18 =	vadd.s32 $0x60, v18;
	v17 =	vxor.u32 $0x40, v17;
	[sflag:s20] =	ssyncset.done $0x0  }
0xc1: {  	v18 =	vand.u32 $0x7F, v18;
	v19 =	vbroadcast v17, $0x0;
	[sflag:s20] =	ssyncadd.s32 $0xFFFFF800  }
0xc2: {  	v20 =	vbroadcast v18, $0x0;
	_ =	swait.ge [sflag:s20], $0x800  }
0xc3: {  	v19 =	vor.u32 v0, v19;
	[sflag:s20] =	ssyncset.done $0x0  }
0xc4: {  	v20 =	vor.u32 v0, v20;
	[sflag:s20] =	ssyncadd.s32 $0xFFFFF800  }
0xc5: {  	_ =	swait.ge [sflag:s20], $0x800  }
0xc6: {  	[sflag:s20] =	ssyncset.done $0x0  }
0xc7: {  	[sflag:s20] =	ssyncadd.s32 $0xFFFFF800  }
0xc8: {  	v19 =	vld.idx.msk [tilespmem:v19+s15+$0x0], $0xffff  }
0xc9: {  	v20 =	vld.idx.msk [tilespmem:v20+s16+$0x0], $0xffff;
	_ =	sdelay $0x4  }
0xca: {  	v19 =	vmul.f32 v20, v19;
	_ =	sdelay $0x1  }
0xcb: {  	v19 =	vmul.f32 v19, v16;
	_ =	sdelay $0x1  }
0xcc: {  	(xrf2) =	vadd.scan.msk.f32 $0xffff, v19;
	_ =	sdelay $0x1  }
0xcd: {  	s26 =	sadd.s32 $0xFFFFFFF1, s23  }
0xce: {  	v19 =	vmov s26  }
0xcf: {  	v19 =	vand.u32 $0xFFFFFFF0, v19  }
0xd0: {  	v20 =	vbroadcast v17, $0x1;
	v19 =	vbroadcast v19, $0x0  }
0xd1: {  	v21 =	vbroadcast v18, $0x1  }
0xd2: {  	v20 =	vor.u32 v1, v20  }
0xd3: {  	v21 =	vor.u32 v1, v21;
	_ =	sdelay $0x1  }
0xd4: {  	v22, _, _ =	vpop (xrf2)  }
0xd5: {  	[tilespmem:v19+s21+$0x0] =	vst.idx.msk vm0, v22  }
0xd6: {  	v19 =	vld.idx.msk [tilespmem:v20+s15+$0x0], $0xffff  }
0xd7: {  	v20 =	vld.idx.msk [tilespmem:v21+s16+$0x0], $0xffff;
	_ =	sdelay $0x4  }
0xd8: {  	v19 =	vmul.f32 v20, v19;
	_ =	sdelay $0x1  }
0xd9: {  	v19 =	vmul.f32 v19, v16;
	_ =	sdelay $0x1  }
0xda: {  	(xrf2) =	vadd.scan.msk.f32 $0xffff, v19;
	_ =	sdelay $0x1  }
0xdb: {  	s28 =	sadd.s32 $0xFFFFFFF2, s23  }
0xdc: {  	v19 =	vmov s28  }
0xdd: {  	v19 =	vand.u32 $0xFFFFFFF1, v19  }
0xde: {  	v20 =	vbroadcast v17, $0x2;
	v19 =	vbroadcast v19, $0x0  }
0xdf: {  	v52 =	vbroadcast v18, $0x2  }
0xe0: {  	v20 =	vor.u32 v2, v20  }
0xe1: {  	v21 =	vor.u32 v2, v52;
	_ =	sdelay $0x1  }
0xe2: {  	v53, _, _ =	vpop (xrf2)  }
0xe3: {  	[tilespmem:v19+s21+$0x0] =	vst.idx.msk vm0, v53  }
0xe4: {  	v19 =	vld.idx.msk [tilespmem:v20+s15+$0x0], $0xffff  }
0xe5: {  	v20 =	vld.idx.msk [tilespmem:v21+s16+$0x0], $0xffff;
	_ =	sdelay $0x4  }
0xe6: {  	v19 =	vmul.f32 v20, v19;
	_ =	sdelay $0x1  }
0xe7: {  	v19 =	vmul.f32 v19, v16;
	_ =	sdelay $0x1  }
0xe8: {  	(xrf2) =	vadd.scan.msk.f32 $0xffff, v19;
	_ =	sdelay $0x1  }
0xe9: {  	s28 =	sadd.s32 $0xFFFFFFF3, s23  }
0xea: {  	v19 =	vmov s28  }
0xeb: {  	v19 =	vand.u32 $0xFFFFFFF2, v19  }
0xec: {  	v20 =	vbroadcast v17, $0x3;
	v19 =	vbroadcast v19, $0x0  }
0xed: {  	v54 =	vbroadcast v18, $0x3  }
0xee: {  	v20 =	vor.u32 v3, v20  }
0xef: {  	v21 =	vor.u32 v3, v54;
	_ =	sdelay $0x1  }
0xf0: {  	v55, _, _ =	vpop (xrf2)  }
0xf1: {  	[tilespmem:v19+s21+$0x0] =	vst.idx.msk vm0, v55  }
0xf2: {  	v19 =	vld.idx.msk [tilespmem:v20+s15+$0x0], $0xffff  }
0xf3: {  	v20 =	vld.idx.msk [tilespmem:v21+s16+$0x0], $0xffff;
	_ =	sdelay $0x4  }
0xf4: {  	v19 =	vmul.f32 v20, v19;
	_ =	sdelay $0x1  }
0xf5: {  	v19 =	vmul.f32 v19, v16;
	_ =	sdelay $0x1  }
0xf6: {  	(xrf2) =	vadd.scan.msk.f32 $0xffff, v19;
	_ =	sdelay $0x1  }
0xf7: {  	s28 =	sadd.s32 $0xFFFFFFF4, s23  }
0xf8: {  	v19 =	vmov s28  }
0xf9: {  	v19 =	vand.u32 $0xFFFFFFF3, v19  }
0xfa: {  	v20 =	vbroadcast v17, $0x4;
	v19 =	vbroadcast v19, $0x0  }
0xfb: {  	v56 =	vbroadcast v18, $0x4  }
0xfc: {  	v20 =	vor.u32 v4, v20  }
0xfd: {  	v21 =	vor.u32 v4, v56;
	_ =	sdelay $0x1  }
0xfe: {  	v57, _, _ =	vpop (xrf2)  }
0xff: {  	[tilespmem:v19+s21+$0x0] =	vst.idx.msk vm0, v57  }
0x100: {  	v19 =	vld.idx.msk [tilespmem:v20+s15+$0x0], $0xffff  }
0x101: {  	v20 =	vld.idx.msk [tilespmem:v21+s16+$0x0], $0xffff;
	_ =	sdelay $0x4  }
0x102: {  	v19 =	vmul.f32 v20, v19;
	_ =	sdelay $0x1  }
0x103: {  	v19 =	vmul.f32 v19, v16;
	_ =	sdelay $0x1  }
0x104: {  	(xrf2) =	vadd.scan.msk.f32 $0xffff, v19;
	_ =	sdelay $0x1  }
0x105: {  	s28 =	sadd.s32 $0xFFFFFFF5, s23  }
0x106: {  	v19 =	vmov s28  }
0x107: {  	v19 =	vand.u32 $0xFFFFFFF4, v19  }
0x108: {  	v20 =	vbroadcast v17, $0x5;
	v19 =	vbroadcast v19, $0x0  }
0x109: {  	v58 =	vbroadcast v18, $0x5  }
0x10a: {  	v20 =	vor.u32 v5, v20  }
0x10b: {  	v21 =	vor.u32 v5, v58;
	_ =	sdelay $0x1  }
0x10c: {  	v59, _, _ =	vpop (xrf2)  }
0x10d: {  	[tilespmem:v19+s21+$0x0] =	vst.idx.msk vm0, v59  }
0x10e: {  	v19 =	vld.idx.msk [tilespmem:v20+s15+$0x0], $0xffff  }
0x10f: {  	v20 =	vld.idx.msk [tilespmem:v21+s16+$0x0], $0xffff;
	_ =	sdelay $0x4  }
0x110: {  	v19 =	vmul.f32 v20, v19;
	_ =	sdelay $0x1  }
0x111: {  	v19 =	vmul.f32 v19, v16;
	_ =	sdelay $0x1  }
0x112: {  	(xrf2) =	vadd.scan.msk.f32 $0xffff, v19;
	_ =	sdelay $0x1  }
0x113: {  	s28 =	sadd.s32 $0xFFFFFFF6, s23  }
0x114: {  	v19 =	vmov s28  }
0x115: {  	v19 =	vand.u32 $0xFFFFFFF5, v19  }
0x116: {  	v20 =	vbroadcast v17, $0x6;
	v19 =	vbroadcast v19, $0x0  }
0x117: {  	v60 =	vbroadcast v18, $0x6  }
0x118: {  	v20 =	vor.u32 v6, v20  }
0x119: {  	v21 =	vor.u32 v6, v60;
	_ =	sdelay $0x1  }
0x11a: {  	v61, _, _ =	vpop (xrf2)  }
0x11b: {  	[tilespmem:v19+s21+$0x0] =	vst.idx.msk vm0, v61  }
0x11c: {  	v19 =	vld.idx.msk [tilespmem:v20+s15+$0x0], $0xffff  }
0x11d: {  	v20 =	vld.idx.msk [tilespmem:v21+s16+$0x0], $0xffff;
	_ =	sdelay $0x4  }
0x11e: {  	v19 =	vmul.f32 v20, v19;
	_ =	sdelay $0x1  }
0x11f: {  	v19 =	vmul.f32 v19, v16;
	_ =	sdelay $0x1  }
0x120: {  	(xrf2) =	vadd.scan.msk.f32 $0xffff, v19;
	_ =	sdelay $0x1  }
0x121: {  	s28 =	sadd.s32 $0xFFFFFFF7, s23  }
0x122: {  	v19 =	vmov s28  }
0x123: {  	v19 =	vand.u32 $0xFFFFFFF6, v19  }
0x124: {  	v20 =	vbroadcast v17, $0x7;
	v19 =	vbroadcast v19, $0x0  }
0x125: {  	v62 =	vbroadcast v18, $0x7  }
0x126: {  	v20 =	vor.u32 v7, v20  }
0x127: {  	v21 =	vor.u32 v7, v62;
	_ =	sdelay $0x1  }
0x128: {  	v63, _, _ =	vpop (xrf2)  }
0x129: {  	[tilespmem:v19+s21+$0x0] =	vst.idx.msk vm0, v63  }
0x12a: {  	v19 =	vld.idx.msk [tilespmem:v20+s15+$0x0], $0xffff  }
0x12b: {  	v20 =	vld.idx.msk [tilespmem:v21+s16+$0x0], $0xffff;
	_ =	sdelay $0x4  }
0x12c: {  	v19 =	vmul.f32 v20, v19;
	_ =	sdelay $0x1  }
0x12d: {  	v19 =	vmul.f32 v19, v16;
	_ =	sdelay $0x1  }
0x12e: {  	(xrf2) =	vadd.scan.msk.f32 $0xffff, v19;
	_ =	sdelay $0x1  }
0x12f: {  	s28 =	sadd.s32 $0xFFFFFFF8, s23  }
0x130: {  	v19 =	vmov s28  }
0x131: {  	v19 =	vand.u32 $0xFFFFFFF7, v19  }
0x132: {  	v19 =	vbroadcast v19, $0x0  }
0x133: {  	p0 =	seq.s32 s23, $0x1FF  }
.Ltmp0:
0x134: {  	_ = 	snop;
	(pc) =	sbr.rel @p0 .LBB2_4-.Ltmp0, $3  }
0x135: {  	_ =	sdelay $0x1  }
0x136: {  	v20, _, _ =	vpop (xrf2)  }
0x137: {  	[tilespmem:v19+s21+$0x0] =	vst.idx.msk vm0, v20  }
0x138: {  	v19 =	vld [tilespmem:s25+$0x0];
	_ =	sdelay $0x2  }
0x139: {  	v20 =	vld [tilespmem:s24+$0x0];
	_ =	sdelay $0x1  }
0x13a: {  	v19 =	vadd.s32 $0xF4240, v19  }
0x13b: {  	(v2sf) =	vpush v19, $0x0;
	_ =	sdelay $0x1  }
0x13c: {  	v20 =	vadd.s32 $0x10C8E0, v20  }
0x13d: {  	(v2sf) =	vpush v20, $0x0;
	_ =	sdelay $0x2  }
0x13e: {  	(v2sf) =	vpush v19, $0x1;
	_ =	sdelay $0x4  }
0x13f: {  	(v2sf) =	vpush v20, $0x1;
	_ =	sdelay $0x3  }
0x140: {  	s26 =	spop (v2sf);
	(v2sf) =	vpush v19, $0x2;
	_ =	sdelay $0x1  }
0x141: {  	s26 =	sand.u32 $0xFFFFF80, s26  }
0x142: {  	s28 =	spop (v2sf);
	s26 =	sadd.s32 s1, s26  }
0x143: {  	(v2sf) =	vpush v20, $0x2;
	[tilespmem:s15], [sflag:$0x1] =	stream.strided.gather [hbm4b:s26+s15], $0x800, s14, s15, $0x38;
	[tilespmem:$0x10700] =	vst v63  }
0x144: {  	s26 =	sand.u32 $0xFFFFF80, s28  }
0x145: {  	s28 =	spop (v2sf);
	s26 =	sadd.s32 s1, s26  }
0x146: {  	[tilespmem:s16], [sflag:$0x1] =	stream.strided.gather [hbm4b:s26+s15], $0x800, s14, s15, $0x38;
	[tilespmem:$0x10700] =	vst v63  }
0x147: {  	(v2sf) =	vpush v19, $0x3;
	s26 =	sand.u32 $0xFFFFF80, s28  }
0x148: {  	s28 =	simm.s32 $0xC00;
	s26 =	sadd.s32 s1, s26  }
0x149: {  	[tilespmem:s28], [sflag:$0x1] =	stream.strided.gather [hbm4b:s26+s15], $0x800, s14, s15, $0x38;
	[tilespmem:$0x10700] =	vst v63  }
0x14a: {  	s28 =	spop (v2sf)  }
0x14b: {  	(v2sf) =	vpush v20, $0x3;
	s26 =	sand.u32 $0xFFFFF80, s28  }
0x14c: {  	s28 =	simm.s32 $0x8C00;
	s26 =	sadd.s32 s1, s26  }
0x14d: {  	[tilespmem:s28], [sflag:$0x1] =	stream.strided.gather [hbm4b:s26+s15], $0x800, s14, s15, $0x38;
	[tilespmem:$0x10700] =	vst v63  }
0x14e: {  	s28 =	spop (v2sf)  }
0x14f: {  	(v2sf) =	vpush v19, $0x4;
	s26 =	sand.u32 $0xFFFFF80, s28  }
0x150: {  	s28 =	simm.s32 $0x1400;
	s26 =	sadd.s32 s1, s26  }
0x151: {  	[tilespmem:s28], [sflag:$0x1] =	stream.strided.gather [hbm4b:s26+s15], $0x800, s14, s15, $0x38;
	[tilespmem:$0x10700] =	vst v63  }
0x152: {  	s28 =	spop (v2sf)  }
0x153: {  	(v2sf) =	vpush v20, $0x4;
	s26 =	sand.u32 $0xFFFFF80, s28  }
0x154: {  	s28 =	simm.s32 $0x9400;
	s26 =	sadd.s32 s1, s26  }
0x155: {  	[tilespmem:s28], [sflag:$0x1] =	stream.strided.gather [hbm4b:s26+s15], $0x800, s14, s15, $0x38;
	[tilespmem:$0x10700] =	vst v63  }
0x156: {  	s28 =	spop (v2sf)  }
0x157: {  	(v2sf) =	vpush v19, $0x5;
	s26 =	sand.u32 $0xFFFFF80, s28  }
0x158: {  	s28 =	simm.s32 $0x1C00;
	s26 =	sadd.s32 s1, s26  }
0x159: {  	[tilespmem:s28], [sflag:$0x1] =	stream.strided.gather [hbm4b:s26+s15], $0x800, s14, s15, $0x38;
	[tilespmem:$0x10700] =	vst v63  }
0x15a: {  	s28 =	spop (v2sf)  }
0x15b: {  	(v2sf) =	vpush v20, $0x5;
	s26 =	sand.u32 $0xFFFFF80, s28  }
0x15c: {  	s28 =	simm.s32 $0x9C00;
	s26 =	sadd.s32 s1, s26  }
0x15d: {  	[tilespmem:s28], [sflag:$0x1] =	stream.strided.gather [hbm4b:s26+s15], $0x800, s14, s15, $0x38;
	[tilespmem:$0x10700] =	vst v63  }
0x15e: {  	s28 =	spop (v2sf)  }
0x15f: {  	(v2sf) =	vpush v19, $0x6;
	s26 =	sand.u32 $0xFFFFF80, s28  }
0x160: {  	s28 =	simm.s32 $0x2400;
	s26 =	sadd.s32 s1, s26  }
0x161: {  	[tilespmem:s28], [sflag:$0x1] =	stream.strided.gather [hbm4b:s26+s15], $0x800, s14, s15, $0x38;
	[tilespmem:$0x10700] =	vst v63  }
0x162: {  	s28 =	spop (v2sf)  }
0x163: {  	(v2sf) =	vpush v20, $0x6;
	s26 =	sand.u32 $0xFFFFF80, s28  }
0x164: {  	s28 =	simm.s32 $0xA400;
	s26 =	sadd.s32 s1, s26  }
0x165: {  	[tilespmem:s28], [sflag:$0x1] =	stream.strided.gather [hbm4b:s26+s15], $0x800, s14, s15, $0x38;
	[tilespmem:$0x10700] =	vst v63  }
0x166: {  	s28 =	spop (v2sf)  }
0x167: {  	(v2sf) =	vpush v19, $0x7;
	s26 =	sand.u32 $0xFFFFF80, s28  }
0x168: {  	s28 =	simm.s32 $0x2C00;
	s26 =	sadd.s32 s1, s26  }
0x169: {  	[tilespmem:s28], [sflag:$0x1] =	stream.strided.gather [hbm4b:s26+s15], $0x800, s14, s15, $0x38;
	[tilespmem:$0x10700] =	vst v63  }
0x16a: {  	s28 =	spop (v2sf)  }
0x16b: {  	(v2sf) =	vpush v20, $0x7;
	s26 =	sand.u32 $0xFFFFF80, s28  }
0x16c: {  	s28 =	simm.s32 $0xAC00;
	s26 =	sadd.s32 s1, s26  }
0x16d: {  	[tilespmem:s28], [sflag:$0x1] =	stream.strided.gather [hbm4b:s26+s15], $0x800, s14, s15, $0x38;
	[tilespmem:$0x10700] =	vst v63  }
0x16e: {  	s28 =	spop (v2sf)  }
0x16f: {  	s26 =	sand.u32 $0xFFFFF80, s28  }
0x170: {  	s28 =	simm.s32 $0x3400;
	s26 =	sadd.s32 s1, s26  }
0x171: {  	[tilespmem:s28], [sflag:$0x1] =	stream.strided.gather [hbm4b:s26+s15], $0x800, s14, s15, $0x38;
	[tilespmem:$0x10700] =	vst v63  }
0x172: {  	s28 =	spop (v2sf)  }
0x173: {  	s26 =	sand.u32 $0xFFFFF80, s28  }
0x174: {  	s26 =	sadd.s32 s1, s26  }
0x175: {  	[tilespmem:s29], [sflag:$0x1] =	stream.strided.gather [hbm4b:s26+s15], $0x800, s14, s15, $0x38;
	[tilespmem:$0x10700] =	vst v63  }
0x176: {  	s28 =	spop (v2sf)  }
0x177: {  	s26 =	sand.u32 $0xFFFFF80, s28  }
0x178: {  	s26 =	sadd.s32 s1, s26  }
0x179: {  	[tilespmem:s30], [sflag:$0x1] =	stream.strided.gather [hbm4b:s26+s15], $0x800, s14, s15, $0x38;
	[tilespmem:$0x10700] =	vst v63  }
0x17a: {  	s28 =	spop (v2sf)  }
0x17b: {  	s26 =	sand.u32 $0xFFFFF80, s28  }
0x17c: {  	s26 =	sadd.s32 s1, s26  }
0x17d: {  	[tilespmem:s31], [sflag:$0x1] =	stream.strided.gather [hbm4b:s26+s15], $0x800, s14, s15, $0x38;
	[tilespmem:$0x10700] =	vst v63  }
.LBB2_4:
0x17e: {  	_ =	swait.ge [sflag:s22], $0x800  }
0x17f: {  	[sflag:s22] =	ssyncset.done $0x0  }
0x180: {  	[sflag:s22] =	ssyncadd.s32 $0xFFFFF800  }
0x181: {  	_ =	swait.ge [sflag:s22], $0x800  }
0x182: {  	[sflag:s22] =	ssyncset.done $0x0  }
0x183: {  	[sflag:s22] =	ssyncadd.s32 $0xFFFFF800  }
0x184: {  	_ =	swait.ge [sflag:s22], $0x800  }
0x185: {  	[sflag:s22] =	ssyncset.done $0x0  }
0x186: {  	[sflag:s22] =	ssyncadd.s32 $0xFFFFF800  }
0x187: {  	_ =	swait.ge [sflag:s22], $0x800  }
0x188: {  	[sflag:s22] =	ssyncset.done $0x0  }
0x189: {  	[sflag:s22] =	ssyncadd.s32 $0xFFFFF800  }
0x18a: {  	_ =	swait.ge [sflag:s22], $0x800  }
0x18b: {  	[sflag:s22] =	ssyncset.done $0x0  }
0x18c: {  	[sflag:s22] =	ssyncadd.s32 $0xFFFFF800  }
0x18d: {  	_ =	swait.ge [sflag:s22], $0x800  }
0x18e: {  	[sflag:s22] =	ssyncset.done $0x0  }
0x18f: {  	[sflag:s22] =	ssyncadd.s32 $0xFFFFF800  }
0x190: {  	_ =	swait.ge [sflag:s22], $0x800  }
0x191: {  	[sflag:s22] =	ssyncset.done $0x0  }
0x192: {  	[sflag:s22] =	ssyncadd.s32 $0xFFFFF800  }
0x193: {  	_ =	swait.ge [sflag:s22], $0x800  }
0x194: {  	[sflag:s22] =	ssyncset.done $0x0  }
0x195: {  	[sflag:s22] =	ssyncadd.s32 $0xFFFFF800  }
0x196: {  	_ =	swait.ge [sflag:s22], $0x800  }
0x197: {  	[sflag:s22] =	ssyncset.done $0x0  }
0x198: {  	[sflag:s22] =	ssyncadd.s32 $0xFFFFF800  }
0x199: {  	_ =	swait.ge [sflag:s22], $0x800  }
0x19a: {  	[sflag:s22] =	ssyncset.done $0x0  }
0x19b: {  	[sflag:s22] =	ssyncadd.s32 $0xFFFFF800  }
0x19c: {  	_ =	swait.ge [sflag:s22], $0x800  }
0x19d: {  	[sflag:s22] =	ssyncset.done $0x0  }
0x19e: {  	[sflag:s22] =	ssyncadd.s32 $0xFFFFF800  }
0x19f: {  	_ =	swait.ge [sflag:s22], $0x800  }
0x1a0: {  	[sflag:s22] =	ssyncset.done $0x0  }
0x1a1: {  	[sflag:s22] =	ssyncadd.s32 $0xFFFFF800  }
0x1a2: {  	_ =	swait.ge [sflag:s22], $0x800  }
0x1a3: {  	[sflag:s22] =	ssyncset.done $0x0  }
0x1a4: {  	[sflag:s22] =	ssyncadd.s32 $0xFFFFF800  }
0x1a5: {  	_ =	swait.ge [sflag:s22], $0x800  }
0x1a6: {  	[sflag:s22] =	ssyncset.done $0x0  }
0x1a7: {  	v19 =	vbroadcast v17, $0x8;
	[sflag:s22] =	ssyncadd.s32 $0xFFFFF800  }
0x1a8: {  	v20 =	vbroadcast v18, $0x8;
	_ =	swait.ge [sflag:s22], $0x800  }
0x1a9: {  	v19 =	vor.u32 v8, v19;
	[sflag:s22] =	ssyncset.done $0x0  }
0x1aa: {  	v20 =	vor.u32 v8, v20;
	[sflag:s22] =	ssyncadd.s32 $0xFFFFF800  }
0x1ab: {  	_ =	swait.ge [sflag:s22], $0x800  }
0x1ac: {  	[sflag:s22] =	ssyncset.done $0x0  }
0x1ad: {  	[sflag:s22] =	ssyncadd.s32 $0xFFFFF800  }
0x1ae: {  	v19 =	vld.idx.msk [tilespmem:v19+s15+$0x0], $0xffff  }
0x1af: {  	v20 =	vld.idx.msk [tilespmem:v20+s16+$0x0], $0xffff;
	_ =	sdelay $0x4  }
0x1b0: {  	v19 =	vmul.f32 v20, v19;
	_ =	sdelay $0x1  }
0x1b1: {  	v19 =	vmul.f32 v19, v16;
	_ =	sdelay $0x1  }
0x1b2: {  	(xrf2) =	vadd.scan.msk.f32 $0xffff, v19;
	_ =	sdelay $0x1  }
0x1b3: {  	s26 =	sadd.s32 $0xFFFFFFF9, s23  }
0x1b4: {  	v19 =	vmov s26  }
0x1b5: {  	v19 =	vand.u32 $0xFFFFFFF8, v19  }
0x1b6: {  	v41 =	vbroadcast v17, $0x9;
	v19 =	vbroadcast v19, $0x0  }
0x1b7: {  	v21 =	vbroadcast v18, $0x9  }
0x1b8: {  	v20 =	vor.u32 v9, v41  }
0x1b9: {  	v21 =	vor.u32 v9, v21;
	_ =	sdelay $0x1  }
0x1ba: {  	v22, _, _ =	vpop (xrf2)  }
0x1bb: {  	[tilespmem:v19+s21+$0x0] =	vst.idx.msk vm0, v22  }
0x1bc: {  	v19 =	vld.idx.msk [tilespmem:v20+s15+$0x0], $0xffff  }
0x1bd: {  	v42 =	vld.idx.msk [tilespmem:v21+s16+$0x0], $0xffff;
	_ =	sdelay $0x4  }
0x1be: {  	v19 =	vmul.f32 v42, v19;
	_ =	sdelay $0x1  }
0x1bf: {  	v19 =	vmul.f32 v19, v16;
	_ =	sdelay $0x1  }
0x1c0: {  	(xrf2) =	vadd.scan.msk.f32 $0xffff, v19;
	_ =	sdelay $0x1  }
0x1c1: {  	s28 =	sadd.s32 $0xFFFFFFFA, s23  }
0x1c2: {  	v19 =	vmov s28  }
0x1c3: {  	v19 =	vand.u32 $0xFFFFFFF9, v19  }
0x1c4: {  	v43 =	vbroadcast v17, $0xA;
	v19 =	vbroadcast v19, $0x0  }
0x1c5: {  	v44 =	vbroadcast v18, $0xA  }
0x1c6: {  	v20 =	vor.u32 v10, v43  }
0x1c7: {  	v21 =	vor.u32 v10, v44;
	_ =	sdelay $0x1  }
0x1c8: {  	v45, _, _ =	vpop (xrf2)  }
0x1c9: {  	[tilespmem:v19+s21+$0x0] =	vst.idx.msk vm0, v45  }
0x1ca: {  	v19 =	vld.idx.msk [tilespmem:v20+s15+$0x0], $0xffff  }
0x1cb: {  	v46 =	vld.idx.msk [tilespmem:v21+s16+$0x0], $0xffff;
	_ =	sdelay $0x4  }
0x1cc: {  	v19 =	vmul.f32 v46, v19;
	_ =	sdelay $0x1  }
0x1cd: {  	v19 =	vmul.f32 v19, v16;
	_ =	sdelay $0x1  }
0x1ce: {  	(xrf2) =	vadd.scan.msk.f32 $0xffff, v19;
	_ =	sdelay $0x1  }
0x1cf: {  	s28 =	sadd.s32 $0xFFFFFFFB, s23  }
0x1d0: {  	v19 =	vmov s28  }
0x1d1: {  	v19 =	vand.u32 $0xFFFFFFFA, v19  }
0x1d2: {  	v47 =	vbroadcast v17, $0xB;
	v19 =	vbroadcast v19, $0x0  }
0x1d3: {  	v48 =	vbroadcast v18, $0xB  }
0x1d4: {  	v20 =	vor.u32 v11, v47  }
0x1d5: {  	v21 =	vor.u32 v11, v48;
	_ =	sdelay $0x1  }
0x1d6: {  	v49, _, _ =	vpop (xrf2)  }
0x1d7: {  	[tilespmem:v19+s21+$0x0] =	vst.idx.msk vm0, v49  }
0x1d8: {  	v19 =	vld.idx.msk [tilespmem:v20+s15+$0x0], $0xffff  }
0x1d9: {  	v50 =	vld.idx.msk [tilespmem:v21+s16+$0x0], $0xffff;
	_ =	sdelay $0x4  }
0x1da: {  	v19 =	vmul.f32 v50, v19;
	_ =	sdelay $0x1  }
0x1db: {  	v19 =	vmul.f32 v19, v16;
	_ =	sdelay $0x1  }
0x1dc: {  	(xrf2) =	vadd.scan.msk.f32 $0xffff, v19;
	_ =	sdelay $0x1  }
0x1dd: {  	s28 =	sadd.s32 $0xFFFFFFFC, s23  }
0x1de: {  	v19 =	vmov s28  }
0x1df: {  	v19 =	vand.u32 $0xFFFFFFFB, v19  }
0x1e0: {  	v51 =	vbroadcast v17, $0xC;
	v19 =	vbroadcast v19, $0x0  }
0x1e1: {  	v52 =	vbroadcast v18, $0xC  }
0x1e2: {  	v20 =	vor.u32 v12, v51  }
0x1e3: {  	v21 =	vor.u32 v12, v52;
	_ =	sdelay $0x1  }
0x1e4: {  	v53, _, _ =	vpop (xrf2)  }
0x1e5: {  	[tilespmem:v19+s21+$0x0] =	vst.idx.msk vm0, v53  }
0x1e6: {  	v19 =	vld.idx.msk [tilespmem:v20+s15+$0x0], $0xffff  }
0x1e7: {  	v54 =	vld.idx.msk [tilespmem:v21+s16+$0x0], $0xffff;
	_ =	sdelay $0x4  }
0x1e8: {  	v19 =	vmul.f32 v54, v19;
	_ =	sdelay $0x1  }
0x1e9: {  	v19 =	vmul.f32 v19, v16;
	_ =	sdelay $0x1  }
0x1ea: {  	(xrf2) =	vadd.scan.msk.f32 $0xffff, v19;
	_ =	sdelay $0x1  }
0x1eb: {  	s28 =	sadd.s32 $0xFFFFFFFD, s23  }
0x1ec: {  	v19 =	vmov s28  }
0x1ed: {  	v19 =	vand.u32 $0xFFFFFFFC, v19  }
0x1ee: {  	v55 =	vbroadcast v17, $0xD;
	v19 =	vbroadcast v19, $0x0  }
0x1ef: {  	v56 =	vbroadcast v18, $0xD  }
0x1f0: {  	v20 =	vor.u32 v13, v55  }
0x1f1: {  	v21 =	vor.u32 v13, v56;
	_ =	sdelay $0x1  }
0x1f2: {  	v57, _, _ =	vpop (xrf2)  }
0x1f3: {  	[tilespmem:v19+s21+$0x0] =	vst.idx.msk vm0, v57  }
0x1f4: {  	v19 =	vld.idx.msk [tilespmem:v20+s15+$0x0], $0xffff  }
0x1f5: {  	v58 =	vld.idx.msk [tilespmem:v21+s16+$0x0], $0xffff;
	_ =	sdelay $0x4  }
0x1f6: {  	v19 =	vmul.f32 v58, v19;
	_ =	sdelay $0x1  }
0x1f7: {  	v19 =	vmul.f32 v19, v16;
	_ =	sdelay $0x1  }
0x1f8: {  	(xrf2) =	vadd.scan.msk.f32 $0xffff, v19;
	_ =	sdelay $0x1  }
0x1f9: {  	s28 =	sadd.s32 $0xFFFFFFFE, s23  }
0x1fa: {  	v19 =	vmov s28  }
0x1fb: {  	v19 =	vand.u32 $0xFFFFFFFD, v19  }
0x1fc: {  	v59 =	vbroadcast v17, $0xE;
	v19 =	vbroadcast v19, $0x0  }
0x1fd: {  	v60 =	vbroadcast v18, $0xE  }
0x1fe: {  	v20 =	vor.u32 v14, v59  }
0x1ff: {  	v21 =	vor.u32 v14, v60;
	_ =	sdelay $0x1  }
0x200: {  	v61, _, _ =	vpop (xrf2)  }
0x201: {  	[tilespmem:v19+s21+$0x0] =	vst.idx.msk vm0, v61  }
0x202: {  	v19 =	vld.idx.msk [tilespmem:v20+s15+$0x0], $0xffff  }
0x203: {  	v62 =	vld.idx.msk [tilespmem:v21+s16+$0x0], $0xffff;
	_ =	sdelay $0x4  }
0x204: {  	v19 =	vmul.f32 v62, v19;
	_ =	sdelay $0x1  }
0x205: {  	v19 =	vmul.f32 v19, v16;
	_ =	sdelay $0x1  }
0x206: {  	(xrf2) =	vadd.scan.msk.f32 $0xffff, v19;
	_ =	sdelay $0x1  }
0x207: {  	s28 =	sadd.s32 $0xFFFFFFFF, s23  }
0x208: {  	v19 =	vmov s28  }
0x209: {  	v19 =	vand.u32 $0xFFFFFFFE, v19  }
0x20a: {  	v17 =	vbroadcast v17, $0xF;
	v19 =	vbroadcast v19, $0x0  }
0x20b: {  	v18 =	vbroadcast v18, $0xF  }
0x20c: {  	v17 =	vor.u32 v15, v17  }
0x20d: {  	v18 =	vor.u32 v15, v18;
	_ =	sdelay $0x1  }
0x20e: {  	v63, _, _ =	vpop (xrf2)  }
0x20f: {  	[tilespmem:v19+s21+$0x0] =	vst.idx.msk vm0, v63  }
0x210: {  	v17 =	vld.idx.msk [tilespmem:v17+s15+$0x0], $0xffff  }
0x211: {  	v18 =	vld.idx.msk [tilespmem:v18+s16+$0x0], $0xffff;
	_ =	sdelay $0x4  }
0x212: {  	v17 =	vmul.f32 v18, v17;
	_ =	sdelay $0x1  }
0x213: {  	v17 =	vmul.f32 v17, v16;
	_ =	sdelay $0x1  }
0x214: {  	(xrf2) =	vadd.scan.msk.f32 $0xffff, v17;
	_ =	sdelay $0x5  }
0x215: {  	v17 =	vmov s23  }
.Ltmp1:
0x216: {  	_ = 	snop;
	(pc) =	sbr.rel @p0 .LBB2_6-.Ltmp1, $3  }
0x217: {  	_ =	sdelay $0x1  }
0x218: {  	v18, _, _ =	vpop (xrf2)  }
0x219: {  	[tilespmem:v17+s21+$0x0] =	vst.idx.msk vm0, v18  }
0x21a: {  	v17 =	vld [tilespmem:s25+$0x0];
	_ =	sdelay $0x1  }
0x21b: {  	v18 =	vld [tilespmem:s24+$0x0];
	_ =	sdelay $0x2  }
0x21c: {  	v17 =	vadd.s32 $0xF4240, v17  }
0x21d: {  	(v2sf) =	vpush v17, $0x8  }
0x21e: {  	v18 =	vadd.s32 $0x10C8E0, v18  }
0x21f: {  	(v2sf) =	vpush v18, $0x8;
	_ =	sdelay $0x2  }
0x220: {  	(v2sf) =	vpush v17, $0x9;
	_ =	sdelay $0x2  }
0x221: {  	(v2sf) =	vpush v18, $0x9;
	_ =	sdelay $0x6  }
0x222: {  	s26 =	spop (v2sf);
	(v2sf) =	vpush v17, $0xA;
	_ =	sdelay $0x1  }
0x223: {  	s26 =	sand.u32 $0xFFFFF80, s26;
	s28 =	spop (v2sf);
	(v2sf) =	vpush v18, $0xA  }
0x224: {  	s26 =	sadd.s32 s1, s26  }
0x225: {  	[tilespmem:s0], [sflag:$0x2] =	stream.strided.gather [hbm4b:s26+s15], $0x800, s14, s15, $0x38;
	[tilespmem:$0x10700] =	vst v63  }
0x226: {  	s26 =	sand.u32 $0xFFFFF80, s28;
	s28 =	spop (v2sf);
	(v2sf) =	vpush v17, $0xB  }
0x227: {  	s26 =	sadd.s32 s1, s26  }
0x228: {  	[tilespmem:s4], [sflag:$0x2] =	stream.strided.gather [hbm4b:s26+s15], $0x800, s14, s15, $0x38;
	[tilespmem:$0x10700] =	vst v63  }
0x229: {  	s26 =	sand.u32 $0xFFFFF80, s28;
	s28 =	spop (v2sf);
	(v2sf) =	vpush v18, $0xB;
	_ =	sdelay $0x3  }
0x22a: {  	s26 =	sadd.s32 s1, s26  }
0x22b: {  	[tilespmem:s2], [sflag:$0x2] =	stream.strided.gather [hbm4b:s26+s15], $0x800, s14, s15, $0x38;
	[tilespmem:$0x10700] =	vst v63  }
0x22c: {  	s26 =	sand.u32 $0xFFFFF80, s28  }
0x22d: {  	s26 =	sadd.s32 s1, s26;
	s28 =	spop (v2sf);
	(v2sf) =	vpush v17, $0xC  }
0x22e: {  	[tilespmem:s11], [sflag:$0x2] =	stream.strided.gather [hbm4b:s26+s15], $0x800, s14, s15, $0x38;
	[tilespmem:$0x10700] =	vst v63  }
0x22f: {  	s26 =	sand.u32 $0xFFFFF80, s28;
	s28 =	spop (v2sf);
	(v2sf) =	vpush v18, $0xC  }
0x230: {  	s26 =	sadd.s32 s1, s26  }
0x231: {  	[tilespmem:s12], [sflag:$0x2] =	stream.strided.gather [hbm4b:s26+s15], $0x800, s14, s15, $0x38;
	[tilespmem:$0x10700] =	vst v63  }
0x232: {  	s26 =	sand.u32 $0xFFFFF80, s28;
	s28 =	spop (v2sf);
	(v2sf) =	vpush v17, $0xD  }
0x233: {  	s26 =	sadd.s32 s1, s26  }
0x234: {  	[tilespmem:s13], [sflag:$0x2] =	stream.strided.gather [hbm4b:s26+s15], $0x800, s14, s15, $0x38;
	[tilespmem:$0x10700] =	vst v63  }
0x235: {  	s26 =	sand.u32 $0xFFFFF80, s28;
	s28 =	spop (v2sf);
	(v2sf) =	vpush v18, $0xD;
	_ =	sdelay $0x3  }
0x236: {  	s26 =	sadd.s32 s1, s26  }
0x237: {  	[tilespmem:s5], [sflag:$0x2] =	stream.strided.gather [hbm4b:s26+s15], $0x800, s14, s15, $0x38;
	[tilespmem:$0x10700] =	vst v63  }
0x238: {  	s26 =	sand.u32 $0xFFFFF80, s28  }
0x239: {  	s26 =	sadd.s32 s1, s26;
	s28 =	spop (v2sf);
	(v2sf) =	vpush v17, $0xE  }
0x23a: {  	[tilespmem:s6], [sflag:$0x2] =	stream.strided.gather [hbm4b:s26+s15], $0x800, s14, s15, $0x38;
	[tilespmem:$0x10700] =	vst v63  }
0x23b: {  	s26 =	sand.u32 $0xFFFFF80, s28;
	s28 =	spop (v2sf);
	(v2sf) =	vpush v18, $0xE  }
0x23c: {  	s26 =	sadd.s32 s1, s26  }
0x23d: {  	[tilespmem:s7], [sflag:$0x2] =	stream.strided.gather [hbm4b:s26+s15], $0x800, s14, s15, $0x38;
	[tilespmem:$0x10700] =	vst v63  }
0x23e: {  	s26 =	sand.u32 $0xFFFFF80, s28;
	s28 =	spop (v2sf);
	(v2sf) =	vpush v17, $0xF  }
0x23f: {  	s26 =	sadd.s32 s1, s26  }
0x240: {  	[tilespmem:s8], [sflag:$0x2] =	stream.strided.gather [hbm4b:s26+s15], $0x800, s14, s15, $0x38;
	[tilespmem:$0x10700] =	vst v63  }
0x241: {  	s26 =	sand.u32 $0xFFFFF80, s28;
	s28 =	spop (v2sf);
	(v2sf) =	vpush v18, $0xF;
	_ =	sdelay $0x1  }
0x242: {  	s26 =	sadd.s32 s1, s26  }
0x243: {  	[tilespmem:s9], [sflag:$0x2] =	stream.strided.gather [hbm4b:s26+s15], $0x800, s14, s15, $0x38;
	[tilespmem:$0x10700] =	vst v63  }
0x244: {  	s26 =	sand.u32 $0xFFFFF80, s28  }
0x245: {  	s26 =	sadd.s32 s1, s26  }
0x246: {  	[tilespmem:s3], [sflag:$0x2] =	stream.strided.gather [hbm4b:s26+s15], $0x800, s14, s15, $0x38;
	[tilespmem:$0x10700] =	vst v63  }
0x247: {  	s28 =	spop (v2sf)  }
0x248: {  	s26 =	sand.u32 $0xFFFFF80, s28  }
0x249: {  	s28 =	spop (v2sf);
	s26 =	sadd.s32 s1, s26  }
0x24a: {  	[tilespmem:s10], [sflag:$0x2] =	stream.strided.gather [hbm4b:s26+s15], $0x800, s14, s15, $0x38;
	[tilespmem:$0x10700] =	vst v63  }
0x24b: {  	s26 =	sand.u32 $0xFFFFF80, s28  }
0x24c: {  	s28 =	spop (v2sf);
	s26 =	sadd.s32 s1, s26  }
0x24d: {  	[tilespmem:s17], [sflag:$0x2] =	stream.strided.gather [hbm4b:s26+s15], $0x800, s14, s15, $0x38;
	[tilespmem:$0x10700] =	vst v63  }
0x24e: {  	s26 =	sand.u32 $0xFFFFF80, s28  }
.Ltmp2:
0x24f: {  	s28 =	spop (v2sf);
	s26 =	sadd.s32 s1, s26;
	(pc) =	sbr.rel .LBB2_2-.Ltmp2, $4  }
0x250: {  	[tilespmem:s18], [sflag:$0x2] =	stream.strided.gather [hbm4b:s26+s15], $0x800, s14, s15, $0x38;
	[tilespmem:$0x10700] =	vst v63  }
0x251: {  	s23 =	sadd.s32 $0x10, s23;
	s26 =	sand.u32 $0xFFFFF80, s28  }
0x252: {  	s24 =	sadd.s32 $0x10, s24;
	s25 =	sadd.s32 $0x10, s25;
	s26 =	sadd.s32 s1, s26  }
0x253: {  	[tilespmem:s19], [sflag:$0x2] =	stream.strided.gather [hbm4b:s26+s15], $0x800, s14, s15, $0x38;
	[tilespmem:$0x10700] =	vst v63  }
.LBB2_6:
0x254: {  	v16 =	vld [tilespmem:$0x10480];
	s23 =	simm.s32 $0x0;
	s24 =	simm.s32 $0x40  }
.LBB2_7:
0x255: {  	p0 =	sne.s32 s24, $0x7C0;
	v17 =	vld [tilespmem:s23+$0x10500];
	_ =	sdelay $0x4  }
0x256: {  	v17 =	vadd.f32 v17, v16;
	_ =	sdelay $0x1  }
0x257: {  	v17 =	vsub.f32 $0.0e+00, v17;
	_ =	sdelay $0x1  }
0x258: {  	v17 =	vmul.f32 $1.442695020e+00, v17;
	_ =	sdelay $0x1  }
0x259: {  	(erf) = vpow2.f32 v17;
	_ =	sdelay $0x8  }
0x25a: {  	v17 =	vpop (erf)  }
0x25b: {  	v17 =	vadd.f32 $1.000000000e+00, v17;
	_ =	sdelay $0x1  }
0x25c: {  	(erf) = vrcp.f32 v17;
	_ =	sdelay $0x5  }
.Ltmp3:
0x25d: {  	(pc) =	sbr.rel @p0 .LBB2_7-.Ltmp3, $3  }
0x25e: {  	_ =	sdelay $0x1  }
0x25f: {  	v17 =	vpop (erf)  }
0x260: {  	[tilespmem:s23+$0x10500] =	vst v17;
	s23 =	sshra.s32 s24, $0x2;
	s24 =	sadd.s32 $0x40, s24  }
0x261: {  	v17 =	vld [tilespmem:s23+$0x10500];
	_ =	sdelay $0x4  }
0x262: {  	v16 =	vadd.f32 v17, v16;
	_ =	sdelay $0x1  }
0x263: {  	v16 =	vsub.f32 $0.0e+00, v16;
	_ =	sdelay $0x1  }
0x264: {  	v16 =	vmul.f32 $1.442695020e+00, v16;
	_ =	sdelay $0x1  }
0x265: {  	(erf) = vpow2.f32 v16;
	_ =	sdelay $0x8  }
0x266: {  	v16 =	vpop (erf)  }
0x267: {  	v16 =	vadd.f32 $1.000000000e+00, v16;
	_ =	sdelay $0x1  }
0x268: {  	(erf) = vrcp.f32 v16;
	_ =	sdelay $0x8  }
0x269: {  	v16 =	vpop (erf)  }
0x26a: {  	s24 =	simm.s32 $0x0;
	s26 =	rddreg [dreg:$0xa];
	s25 =	simm.s32 $0x3;
	[tilespmem:s23+$0x10500] =	vst v16  }
0x26b: {  	[hbm4b:s26+s24] =	stream.linear.scatter [tilespmem:s21], [sflag:$0x3], $0x200, $0x38;
	[tilespmem:$0x10700] =	vst v63  }
0x26c: {  	_ =	swait.ge [sflag:s25], $0x200  }
0x26d: {  	s26 =	rddreg [dreg:$0xc]  }
0x26e: {  	s28 =	rddreg [dreg:$0xb];
	s26 =	sadd.s32 $0x1, s26  }
0x26f: {  	p0 =	sne.s32 s26, s28  }
.Ltmp4:
0x270: {  	_ = 	snop;
	(pc) =	sbr.rel @p0 .LBB2_1-.Ltmp4, $3  }
0x271: {  	_ =	sdelay $0x1  }
0x272: {  	[sflag:s25] =	ssyncset.done $0x0  }
0x273: {  	[sflag:s25] =	ssyncadd.s32 $0xFFFFFE00  }
0x274: {  	_ =	sfence.sel $0x180000  }
0x275: {  	[bflag:$0x0] =	sbarrier.arrive $0xFFFF  }
0x276: {  	_ =	strace $0x90000047  }
0x277: {  	s0 =	stileid.u32;
	[bflag:$0x2] =	sbarrier.arrive $0xFFFF  }
0x278: {  	p0 =	sne.s32 s0, $0x0;
	s0 =	rddreg [dreg:$0x6]  }
0x279: {  	s0 =	sadd.s32 @!p0 $0x100000, s0  }
0x27a: {  	[sflag:s0] =	ssyncadd.tile.s32 @!p0 $0x1;
	_ =	shalt  }
.Lfunc_end2:
_tile_overlayer_lowered:
.L_overlay_start_2:
0x27b: {  	(tag) =	ssettag $0x2  }
0x27c: {  	s0 =	rddreg [dreg:$0x0];
	s2 =	stileid.u32  }
0x27d: {  	s1 =	rddreg [dreg:$0x1];
	p0 =	sne.s32 s2, $0x0  }
0x27e: {  	s3 =	rddreg [dreg:$0x2];
	[bflag:$0x3] =	sbarrier.arrive $0xFFFF;
	s2 =	simm.s32 @!p0 $0x1C03  }
0x27f: {  	[timem:s3], [sflag:s2] =	dma.local @!p0 [hbm:s0], s1  }
0x280: {  	s0 =	simm.s32 @!p0 $0x3  }
0x281: {  	_ =	swait.ge @!p0 [sflag:s0], s1  }
0x282: {  	s1 =	ssub.s32 @!p0 $0x0, s1;
	[sflag:s0] =	ssyncset.done @!p0 $0x0  }
0x283: {  	[sflag:s0] =	ssyncadd.s32 @!p0 s1  }
0x284: {  	[bflag:$0x3] =	sbarrier.arrive $0xFFFF  }
0x285: {  	_ =	shalt  }

</sc_bundles>
